<compile_context>
chip_gen: v7x
topology: tpu7x:2x2x1
jax: 0.10.2.dev20260603
libtpu: 0.0.44.dev20260713+nightly
codegen_flags: <defaults>
</compile_context>

<pallas_src>
import functools

import jax
import jax.numpy as jnp
from jax import lax
from jax.experimental import pallas as pl
from jax.experimental.pallas import tpu as pltpu
from jax.experimental.pallas import tpu_sc as plsc

_E = 64
_D = 4096
_L = 16
_NW = 32


def _logits_body(x_ref, w_ref, out_ref, wide_ref):
    lg = lax.dot_general(
        x_ref[...], w_ref[...],
        dimension_numbers=(((1,), (1,)), ((), ())),
        preferred_element_type=jnp.float32)
    out_ref[...] = lg
    wide_ref[...] = jnp.concatenate([lg, lg], axis=1)


def _router_logits(x, w, blk, tok_off, tc):
    off = tok_off // blk
    return pl.pallas_call(
        _logits_body,
        grid=(tc // blk,),
        in_specs=[
            pl.BlockSpec((blk, _D), lambda i: (off + i, 0)),
            pl.BlockSpec((_E, _D), lambda i: (0, 0)),
        ],
        out_specs=[
            pl.BlockSpec((blk, _E), lambda i: (i, 0)),
            pl.BlockSpec((blk, 2 * _E), lambda i: (i, 0)),
        ],
        out_shape=[
            jax.ShapeDtypeStruct((tc, _E), jnp.float32),
            jax.ShapeDtypeStruct((tc, 2 * _E), jnp.float32),
        ],
    )(x, w)


def _merge(a, b):
    m1a, i1a, m2a, i2a = a
    m1b, i1b, m2b, i2b = b
    ge = m1a >= m1b
    m1 = jnp.where(ge, m1a, m1b)
    i1 = jnp.where(ge, i1a, i1b)
    ge2a = m2a >= m1b
    ge2b = m1a >= m2b
    m2 = jnp.where(ge, jnp.where(ge2a, m2a, m1b), jnp.where(ge2b, m1a, m2b))
    i2 = jnp.where(ge, jnp.where(ge2a, i2a, i1b), jnp.where(ge2b, i1a, i2b))
    return m1, i1, m2, i2


def _make_router(t):
    tok_w = t // _NW
    mesh = plsc.VectorSubcoreMesh(core_axis_name="c", subcore_axis_name="s")

    half = tok_w // 2
    row_w = 2 * _E

    @functools.partial(
        pl.kernel,
        mesh=mesh,
        out_type=[jax.ShapeDtypeStruct((t * 2,), jnp.float32),
                  jax.ShapeDtypeStruct((t * 2,), jnp.int32)],
        scratch_types=[pltpu.VMEM((half * row_w,), jnp.float32),
                       pltpu.VMEM((half * row_w,), jnp.float32),
                       pltpu.VMEM((tok_w * 2,), jnp.float32),
                       pltpu.VMEM((tok_w * 2,), jnp.int32),
                       pltpu.SemaphoreType.DMA,
                       pltpu.SemaphoreType.DMA],
        compiler_params=pltpu.CompilerParams(needs_layout_passes=False),
    )
    def route(logits_hbm, w_hbm, i_hbm, buf0, buf1, wbuf, ibuf, sem0, sem1):
        wid = lax.axis_index("s") * 2 + lax.axis_index("c")
        base = wid * tok_w
        cp0 = pltpu.async_copy(
            logits_hbm.at[pl.ds(base * row_w, half * row_w)], buf0, sem0)
        cp1 = pltpu.async_copy(
            logits_hbm.at[pl.ds((base + half) * row_w, half * row_w)],
            buf1, sem1)
        lanes = lax.iota(jnp.int32, _L)

        def process(buf, tok_off):
            def group(g, carry):
                row = g * _L + lanes
                rowbase = row * row_w
                neg = jnp.full((_L,), -3.0e38, jnp.float32)
                zero = jnp.zeros((_L,), jnp.int32)

                def expert(j, c):
                    sh = lanes + j
                    sh = jnp.where(sh >= _L, sh - _L, sh)
                    out = []
                    for k in range(4):
                        m1, i1, m2, i2 = c[4 * k:4 * k + 4]
                        col = sh + 16 * k
                        v = plsc.load_gather(buf, [rowbase + col])
                        gt1 = v > m1
                        gt2 = v > m2
                        nm2 = jnp.where(gt1, m1, jnp.where(gt2, v, m2))
                        ni2 = jnp.where(gt1, i1, jnp.where(gt2, col, i2))
                        nm1 = jnp.where(gt1, v, m1)
                        ni1 = jnp.where(gt1, col, i1)
                        out += [nm1, ni1, nm2, ni2]
                    return tuple(out)

                init = (neg, zero, neg, zero) * 4
                c = lax.fori_loop(0, 16, expert, init, unroll=4)
                ab = _merge(c[0:4], c[4:8])
                cd = _merge(c[8:12], c[12:16])
                m1, i1, m2, i2 = _merge(ab, cd)
                e2 = jnp.exp(m2 - m1)
                w1 = 1.0 / (1.0 + e2)
                w2 = 1.0 - w1
                row2 = (tok_off + g * _L + lanes) * 2
                plsc.store_scatter(wbuf, [row2], w1)
                plsc.store_scatter(wbuf, [row2 + 1], w2)
                plsc.store_scatter(ibuf, [row2], i1)
                plsc.store_scatter(ibuf, [row2 + 1], i2)
                return carry

            lax.fori_loop(0, half // _L, group, 0)

        cp0.wait()
        process(buf0, 0)
        cp1.wait()
        process(buf1, half)
        pltpu.sync_copy(wbuf, w_hbm.at[pl.ds(base * 2, tok_w * 2)])
        pltpu.sync_copy(ibuf, i_hbm.at[pl.ds(base * 2, tok_w * 2)])

    return route


def kernel(hidden_states, router_weight):
    b, s, d = hidden_states.shape
    t = b * s
    x = hidden_states.reshape(t, d)
    sizes = [3 * t // 4, t // 4]
    offs = [0, 3 * t // 4]
    ws, idxs, lgs = [], [], []
    for tok_off, tc in zip(offs, sizes):
        lg, lgp = _router_logits(x, router_weight, 512, tok_off, tc)
        w, i = _make_router(tc)(lgp.reshape(tc * 2 * _E))
        ws.append(w.reshape(tc, 2))
        idxs.append(i.reshape(tc, 2))
        lgs.append(lg)
    w = jnp.concatenate(ws).reshape(b, s, 2)
    idx = jnp.concatenate(idxs).reshape(b, s, 2)
    logits = jnp.concatenate(lgs).reshape(b, s, _E)
    return (w, idx, logits)

# --- scband reference (transcript-rebuilt; emitter-appended) ---
"""Pipeline reference for scband-expert-gating-network-91199335563362 (READ-ONLY COPY).

The authoritative reference and input builder live on the scoring server;
editing this copy changes nothing except your own understanding.
"""

import jax, jax.numpy as jnp
import numpy as np


def setup_inputs(seed: int = 0) -> dict:
    key = jax.random.key(seed)
    k1, k2 = jax.random.split(key)
    hidden_states = jax.random.normal(k1, (4, 8192, 4096), dtype=jnp.float32)
    # router weight [num_experts, hidden_dim]; torch inits to zeros, but we use small
    # random values so softmax/top-k routing is non-degenerate for testing.
    router_weight = jax.random.normal(k2, (64, 4096), dtype=jnp.float32) * 0.02
    return {"hidden_states": hidden_states, "router_weight": router_weight}


def reference(hidden_states, router_weight):
    # router_logits = hidden_states @ router_weight.T  (nn.Linear, no bias)
    router_logits = jnp.einsum('bsd,ed->bse', hidden_states, router_weight)
    probs = jax.nn.softmax(router_logits, axis=-1)
    # top-2 gating
    routing_weights, expert_indices = jax.lax.top_k(probs, 2)
    # F.normalize(p=1, dim=-1): v / max(sum(|v|), eps)
    denom = jnp.maximum(jnp.sum(jnp.abs(routing_weights), axis=-1, keepdims=True), 1e-12)
    routing_weights = routing_weights / denom
    return (routing_weights, expert_indices, router_logits)

if __name__ == "__main__":
    import jax
    _d = setup_inputs()
    print(jax.jit(kernel)(*tuple(_d.values())))

</pallas_src>

<mosaic_0001>
#map = affine_map<(d0, d1) -> (0)>
module attributes {stable_mosaic.version = 14 : i64} {
  func.func @route(%arg0: i32, %arg1: i32, %arg2: memref<1048576xf32, #tpu.memory_space<hbm>>, %arg3: memref<16384xf32, #tpu.memory_space<hbm>>, %arg4: memref<16384xi32, #tpu.memory_space<hbm>>, %arg5: memref<16384xf32, #tpu.memory_space<vmem>>, %arg6: memref<16384xf32, #tpu.memory_space<vmem>>, %arg7: memref<512xf32, #tpu.memory_space<vmem>>, %arg8: memref<512xi32, #tpu.memory_space<vmem>>, %arg9: memref<!tpu.dma_semaphore, #tpu.memory_space<semaphore_mem>>, %arg10: memref<!tpu.dma_semaphore, #tpu.memory_space<semaphore_mem>>) attributes {dimension_semantics = [#tpu.dimension_semantics<core_parallel>, #tpu.dimension_semantics<subcore_parallel>], iteration_bounds = array<i64: 2, 16>, scalar_prefetch = 0 : i64, scratch_operands = 6 : i64, tpu.core_type = #tpu.core_type<sc_vector_subcore>, window_params = [{transform_indices = #map}, {transform_indices = #map}, {transform_indices = #map}]} {
    %mul3A = arith.constant 2 : i32
    %mul3A_0 = arith.muli %arg1, %mul3A : i32
    %add3A = arith.addi %mul3A_0, %arg0 : i32
    %mul3A_1 = arith.constant 256 : i32
    %mul3A_2 = arith.muli %add3A, %mul3A_1 : i32
    %mul3A_3 = arith.constant 128 : i32
    %mul3A_4 = arith.muli %mul3A_2, %mul3A_3 : i32
    %dma_start3A = tpu.memref_slice %arg2[%mul3A_4] : memref<1048576xf32, #tpu.memory_space<hbm>> -> memref<16384xf32, #tpu.memory_space<hbm>>
    %dma_start3A_5 = tpu.memref_slice %arg2[%mul3A_4] : memref<1048576xf32, #tpu.memory_space<hbm>> -> memref<16384xf32, #tpu.memory_space<hbm>>
    tpu.enqueue_dma source(%dma_start3A_5 : memref<16384xf32, #tpu.memory_space<hbm>>) target(%arg5 : memref<16384xf32, #tpu.memory_space<vmem>>) target_semaphore(%arg9 : memref<!tpu.dma_semaphore, #tpu.memory_space<semaphore_mem>>)
    %add3A_6 = arith.constant 128 : i32
    %add3A_7 = arith.addi %mul3A_2, %add3A_6 : i32
    %mul3A_8 = arith.constant 128 : i32
    %mul3A_9 = arith.muli %add3A_7, %mul3A_8 : i32
    %dma_start3A_10 = tpu.memref_slice %arg2[%mul3A_9] : memref<1048576xf32, #tpu.memory_space<hbm>> -> memref<16384xf32, #tpu.memory_space<hbm>>
    %dma_start3A_11 = tpu.memref_slice %arg2[%mul3A_9] : memref<1048576xf32, #tpu.memory_space<hbm>> -> memref<16384xf32, #tpu.memory_space<hbm>>
    tpu.enqueue_dma source(%dma_start3A_11 : memref<16384xf32, #tpu.memory_space<hbm>>) target(%arg6 : memref<16384xf32, #tpu.memory_space<vmem>>) target_semaphore(%arg10 : memref<!tpu.dma_semaphore, #tpu.memory_space<semaphore_mem>>)
    %iota3A = tpu.iota {dimensions = array<i32: 0>} : vector<16xi32>
    %dma_wait3A = tpu.memref_slice %arg2[%mul3A_4] : memref<1048576xf32, #tpu.memory_space<hbm>> -> memref<16384xf32, #tpu.memory_space<hbm>>
    %dma_wait3A_12 = tpu.memref_slice %arg2[%mul3A_4] : memref<1048576xf32, #tpu.memory_space<hbm>> -> memref<16384xf32, #tpu.memory_space<hbm>>
    tpu.wait_dma2 semaphore(%arg9 : memref<!tpu.dma_semaphore, #tpu.memory_space<semaphore_mem>>) src(%dma_wait3A_12 : memref<16384xf32, #tpu.memory_space<hbm>>) dst(%arg5 : memref<16384xf32, #tpu.memory_space<vmem>>)
    %scan3A = arith.constant 0 : i32
    %scan3A_13 = arith.constant 0 : i32
    %scan3A_14 = arith.constant 8 : i32
    %scan3A_15 = arith.addi %scan3A_13, %scan3A_14 : i32
    %scan3A_16 = arith.constant 1 : i32
    scf.for %scan3A_30 = %scan3A_13 to %scan3A_15 step %scan3A_16  : i32 {
      %mul3A_31 = arith.constant 16 : i32
      %mul3A_32 = arith.muli %scan3A_30, %mul3A_31 : i32
      %add3A_33 = vector.broadcast %mul3A_32 : i32 to vector<16xi32>
      %add3A_34 = arith.addi %add3A_33, %iota3A : vector<16xi32>
      %mul3A_35 = arith.constant 128 : i32
      %mul3A_36 = vector.broadcast %mul3A_35 : i32 to vector<16xi32>
      %mul3A_37 = arith.muli %add3A_34, %mul3A_36 : vector<16xi32>
      %broadcast_in_dim3A = arith.constant -3.000000e+38 : f32
      %broadcast_in_dim3A_38 = vector.broadcast %broadcast_in_dim3A : f32 to vector<16xf32>
      %broadcast_in_dim3A_39 = arith.constant 0 : i32
      %broadcast_in_dim3A_40 = vector.broadcast %broadcast_in_dim3A_39 : i32 to vector<16xi32>
      %scan3A_41 = arith.constant 0 : i32
      %scan3A_42 = arith.constant 16 : i32
      %scan3A_43 = arith.addi %scan3A_41, %scan3A_42 : i32
      %scan3A_44 = arith.constant 4 : i32
      %scan3A_45:16 = scf.for %scan3A_101 = %scan3A_41 to %scan3A_43 step %scan3A_44 iter_args(%scan3A_102 = %broadcast_in_dim3A_38, %scan3A_103 = %broadcast_in_dim3A_40, %scan3A_104 = %broadcast_in_dim3A_38, %scan3A_105 = %broadcast_in_dim3A_40, %scan3A_106 = %broadcast_in_dim3A_38, %scan3A_107 = %broadcast_in_dim3A_40, %scan3A_108 = %broadcast_in_dim3A_38, %scan3A_109 = %broadcast_in_dim3A_40, %scan3A_110 = %broadcast_in_dim3A_38, %scan3A_111 = %broadcast_in_dim3A_40, %scan3A_112 = %broadcast_in_dim3A_38, %scan3A_113 = %broadcast_in_dim3A_40, %scan3A_114 = %broadcast_in_dim3A_38, %scan3A_115 = %broadcast_in_dim3A_40, %scan3A_116 = %broadcast_in_dim3A_38, %scan3A_117 = %broadcast_in_dim3A_40) -> (vector<16xf32>, vector<16xi32>, vector<16xf32>, vector<16xi32>, vector<16xf32>, vector<16xi32>, vector<16xf32>, vector<16xi32>, vector<16xf32>, vector<16xi32>, vector<16xf32>, vector<16xi32>, vector<16xf32>, vector<16xi32>, vector<16xf32>, vector<16xi32>)  : i32 {
        %add3A_118 = vector.broadcast %scan3A_101 : i32 to vector<16xi32>
        %add3A_119 = arith.addi %iota3A, %add3A_118 : vector<16xi32>
        %ge3A_120 = arith.constant 16 : i32
        %ge3A_121 = vector.broadcast %ge3A_120 : i32 to vector<16xi32>
        %ge3A_122 = arith.cmpi sge, %add3A_119, %ge3A_121 : vector<16xi32>
        %sub3A_123 = arith.constant 16 : i32
        %sub3A_124 = vector.broadcast %sub3A_123 : i32 to vector<16xi32>
        %sub3A_125 = arith.subi %add3A_119, %sub3A_124 : vector<16xi32>
        %select_n3A_126 = arith.select %ge3A_122, %sub3A_125, %add3A_119 : vector<16xi1>, vector<16xi32>
        %add3A_127 = arith.constant 0 : i32
        %add3A_128 = vector.broadcast %add3A_127 : i32 to vector<16xi32>
        %add3A_129 = arith.addi %select_n3A_126, %add3A_128 : vector<16xi32>
        %add3A_130 = arith.addi %mul3A_37, %add3A_129 : vector<16xi32>
        %gather3A = tpu.vector_load_idx %arg5[%add3A_130] : memref<16384xf32, #tpu.memory_space<vmem>>[vector<16xi32>], vector<16xf32>,
        %gt3A = arith.cmpf ogt, %gather3A, %scan3A_102 : vector<16xf32>
        %gt3A_131 = arith.cmpf ogt, %gather3A, %scan3A_104 : vector<16xf32>
        %select_n3A_132 = arith.select %gt3A_131, %gather3A, %scan3A_104 : vector<16xi1>, vector<16xf32>
        %select_n3A_133 = arith.select %gt3A, %scan3A_102, %select_n3A_132 : vector<16xi1>, vector<16xf32>
        %select_n3A_134 = arith.select %gt3A_131, %add3A_129, %scan3A_105 : vector<16xi1>, vector<16xi32>
        %select_n3A_135 = arith.select %gt3A, %scan3A_103, %select_n3A_134 : vector<16xi1>, vector<16xi32>
        %select_n3A_136 = arith.select %gt3A, %gather3A, %scan3A_102 : vector<16xi1>, vector<16xf32>
        %select_n3A_137 = arith.select %gt3A, %add3A_129, %scan3A_103 : vector<16xi1>, vector<16xi32>
        %add3A_138 = arith.constant 16 : i32
        %add3A_139 = vector.broadcast %add3A_138 : i32 to vector<16xi32>
        %add3A_140 = arith.addi %select_n3A_126, %add3A_139 : vector<16xi32>
        %add3A_141 = arith.addi %mul3A_37, %add3A_140 : vector<16xi32>
        %gather3A_142 = tpu.vector_load_idx %arg5[%add3A_141] : memref<16384xf32, #tpu.memory_space<vmem>>[vector<16xi32>], vector<16xf32>,
        %gt3A_143 = arith.cmpf ogt, %gather3A_142, %scan3A_106 : vector<16xf32>
        %gt3A_144 = arith.cmpf ogt, %gather3A_142, %scan3A_108 : vector<16xf32>
        %select_n3A_145 = arith.select %gt3A_144, %gather3A_142, %scan3A_108 : vector<16xi1>, vector<16xf32>
        %select_n3A_146 = arith.select %gt3A_143, %scan3A_106, %select_n3A_145 : vector<16xi1>, vector<16xf32>
        %select_n3A_147 = arith.select %gt3A_144, %add3A_140, %scan3A_109 : vector<16xi1>, vector<16xi32>
        %select_n3A_148 = arith.select %gt3A_143, %scan3A_107, %select_n3A_147 : vector<16xi1>, vector<16xi32>
        %select_n3A_149 = arith.select %gt3A_143, %gather3A_142, %scan3A_106 : vector<16xi1>, vector<16xf32>
        %select_n3A_150 = arith.select %gt3A_143, %add3A_140, %scan3A_107 : vector<16xi1>, vector<16xi32>
        %add3A_151 = arith.constant 32 : i32
        %add3A_152 = vector.broadcast %add3A_151 : i32 to vector<16xi32>
        %add3A_153 = arith.addi %select_n3A_126, %add3A_152 : vector<16xi32>
        %add3A_154 = arith.addi %mul3A_37, %add3A_153 : vector<16xi32>
        %gather3A_155 = tpu.vector_load_idx %arg5[%add3A_154] : memref<16384xf32, #tpu.memory_space<vmem>>[vector<16xi32>], vector<16xf32>,
        %gt3A_156 = arith.cmpf ogt, %gather3A_155, %scan3A_110 : vector<16xf32>
        %gt3A_157 = arith.cmpf ogt, %gather3A_155, %scan3A_112 : vector<16xf32>
        %select_n3A_158 = arith.select %gt3A_157, %gather3A_155, %scan3A_112 : vector<16xi1>, vector<16xf32>
        %select_n3A_159 = arith.select %gt3A_156, %scan3A_110, %select_n3A_158 : vector<16xi1>, vector<16xf32>
        %select_n3A_160 = arith.select %gt3A_157, %add3A_153, %scan3A_113 : vector<16xi1>, vector<16xi32>
        %select_n3A_161 = arith.select %gt3A_156, %scan3A_111, %select_n3A_160 : vector<16xi1>, vector<16xi32>
        %select_n3A_162 = arith.select %gt3A_156, %gather3A_155, %scan3A_110 : vector<16xi1>, vector<16xf32>
        %select_n3A_163 = arith.select %gt3A_156, %add3A_153, %scan3A_111 : vector<16xi1>, vector<16xi32>
        %add3A_164 = arith.constant 48 : i32
        %add3A_165 = vector.broadcast %add3A_164 : i32 to vector<16xi32>
        %add3A_166 = arith.addi %select_n3A_126, %add3A_165 : vector<16xi32>
        %add3A_167 = arith.addi %mul3A_37, %add3A_166 : vector<16xi32>
        %gather3A_168 = tpu.vector_load_idx %arg5[%add3A_167] : memref<16384xf32, #tpu.memory_space<vmem>>[vector<16xi32>], vector<16xf32>,
        %gt3A_169 = arith.cmpf ogt, %gather3A_168, %scan3A_114 : vector<16xf32>
        %gt3A_170 = arith.cmpf ogt, %gather3A_168, %scan3A_116 : vector<16xf32>
        %select_n3A_171 = arith.select %gt3A_170, %gather3A_168, %scan3A_116 : vector<16xi1>, vector<16xf32>
        %select_n3A_172 = arith.select %gt3A_169, %scan3A_114, %select_n3A_171 : vector<16xi1>, vector<16xf32>
        %select_n3A_173 = arith.select %gt3A_170, %add3A_166, %scan3A_117 : vector<16xi1>, vector<16xi32>
        %select_n3A_174 = arith.select %gt3A_169, %scan3A_115, %select_n3A_173 : vector<16xi1>, vector<16xi32>
        %select_n3A_175 = arith.select %gt3A_169, %gather3A_168, %scan3A_114 : vector<16xi1>, vector<16xf32>
        %select_n3A_176 = arith.select %gt3A_169, %add3A_166, %scan3A_115 : vector<16xi1>, vector<16xi32>
        %scan3A_177 = arith.constant 1 : i32
        %scan3A_178 = arith.addi %scan3A_101, %scan3A_177 : i32
        %add3A_179 = vector.broadcast %scan3A_178 : i32 to vector<16xi32>
        %add3A_180 = arith.addi %iota3A, %add3A_179 : vector<16xi32>
        %ge3A_181 = arith.constant 16 : i32
        %ge3A_182 = vector.broadcast %ge3A_181 : i32 to vector<16xi32>
        %ge3A_183 = arith.cmpi sge, %add3A_180, %ge3A_182 : vector<16xi32>
        %sub3A_184 = arith.constant 16 : i32
        %sub3A_185 = vector.broadcast %sub3A_184 : i32 to vector<16xi32>
        %sub3A_186 = arith.subi %add3A_180, %sub3A_185 : vector<16xi32>
        %select_n3A_187 = arith.select %ge3A_183, %sub3A_186, %add3A_180 : vector<16xi1>, vector<16xi32>
        %add3A_188 = arith.constant 0 : i32
        %add3A_189 = vector.broadcast %add3A_188 : i32 to vector<16xi32>
        %add3A_190 = arith.addi %select_n3A_187, %add3A_189 : vector<16xi32>
        %add3A_191 = arith.addi %mul3A_37, %add3A_190 : vector<16xi32>
        %gather3A_192 = tpu.vector_load_idx %arg5[%add3A_191] : memref<16384xf32, #tpu.memory_space<vmem>>[vector<16xi32>], vector<16xf32>,
        %gt3A_193 = arith.cmpf ogt, %gather3A_192, %select_n3A_136 : vector<16xf32>
        %gt3A_194 = arith.cmpf ogt, %gather3A_192, %select_n3A_133 : vector<16xf32>
        %select_n3A_195 = arith.select %gt3A_194, %gather3A_192, %select_n3A_133 : vector<16xi1>, vector<16xf32>
        %select_n3A_196 = arith.select %gt3A_193, %select_n3A_136, %select_n3A_195 : vector<16xi1>, vector<16xf32>
        %select_n3A_197 = arith.select %gt3A_194, %add3A_190, %select_n3A_135 : vector<16xi1>, vector<16xi32>
        %select_n3A_198 = arith.select %gt3A_193, %select_n3A_137, %select_n3A_197 : vector<16xi1>, vector<16xi32>
        %select_n3A_199 = arith.select %gt3A_193, %gather3A_192, %select_n3A_136 : vector<16xi1>, vector<16xf32>
        %select_n3A_200 = arith.select %gt3A_193, %add3A_190, %select_n3A_137 : vector<16xi1>, vector<16xi32>
        %add3A_201 = arith.constant 16 : i32
        %add3A_202 = vector.broadcast %add3A_201 : i32 to vector<16xi32>
        %add3A_203 = arith.addi %select_n3A_187, %add3A_202 : vector<16xi32>
        %add3A_204 = arith.addi %mul3A_37, %add3A_203 : vector<16xi32>
        %gather3A_205 = tpu.vector_load_idx %arg5[%add3A_204] : memref<16384xf32, #tpu.memory_space<vmem>>[vector<16xi32>], vector<16xf32>,
        %gt3A_206 = arith.cmpf ogt, %gather3A_205, %select_n3A_149 : vector<16xf32>
        %gt3A_207 = arith.cmpf ogt, %gather3A_205, %select_n3A_146 : vector<16xf32>
        %select_n3A_208 = arith.select %gt3A_207, %gather3A_205, %select_n3A_146 : vector<16xi1>, vector<16xf32>
        %select_n3A_209 = arith.select %gt3A_206, %select_n3A_149, %select_n3A_208 : vector<16xi1>, vector<16xf32>
        %select_n3A_210 = arith.select %gt3A_207, %add3A_203, %select_n3A_148 : vector<16xi1>, vector<16xi32>
        %select_n3A_211 = arith.select %gt3A_206, %select_n3A_150, %select_n3A_210 : vector<16xi1>, vector<16xi32>
        %select_n3A_212 = arith.select %gt3A_206, %gather3A_205, %select_n3A_149 : vector<16xi1>, vector<16xf32>
        %select_n3A_213 = arith.select %gt3A_206, %add3A_203, %select_n3A_150 : vector<16xi1>, vector<16xi32>
        %add3A_214 = arith.constant 32 : i32
        %add3A_215 = vector.broadcast %add3A_214 : i32 to vector<16xi32>
        %add3A_216 = arith.addi %select_n3A_187, %add3A_215 : vector<16xi32>
        %add3A_217 = arith.addi %mul3A_37, %add3A_216 : vector<16xi32>
        %gather3A_218 = tpu.vector_load_idx %arg5[%add3A_217] : memref<16384xf32, #tpu.memory_space<vmem>>[vector<16xi32>], vector<16xf32>,
        %gt3A_219 = arith.cmpf ogt, %gather3A_218, %select_n3A_162 : vector<16xf32>
        %gt3A_220 = arith.cmpf ogt, %gather3A_218, %select_n3A_159 : vector<16xf32>
        %select_n3A_221 = arith.select %gt3A_220, %gather3A_218, %select_n3A_159 : vector<16xi1>, vector<16xf32>
        %select_n3A_222 = arith.select %gt3A_219, %select_n3A_162, %select_n3A_221 : vector<16xi1>, vector<16xf32>
        %select_n3A_223 = arith.select %gt3A_220, %add3A_216, %select_n3A_161 : vector<16xi1>, vector<16xi32>
        %select_n3A_224 = arith.select %gt3A_219, %select_n3A_163, %select_n3A_223 : vector<16xi1>, vector<16xi32>
        %select_n3A_225 = arith.select %gt3A_219, %gather3A_218, %select_n3A_162 : vector<16xi1>, vector<16xf32>
        %select_n3A_226 = arith.select %gt3A_219, %add3A_216, %select_n3A_163 : vector<16xi1>, vector<16xi32>
        %add3A_227 = arith.constant 48 : i32
        %add3A_228 = vector.broadcast %add3A_227 : i32 to vector<16xi32>
        %add3A_229 = arith.addi %select_n3A_187, %add3A_228 : vector<16xi32>
        %add3A_230 = arith.addi %mul3A_37, %add3A_229 : vector<16xi32>
        %gather3A_231 = tpu.vector_load_idx %arg5[%add3A_230] : memref<16384xf32, #tpu.memory_space<vmem>>[vector<16xi32>], vector<16xf32>,
        %gt3A_232 = arith.cmpf ogt, %gather3A_231, %select_n3A_175 : vector<16xf32>
        %gt3A_233 = arith.cmpf ogt, %gather3A_231, %select_n3A_172 : vector<16xf32>
        %select_n3A_234 = arith.select %gt3A_233, %gather3A_231, %select_n3A_172 : vector<16xi1>, vector<16xf32>
        %select_n3A_235 = arith.select %gt3A_232, %select_n3A_175, %select_n3A_234 : vector<16xi1>, vector<16xf32>
        %select_n3A_236 = arith.select %gt3A_233, %add3A_229, %select_n3A_174 : vector<16xi1>, vector<16xi32>
        %select_n3A_237 = arith.select %gt3A_232, %select_n3A_176, %select_n3A_236 : vector<16xi1>, vector<16xi32>
        %select_n3A_238 = arith.select %gt3A_232, %gather3A_231, %select_n3A_175 : vector<16xi1>, vector<16xf32>
        %select_n3A_239 = arith.select %gt3A_232, %add3A_229, %select_n3A_176 : vector<16xi1>, vector<16xi32>
        %scan3A_240 = arith.constant 2 : i32
        %scan3A_241 = arith.addi %scan3A_101, %scan3A_240 : i32
        %add3A_242 = vector.broadcast %scan3A_241 : i32 to vector<16xi32>
        %add3A_243 = arith.addi %iota3A, %add3A_242 : vector<16xi32>
        %ge3A_244 = arith.constant 16 : i32
        %ge3A_245 = vector.broadcast %ge3A_244 : i32 to vector<16xi32>
        %ge3A_246 = arith.cmpi sge, %add3A_243, %ge3A_245 : vector<16xi32>
        %sub3A_247 = arith.constant 16 : i32
        %sub3A_248 = vector.broadcast %sub3A_247 : i32 to vector<16xi32>
        %sub3A_249 = arith.subi %add3A_243, %sub3A_248 : vector<16xi32>
        %select_n3A_250 = arith.select %ge3A_246, %sub3A_249, %add3A_243 : vector<16xi1>, vector<16xi32>
        %add3A_251 = arith.constant 0 : i32
        %add3A_252 = vector.broadcast %add3A_251 : i32 to vector<16xi32>
        %add3A_253 = arith.addi %select_n3A_250, %add3A_252 : vector<16xi32>
        %add3A_254 = arith.addi %mul3A_37, %add3A_253 : vector<16xi32>
        %gather3A_255 = tpu.vector_load_idx %arg5[%add3A_254] : memref<16384xf32, #tpu.memory_space<vmem>>[vector<16xi32>], vector<16xf32>,
        %gt3A_256 = arith.cmpf ogt, %gather3A_255, %select_n3A_199 : vector<16xf32>
        %gt3A_257 = arith.cmpf ogt, %gather3A_255, %select_n3A_196 : vector<16xf32>
        %select_n3A_258 = arith.select %gt3A_257, %gather3A_255, %select_n3A_196 : vector<16xi1>, vector<16xf32>
        %select_n3A_259 = arith.select %gt3A_256, %select_n3A_199, %select_n3A_258 : vector<16xi1>, vector<16xf32>
        %select_n3A_260 = arith.select %gt3A_257, %add3A_253, %select_n3A_198 : vector<16xi1>, vector<16xi32>
        %select_n3A_261 = arith.select %gt3A_256, %select_n3A_200, %select_n3A_260 : vector<16xi1>, vector<16xi32>
        %select_n3A_262 = arith.select %gt3A_256, %gather3A_255, %select_n3A_199 : vector<16xi1>, vector<16xf32>
        %select_n3A_263 = arith.select %gt3A_256, %add3A_253, %select_n3A_200 : vector<16xi1>, vector<16xi32>
        %add3A_264 = arith.constant 16 : i32
        %add3A_265 = vector.broadcast %add3A_264 : i32 to vector<16xi32>
        %add3A_266 = arith.addi %select_n3A_250, %add3A_265 : vector<16xi32>
        %add3A_267 = arith.addi %mul3A_37, %add3A_266 : vector<16xi32>
        %gather3A_268 = tpu.vector_load_idx %arg5[%add3A_267] : memref<16384xf32, #tpu.memory_space<vmem>>[vector<16xi32>], vector<16xf32>,
        %gt3A_269 = arith.cmpf ogt, %gather3A_268, %select_n3A_212 : vector<16xf32>
        %gt3A_270 = arith.cmpf ogt, %gather3A_268, %select_n3A_209 : vector<16xf32>
        %select_n3A_271 = arith.select %gt3A_270, %gather3A_268, %select_n3A_209 : vector<16xi1>, vector<16xf32>
        %select_n3A_272 = arith.select %gt3A_269, %select_n3A_212, %select_n3A_271 : vector<16xi1>, vector<16xf32>
        %select_n3A_273 = arith.select %gt3A_270, %add3A_266, %select_n3A_211 : vector<16xi1>, vector<16xi32>
        %select_n3A_274 = arith.select %gt3A_269, %select_n3A_213, %select_n3A_273 : vector<16xi1>, vector<16xi32>
        %select_n3A_275 = arith.select %gt3A_269, %gather3A_268, %select_n3A_212 : vector<16xi1>, vector<16xf32>
        %select_n3A_276 = arith.select %gt3A_269, %add3A_266, %select_n3A_213 : vector<16xi1>, vector<16xi32>
        %add3A_277 = arith.constant 32 : i32
        %add3A_278 = vector.broadcast %add3A_277 : i32 to vector<16xi32>
        %add3A_279 = arith.addi %select_n3A_250, %add3A_278 : vector<16xi32>
        %add3A_280 = arith.addi %mul3A_37, %add3A_279 : vector<16xi32>
        %gather3A_281 = tpu.vector_load_idx %arg5[%add3A_280] : memref<16384xf32, #tpu.memory_space<vmem>>[vector<16xi32>], vector<16xf32>,
        %gt3A_282 = arith.cmpf ogt, %gather3A_281, %select_n3A_225 : vector<16xf32>
        %gt3A_283 = arith.cmpf ogt, %gather3A_281, %select_n3A_222 : vector<16xf32>
        %select_n3A_284 = arith.select %gt3A_283, %gather3A_281, %select_n3A_222 : vector<16xi1>, vector<16xf32>
        %select_n3A_285 = arith.select %gt3A_282, %select_n3A_225, %select_n3A_284 : vector<16xi1>, vector<16xf32>
        %select_n3A_286 = arith.select %gt3A_283, %add3A_279, %select_n3A_224 : vector<16xi1>, vector<16xi32>
        %select_n3A_287 = arith.select %gt3A_282, %select_n3A_226, %select_n3A_286 : vector<16xi1>, vector<16xi32>
        %select_n3A_288 = arith.select %gt3A_282, %gather3A_281, %select_n3A_225 : vector<16xi1>, vector<16xf32>
        %select_n3A_289 = arith.select %gt3A_282, %add3A_279, %select_n3A_226 : vector<16xi1>, vector<16xi32>
        %add3A_290 = arith.constant 48 : i32
        %add3A_291 = vector.broadcast %add3A_290 : i32 to vector<16xi32>
        %add3A_292 = arith.addi %select_n3A_250, %add3A_291 : vector<16xi32>
        %add3A_293 = arith.addi %mul3A_37, %add3A_292 : vector<16xi32>
        %gather3A_294 = tpu.vector_load_idx %arg5[%add3A_293] : memref<16384xf32, #tpu.memory_space<vmem>>[vector<16xi32>], vector<16xf32>,
        %gt3A_295 = arith.cmpf ogt, %gather3A_294, %select_n3A_238 : vector<16xf32>
        %gt3A_296 = arith.cmpf ogt, %gather3A_294, %select_n3A_235 : vector<16xf32>
        %select_n3A_297 = arith.select %gt3A_296, %gather3A_294, %select_n3A_235 : vector<16xi1>, vector<16xf32>
        %select_n3A_298 = arith.select %gt3A_295, %select_n3A_238, %select_n3A_297 : vector<16xi1>, vector<16xf32>
        %select_n3A_299 = arith.select %gt3A_296, %add3A_292, %select_n3A_237 : vector<16xi1>, vector<16xi32>
        %select_n3A_300 = arith.select %gt3A_295, %select_n3A_239, %select_n3A_299 : vector<16xi1>, vector<16xi32>
        %select_n3A_301 = arith.select %gt3A_295, %gather3A_294, %select_n3A_238 : vector<16xi1>, vector<16xf32>
        %select_n3A_302 = arith.select %gt3A_295, %add3A_292, %select_n3A_239 : vector<16xi1>, vector<16xi32>
        %scan3A_303 = arith.constant 3 : i32
        %scan3A_304 = arith.addi %scan3A_101, %scan3A_303 : i32
        %add3A_305 = vector.broadcast %scan3A_304 : i32 to vector<16xi32>
        %add3A_306 = arith.addi %iota3A, %add3A_305 : vector<16xi32>
        %ge3A_307 = arith.constant 16 : i32
        %ge3A_308 = vector.broadcast %ge3A_307 : i32 to vector<16xi32>
        %ge3A_309 = arith.cmpi sge, %add3A_306, %ge3A_308 : vector<16xi32>
        %sub3A_310 = arith.constant 16 : i32
        %sub3A_311 = vector.broadcast %sub3A_310 : i32 to vector<16xi32>
        %sub3A_312 = arith.subi %add3A_306, %sub3A_311 : vector<16xi32>
        %select_n3A_313 = arith.select %ge3A_309, %sub3A_312, %add3A_306 : vector<16xi1>, vector<16xi32>
        %add3A_314 = arith.constant 0 : i32
        %add3A_315 = vector.broadcast %add3A_314 : i32 to vector<16xi32>
        %add3A_316 = arith.addi %select_n3A_313, %add3A_315 : vector<16xi32>
        %add3A_317 = arith.addi %mul3A_37, %add3A_316 : vector<16xi32>
        %gather3A_318 = tpu.vector_load_idx %arg5[%add3A_317] : memref<16384xf32, #tpu.memory_space<vmem>>[vector<16xi32>], vector<16xf32>,
        %gt3A_319 = arith.cmpf ogt, %gather3A_318, %select_n3A_262 : vector<16xf32>
        %gt3A_320 = arith.cmpf ogt, %gather3A_318, %select_n3A_259 : vector<16xf32>
        %select_n3A_321 = arith.select %gt3A_320, %gather3A_318, %select_n3A_259 : vector<16xi1>, vector<16xf32>
        %select_n3A_322 = arith.select %gt3A_319, %select_n3A_262, %select_n3A_321 : vector<16xi1>, vector<16xf32>
        %select_n3A_323 = arith.select %gt3A_320, %add3A_316, %select_n3A_261 : vector<16xi1>, vector<16xi32>
        %select_n3A_324 = arith.select %gt3A_319, %select_n3A_263, %select_n3A_323 : vector<16xi1>, vector<16xi32>
        %select_n3A_325 = arith.select %gt3A_319, %gather3A_318, %select_n3A_262 : vector<16xi1>, vector<16xf32>
        %select_n3A_326 = arith.select %gt3A_319, %add3A_316, %select_n3A_263 : vector<16xi1>, vector<16xi32>
        %add3A_327 = arith.constant 16 : i32
        %add3A_328 = vector.broadcast %add3A_327 : i32 to vector<16xi32>
        %add3A_329 = arith.addi %select_n3A_313, %add3A_328 : vector<16xi32>
        %add3A_330 = arith.addi %mul3A_37, %add3A_329 : vector<16xi32>
        %gather3A_331 = tpu.vector_load_idx %arg5[%add3A_330] : memref<16384xf32, #tpu.memory_space<vmem>>[vector<16xi32>], vector<16xf32>,
        %gt3A_332 = arith.cmpf ogt, %gather3A_331, %select_n3A_275 : vector<16xf32>
        %gt3A_333 = arith.cmpf ogt, %gather3A_331, %select_n3A_272 : vector<16xf32>
        %select_n3A_334 = arith.select %gt3A_333, %gather3A_331, %select_n3A_272 : vector<16xi1>, vector<16xf32>
        %select_n3A_335 = arith.select %gt3A_332, %select_n3A_275, %select_n3A_334 : vector<16xi1>, vector<16xf32>
        %select_n3A_336 = arith.select %gt3A_333, %add3A_329, %select_n3A_274 : vector<16xi1>, vector<16xi32>
        %select_n3A_337 = arith.select %gt3A_332, %select_n3A_276, %select_n3A_336 : vector<16xi1>, vector<16xi32>
        %select_n3A_338 = arith.select %gt3A_332, %gather3A_331, %select_n3A_275 : vector<16xi1>, vector<16xf32>
        %select_n3A_339 = arith.select %gt3A_332, %add3A_329, %select_n3A_276 : vector<16xi1>, vector<16xi32>
        %add3A_340 = arith.constant 32 : i32
        %add3A_341 = vector.broadcast %add3A_340 : i32 to vector<16xi32>
        %add3A_342 = arith.addi %select_n3A_313, %add3A_341 : vector<16xi32>
        %add3A_343 = arith.addi %mul3A_37, %add3A_342 : vector<16xi32>
        %gather3A_344 = tpu.vector_load_idx %arg5[%add3A_343] : memref<16384xf32, #tpu.memory_space<vmem>>[vector<16xi32>], vector<16xf32>,
        %gt3A_345 = arith.cmpf ogt, %gather3A_344, %select_n3A_288 : vector<16xf32>
        %gt3A_346 = arith.cmpf ogt, %gather3A_344, %select_n3A_285 : vector<16xf32>
        %select_n3A_347 = arith.select %gt3A_346, %gather3A_344, %select_n3A_285 : vector<16xi1>, vector<16xf32>
        %select_n3A_348 = arith.select %gt3A_345, %select_n3A_288, %select_n3A_347 : vector<16xi1>, vector<16xf32>
        %select_n3A_349 = arith.select %gt3A_346, %add3A_342, %select_n3A_287 : vector<16xi1>, vector<16xi32>
        %select_n3A_350 = arith.select %gt3A_345, %select_n3A_289, %select_n3A_349 : vector<16xi1>, vector<16xi32>
        %select_n3A_351 = arith.select %gt3A_345, %gather3A_344, %select_n3A_288 : vector<16xi1>, vector<16xf32>
        %select_n3A_352 = arith.select %gt3A_345, %add3A_342, %select_n3A_289 : vector<16xi1>, vector<16xi32>
        %add3A_353 = arith.constant 48 : i32
        %add3A_354 = vector.broadcast %add3A_353 : i32 to vector<16xi32>
        %add3A_355 = arith.addi %select_n3A_313, %add3A_354 : vector<16xi32>
        %add3A_356 = arith.addi %mul3A_37, %add3A_355 : vector<16xi32>
        %gather3A_357 = tpu.vector_load_idx %arg5[%add3A_356] : memref<16384xf32, #tpu.memory_space<vmem>>[vector<16xi32>], vector<16xf32>,
        %gt3A_358 = arith.cmpf ogt, %gather3A_357, %select_n3A_301 : vector<16xf32>
        %gt3A_359 = arith.cmpf ogt, %gather3A_357, %select_n3A_298 : vector<16xf32>
        %select_n3A_360 = arith.select %gt3A_359, %gather3A_357, %select_n3A_298 : vector<16xi1>, vector<16xf32>
        %select_n3A_361 = arith.select %gt3A_358, %select_n3A_301, %select_n3A_360 : vector<16xi1>, vector<16xf32>
        %select_n3A_362 = arith.select %gt3A_359, %add3A_355, %select_n3A_300 : vector<16xi1>, vector<16xi32>
        %select_n3A_363 = arith.select %gt3A_358, %select_n3A_302, %select_n3A_362 : vector<16xi1>, vector<16xi32>
        %select_n3A_364 = arith.select %gt3A_358, %gather3A_357, %select_n3A_301 : vector<16xi1>, vector<16xf32>
        %select_n3A_365 = arith.select %gt3A_358, %add3A_355, %select_n3A_302 : vector<16xi1>, vector<16xi32>
        scf.yield %select_n3A_325, %select_n3A_326, %select_n3A_322, %select_n3A_324, %select_n3A_338, %select_n3A_339, %select_n3A_335, %select_n3A_337, %select_n3A_351, %select_n3A_352, %select_n3A_348, %select_n3A_350, %select_n3A_364, %select_n3A_365, %select_n3A_361, %select_n3A_363 : vector<16xf32>, vector<16xi32>, vector<16xf32>, vector<16xi32>, vector<16xf32>, vector<16xi32>, vector<16xf32>, vector<16xi32>, vector<16xf32>, vector<16xi32>, vector<16xf32>, vector<16xi32>, vector<16xf32>, vector<16xi32>, vector<16xf32>, vector<16xi32>
      }
      %scan3A_46 = arith.constant 16 : i32
      %ge3A = arith.cmpf oge, %scan3A_45#0, %scan3A_45#4 : vector<16xf32>
      %select_n3A = arith.select %ge3A, %scan3A_45#0, %scan3A_45#4 : vector<16xi1>, vector<16xf32>
      %select_n3A_47 = arith.select %ge3A, %scan3A_45#1, %scan3A_45#5 : vector<16xi1>, vector<16xi32>
      %ge3A_48 = arith.cmpf oge, %scan3A_45#2, %scan3A_45#4 : vector<16xf32>
      %ge3A_49 = arith.cmpf oge, %scan3A_45#0, %scan3A_45#6 : vector<16xf32>
      %select_n3A_50 = arith.select %ge3A_48, %scan3A_45#2, %scan3A_45#4 : vector<16xi1>, vector<16xf32>
      %select_n3A_51 = arith.select %ge3A_49, %scan3A_45#0, %scan3A_45#6 : vector<16xi1>, vector<16xf32>
      %select_n3A_52 = arith.select %ge3A, %select_n3A_50, %select_n3A_51 : vector<16xi1>, vector<16xf32>
      %select_n3A_53 = arith.select %ge3A_48, %scan3A_45#3, %scan3A_45#5 : vector<16xi1>, vector<16xi32>
      %select_n3A_54 = arith.select %ge3A_49, %scan3A_45#1, %scan3A_45#7 : vector<16xi1>, vector<16xi32>
      %select_n3A_55 = arith.select %ge3A, %select_n3A_53, %select_n3A_54 : vector<16xi1>, vector<16xi32>
      %ge3A_56 = arith.cmpf oge, %scan3A_45#8, %scan3A_45#12 : vector<16xf32>
      %select_n3A_57 = arith.select %ge3A_56, %scan3A_45#8, %scan3A_45#12 : vector<16xi1>, vector<16xf32>
      %select_n3A_58 = arith.select %ge3A_56, %scan3A_45#9, %scan3A_45#13 : vector<16xi1>, vector<16xi32>
      %ge3A_59 = arith.cmpf oge, %scan3A_45#10, %scan3A_45#12 : vector<16xf32>
      %ge3A_60 = arith.cmpf oge, %scan3A_45#8, %scan3A_45#14 : vector<16xf32>
      %select_n3A_61 = arith.select %ge3A_59, %scan3A_45#10, %scan3A_45#12 : vector<16xi1>, vector<16xf32>
      %select_n3A_62 = arith.select %ge3A_60, %scan3A_45#8, %scan3A_45#14 : vector<16xi1>, vector<16xf32>
      %select_n3A_63 = arith.select %ge3A_56, %select_n3A_61, %select_n3A_62 : vector<16xi1>, vector<16xf32>
      %select_n3A_64 = arith.select %ge3A_59, %scan3A_45#11, %scan3A_45#13 : vector<16xi1>, vector<16xi32>
      %select_n3A_65 = arith.select %ge3A_60, %scan3A_45#9, %scan3A_45#15 : vector<16xi1>, vector<16xi32>
      %select_n3A_66 = arith.select %ge3A_56, %select_n3A_64, %select_n3A_65 : vector<16xi1>, vector<16xi32>
      %ge3A_67 = arith.cmpf oge, %select_n3A, %select_n3A_57 : vector<16xf32>
      %select_n3A_68 = arith.select %ge3A_67, %select_n3A, %select_n3A_57 : vector<16xi1>, vector<16xf32>
      %select_n3A_69 = arith.select %ge3A_67, %select_n3A_47, %select_n3A_58 : vector<16xi1>, vector<16xi32>
      %ge3A_70 = arith.cmpf oge, %select_n3A_52, %select_n3A_57 : vector<16xf32>
      %ge3A_71 = arith.cmpf oge, %select_n3A, %select_n3A_63 : vector<16xf32>
      %select_n3A_72 = arith.select %ge3A_70, %select_n3A_52, %select_n3A_57 : vector<16xi1>, vector<16xf32>
      %select_n3A_73 = arith.select %ge3A_71, %select_n3A, %select_n3A_63 : vector<16xi1>, vector<16xf32>
      %select_n3A_74 = arith.select %ge3A_67, %select_n3A_72, %select_n3A_73 : vector<16xi1>, vector<16xf32>
      %select_n3A_75 = arith.select %ge3A_70, %select_n3A_55, %select_n3A_58 : vector<16xi1>, vector<16xi32>
      %select_n3A_76 = arith.select %ge3A_71, %select_n3A_47, %select_n3A_66 : vector<16xi1>, vector<16xi32>
      %select_n3A_77 = arith.select %ge3A_67, %select_n3A_75, %select_n3A_76 : vector<16xi1>, vector<16xi32>
      %sub3A = arith.subf %select_n3A_74, %select_n3A_68 : vector<16xf32>
      %exp3A = math.exp %sub3A : vector<16xf32>
      %add3A_78 = arith.constant 1.000000e+00 : f32
      %add3A_79 = vector.broadcast %add3A_78 : f32 to vector<16xf32>
      %add3A_80 = arith.addf %add3A_79, %exp3A : vector<16xf32>
      %div3A = arith.constant 1.000000e+00 : f32
      %div3A_81 = vector.broadcast %div3A : f32 to vector<16xf32>
      %div3A_82 = arith.divf %div3A_81, %add3A_80 : vector<16xf32>
      %sub3A_83 = arith.constant 1.000000e+00 : f32
      %sub3A_84 = vector.broadcast %sub3A_83 : f32 to vector<16xf32>
      %sub3A_85 = arith.subf %sub3A_84, %div3A_82 : vector<16xf32>
      %mul3A_86 = arith.constant 16 : i32
      %mul3A_87 = arith.muli %scan3A_30, %mul3A_86 : i32
      %add3A_88 = arith.constant 0 : i32
      %add3A_89 = arith.addi %add3A_88, %mul3A_87 : i32
      %add3A_90 = vector.broadcast %add3A_89 : i32 to vector<16xi32>
      %add3A_91 = arith.addi %add3A_90, %iota3A : vector<16xi32>
      %mul3A_92 = arith.constant 2 : i32
      %mul3A_93 = vector.broadcast %mul3A_92 : i32 to vector<16xi32>
      %mul3A_94 = arith.muli %add3A_91, %mul3A_93 : vector<16xi32>
      tpu.vector_store_idx %arg7[%mul3A_94], %div3A_82 : memref<512xf32, #tpu.memory_space<vmem>>[vector<16xi32>], vector<16xf32>,
      %add3A_95 = arith.constant 1 : i32
      %add3A_96 = vector.broadcast %add3A_95 : i32 to vector<16xi32>
      %add3A_97 = arith.addi %mul3A_94, %add3A_96 : vector<16xi32>
      tpu.vector_store_idx %arg7[%add3A_97], %sub3A_85 : memref<512xf32, #tpu.memory_space<vmem>>[vector<16xi32>], vector<16xf32>,
      tpu.vector_store_idx %arg8[%mul3A_94], %select_n3A_69 : memref<512xi32, #tpu.memory_space<vmem>>[vector<16xi32>], vector<16xi32>,
      %add3A_98 = arith.constant 1 : i32
      %add3A_99 = vector.broadcast %add3A_98 : i32 to vector<16xi32>
      %add3A_100 = arith.addi %mul3A_94, %add3A_99 : vector<16xi32>
      tpu.vector_store_idx %arg8[%add3A_100], %select_n3A_77 : memref<512xi32, #tpu.memory_space<vmem>>[vector<16xi32>], vector<16xi32>,
    }
    %scan3A_17 = arith.constant 8 : i32
    %dma_wait3A_18 = tpu.memref_slice %arg2[%mul3A_9] : memref<1048576xf32, #tpu.memory_space<hbm>> -> memref<16384xf32, #tpu.memory_space<hbm>>
    %dma_wait3A_19 = tpu.memref_slice %arg2[%mul3A_9] : memref<1048576xf32, #tpu.memory_space<hbm>> -> memref<16384xf32, #tpu.memory_space<hbm>>
    tpu.wait_dma2 semaphore(%arg10 : memref<!tpu.dma_semaphore, #tpu.memory_space<semaphore_mem>>) src(%dma_wait3A_19 : memref<16384xf32, #tpu.memory_space<hbm>>) dst(%arg6 : memref<16384xf32, #tpu.memory_space<vmem>>)
    %scan3A_20 = arith.constant 0 : i32
    %scan3A_21 = arith.constant 0 : i32
    %scan3A_22 = arith.constant 8 : i32
    %scan3A_23 = arith.addi %scan3A_21, %scan3A_22 : i32
    %scan3A_24 = arith.constant 1 : i32
    scf.for %scan3A_30 = %scan3A_21 to %scan3A_23 step %scan3A_24  : i32 {
      %mul3A_31 = arith.constant 16 : i32
      %mul3A_32 = arith.muli %scan3A_30, %mul3A_31 : i32
      %add3A_33 = vector.broadcast %mul3A_32 : i32 to vector<16xi32>
      %add3A_34 = arith.addi %add3A_33, %iota3A : vector<16xi32>
      %mul3A_35 = arith.constant 128 : i32
      %mul3A_36 = vector.broadcast %mul3A_35 : i32 to vector<16xi32>
      %mul3A_37 = arith.muli %add3A_34, %mul3A_36 : vector<16xi32>
      %broadcast_in_dim3A = arith.constant -3.000000e+38 : f32
      %broadcast_in_dim3A_38 = vector.broadcast %broadcast_in_dim3A : f32 to vector<16xf32>
      %broadcast_in_dim3A_39 = arith.constant 0 : i32
      %broadcast_in_dim3A_40 = vector.broadcast %broadcast_in_dim3A_39 : i32 to vector<16xi32>
      %scan3A_41 = arith.constant 0 : i32
      %scan3A_42 = arith.constant 16 : i32
      %scan3A_43 = arith.addi %scan3A_41, %scan3A_42 : i32
      %scan3A_44 = arith.constant 4 : i32
      %scan3A_45:16 = scf.for %scan3A_101 = %scan3A_41 to %scan3A_43 step %scan3A_44 iter_args(%scan3A_102 = %broadcast_in_dim3A_38, %scan3A_103 = %broadcast_in_dim3A_40, %scan3A_104 = %broadcast_in_dim3A_38, %scan3A_105 = %broadcast_in_dim3A_40, %scan3A_106 = %broadcast_in_dim3A_38, %scan3A_107 = %broadcast_in_dim3A_40, %scan3A_108 = %broadcast_in_dim3A_38, %scan3A_109 = %broadcast_in_dim3A_40, %scan3A_110 = %broadcast_in_dim3A_38, %scan3A_111 = %broadcast_in_dim3A_40, %scan3A_112 = %broadcast_in_dim3A_38, %scan3A_113 = %broadcast_in_dim3A_40, %scan3A_114 = %broadcast_in_dim3A_38, %scan3A_115 = %broadcast_in_dim3A_40, %scan3A_116 = %broadcast_in_dim3A_38, %scan3A_117 = %broadcast_in_dim3A_40) -> (vector<16xf32>, vector<16xi32>, vector<16xf32>, vector<16xi32>, vector<16xf32>, vector<16xi32>, vector<16xf32>, vector<16xi32>, vector<16xf32>, vector<16xi32>, vector<16xf32>, vector<16xi32>, vector<16xf32>, vector<16xi32>, vector<16xf32>, vector<16xi32>)  : i32 {
        %add3A_118 = vector.broadcast %scan3A_101 : i32 to vector<16xi32>
        %add3A_119 = arith.addi %iota3A, %add3A_118 : vector<16xi32>
        %ge3A_120 = arith.constant 16 : i32
        %ge3A_121 = vector.broadcast %ge3A_120 : i32 to vector<16xi32>
        %ge3A_122 = arith.cmpi sge, %add3A_119, %ge3A_121 : vector<16xi32>
        %sub3A_123 = arith.constant 16 : i32
        %sub3A_124 = vector.broadcast %sub3A_123 : i32 to vector<16xi32>
        %sub3A_125 = arith.subi %add3A_119, %sub3A_124 : vector<16xi32>
        %select_n3A_126 = arith.select %ge3A_122, %sub3A_125, %add3A_119 : vector<16xi1>, vector<16xi32>
        %add3A_127 = arith.constant 0 : i32
        %add3A_128 = vector.broadcast %add3A_127 : i32 to vector<16xi32>
        %add3A_129 = arith.addi %select_n3A_126, %add3A_128 : vector<16xi32>
        %add3A_130 = arith.addi %mul3A_37, %add3A_129 : vector<16xi32>
        %gather3A = tpu.vector_load_idx %arg6[%add3A_130] : memref<16384xf32, #tpu.memory_space<vmem>>[vector<16xi32>], vector<16xf32>,
        %gt3A = arith.cmpf ogt, %gather3A, %scan3A_102 : vector<16xf32>
        %gt3A_131 = arith.cmpf ogt, %gather3A, %scan3A_104 : vector<16xf32>
        %select_n3A_132 = arith.select %gt3A_131, %gather3A, %scan3A_104 : vector<16xi1>, vector<16xf32>
        %select_n3A_133 = arith.select %gt3A, %scan3A_102, %select_n3A_132 : vector<16xi1>, vector<16xf32>
        %select_n3A_134 = arith.select %gt3A_131, %add3A_129, %scan3A_105 : vector<16xi1>, vector<16xi32>
        %select_n3A_135 = arith.select %gt3A, %scan3A_103, %select_n3A_134 : vector<16xi1>, vector<16xi32>
        %select_n3A_136 = arith.select %gt3A, %gather3A, %scan3A_102 : vector<16xi1>, vector<16xf32>
        %select_n3A_137 = arith.select %gt3A, %add3A_129, %scan3A_103 : vector<16xi1>, vector<16xi32>
        %add3A_138 = arith.constant 16 : i32
        %add3A_139 = vector.broadcast %add3A_138 : i32 to vector<16xi32>
        %add3A_140 = arith.addi %select_n3A_126, %add3A_139 : vector<16xi32>
        %add3A_141 = arith.addi %mul3A_37, %add3A_140 : vector<16xi32>
        %gather3A_142 = tpu.vector_load_idx %arg6[%add3A_141] : memref<16384xf32, #tpu.memory_space<vmem>>[vector<16xi32>], vector<16xf32>,
        %gt3A_143 = arith.cmpf ogt, %gather3A_142, %scan3A_106 : vector<16xf32>
        %gt3A_144 = arith.cmpf ogt, %gather3A_142, %scan3A_108 : vector<16xf32>
        %select_n3A_145 = arith.select %gt3A_144, %gather3A_142, %scan3A_108 : vector<16xi1>, vector<16xf32>
        %select_n3A_146 = arith.select %gt3A_143, %scan3A_106, %select_n3A_145 : vector<16xi1>, vector<16xf32>
        %select_n3A_147 = arith.select %gt3A_144, %add3A_140, %scan3A_109 : vector<16xi1>, vector<16xi32>
        %select_n3A_148 = arith.select %gt3A_143, %scan3A_107, %select_n3A_147 : vector<16xi1>, vector<16xi32>
        %select_n3A_149 = arith.select %gt3A_143, %gather3A_142, %scan3A_106 : vector<16xi1>, vector<16xf32>
        %select_n3A_150 = arith.select %gt3A_143, %add3A_140, %scan3A_107 : vector<16xi1>, vector<16xi32>
        %add3A_151 = arith.constant 32 : i32
        %add3A_152 = vector.broadcast %add3A_151 : i32 to vector<16xi32>
        %add3A_153 = arith.addi %select_n3A_126, %add3A_152 : vector<16xi32>
        %add3A_154 = arith.addi %mul3A_37, %add3A_153 : vector<16xi32>
        %gather3A_155 = tpu.vector_load_idx %arg6[%add3A_154] : memref<16384xf32, #tpu.memory_space<vmem>>[vector<16xi32>], vector<16xf32>,
        %gt3A_156 = arith.cmpf ogt, %gather3A_155, %scan3A_110 : vector<16xf32>
        %gt3A_157 = arith.cmpf ogt, %gather3A_155, %scan3A_112 : vector<16xf32>
        %select_n3A_158 = arith.select %gt3A_157, %gather3A_155, %scan3A_112 : vector<16xi1>, vector<16xf32>
        %select_n3A_159 = arith.select %gt3A_156, %scan3A_110, %select_n3A_158 : vector<16xi1>, vector<16xf32>
        %select_n3A_160 = arith.select %gt3A_157, %add3A_153, %scan3A_113 : vector<16xi1>, vector<16xi32>
        %select_n3A_161 = arith.select %gt3A_156, %scan3A_111, %select_n3A_160 : vector<16xi1>, vector<16xi32>
        %select_n3A_162 = arith.select %gt3A_156, %gather3A_155, %scan3A_110 : vector<16xi1>, vector<16xf32>
        %select_n3A_163 = arith.select %gt3A_156, %add3A_153, %scan3A_111 : vector<16xi1>, vector<16xi32>
        %add3A_164 = arith.constant 48 : i32
        %add3A_165 = vector.broadcast %add3A_164 : i32 to vector<16xi32>
        %add3A_166 = arith.addi %select_n3A_126, %add3A_165 : vector<16xi32>
        %add3A_167 = arith.addi %mul3A_37, %add3A_166 : vector<16xi32>
        %gather3A_168 = tpu.vector_load_idx %arg6[%add3A_167] : memref<16384xf32, #tpu.memory_space<vmem>>[vector<16xi32>], vector<16xf32>,
        %gt3A_169 = arith.cmpf ogt, %gather3A_168, %scan3A_114 : vector<16xf32>
        %gt3A_170 = arith.cmpf ogt, %gather3A_168, %scan3A_116 : vector<16xf32>
        %select_n3A_171 = arith.select %gt3A_170, %gather3A_168, %scan3A_116 : vector<16xi1>, vector<16xf32>
        %select_n3A_172 = arith.select %gt3A_169, %scan3A_114, %select_n3A_171 : vector<16xi1>, vector<16xf32>
        %select_n3A_173 = arith.select %gt3A_170, %add3A_166, %scan3A_117 : vector<16xi1>, vector<16xi32>
        %select_n3A_174 = arith.select %gt3A_169, %scan3A_115, %select_n3A_173 : vector<16xi1>, vector<16xi32>
        %select_n3A_175 = arith.select %gt3A_169, %gather3A_168, %scan3A_114 : vector<16xi1>, vector<16xf32>
        %select_n3A_176 = arith.select %gt3A_169, %add3A_166, %scan3A_115 : vector<16xi1>, vector<16xi32>
        %scan3A_177 = arith.constant 1 : i32
        %scan3A_178 = arith.addi %scan3A_101, %scan3A_177 : i32
        %add3A_179 = vector.broadcast %scan3A_178 : i32 to vector<16xi32>
        %add3A_180 = arith.addi %iota3A, %add3A_179 : vector<16xi32>
        %ge3A_181 = arith.constant 16 : i32
        %ge3A_182 = vector.broadcast %ge3A_181 : i32 to vector<16xi32>
        %ge3A_183 = arith.cmpi sge, %add3A_180, %ge3A_182 : vector<16xi32>
        %sub3A_184 = arith.constant 16 : i32
        %sub3A_185 = vector.broadcast %sub3A_184 : i32 to vector<16xi32>
        %sub3A_186 = arith.subi %add3A_180, %sub3A_185 : vector<16xi32>
        %select_n3A_187 = arith.select %ge3A_183, %sub3A_186, %add3A_180 : vector<16xi1>, vector<16xi32>
        %add3A_188 = arith.constant 0 : i32
        %add3A_189 = vector.broadcast %add3A_188 : i32 to vector<16xi32>
        %add3A_190 = arith.addi %select_n3A_187, %add3A_189 : vector<16xi32>
        %add3A_191 = arith.addi %mul3A_37, %add3A_190 : vector<16xi32>
        %gather3A_192 = tpu.vector_load_idx %arg6[%add3A_191] : memref<16384xf32, #tpu.memory_space<vmem>>[vector<16xi32>], vector<16xf32>,
        %gt3A_193 = arith.cmpf ogt, %gather3A_192, %select_n3A_136 : vector<16xf32>
        %gt3A_194 = arith.cmpf ogt, %gather3A_192, %select_n3A_133 : vector<16xf32>
        %select_n3A_195 = arith.select %gt3A_194, %gather3A_192, %select_n3A_133 : vector<16xi1>, vector<16xf32>
        %select_n3A_196 = arith.select %gt3A_193, %select_n3A_136, %select_n3A_195 : vector<16xi1>, vector<16xf32>
        %select_n3A_197 = arith.select %gt3A_194, %add3A_190, %select_n3A_135 : vector<16xi1>, vector<16xi32>
        %select_n3A_198 = arith.select %gt3A_193, %select_n3A_137, %select_n3A_197 : vector<16xi1>, vector<16xi32>
        %select_n3A_199 = arith.select %gt3A_193, %gather3A_192, %select_n3A_136 : vector<16xi1>, vector<16xf32>
        %select_n3A_200 = arith.select %gt3A_193, %add3A_190, %select_n3A_137 : vector<16xi1>, vector<16xi32>
        %add3A_201 = arith.constant 16 : i32
        %add3A_202 = vector.broadcast %add3A_201 : i32 to vector<16xi32>
        %add3A_203 = arith.addi %select_n3A_187, %add3A_202 : vector<16xi32>
        %add3A_204 = arith.addi %mul3A_37, %add3A_203 : vector<16xi32>
        %gather3A_205 = tpu.vector_load_idx %arg6[%add3A_204] : memref<16384xf32, #tpu.memory_space<vmem>>[vector<16xi32>], vector<16xf32>,
        %gt3A_206 = arith.cmpf ogt, %gather3A_205, %select_n3A_149 : vector<16xf32>
        %gt3A_207 = arith.cmpf ogt, %gather3A_205, %select_n3A_146 : vector<16xf32>
        %select_n3A_208 = arith.select %gt3A_207, %gather3A_205, %select_n3A_146 : vector<16xi1>, vector<16xf32>
        %select_n3A_209 = arith.select %gt3A_206, %select_n3A_149, %select_n3A_208 : vector<16xi1>, vector<16xf32>
        %select_n3A_210 = arith.select %gt3A_207, %add3A_203, %select_n3A_148 : vector<16xi1>, vector<16xi32>
        %select_n3A_211 = arith.select %gt3A_206, %select_n3A_150, %select_n3A_210 : vector<16xi1>, vector<16xi32>
        %select_n3A_212 = arith.select %gt3A_206, %gather3A_205, %select_n3A_149 : vector<16xi1>, vector<16xf32>
        %select_n3A_213 = arith.select %gt3A_206, %add3A_203, %select_n3A_150 : vector<16xi1>, vector<16xi32>
        %add3A_214 = arith.constant 32 : i32
        %add3A_215 = vector.broadcast %add3A_214 : i32 to vector<16xi32>
        %add3A_216 = arith.addi %select_n3A_187, %add3A_215 : vector<16xi32>
        %add3A_217 = arith.addi %mul3A_37, %add3A_216 : vector<16xi32>
        %gather3A_218 = tpu.vector_load_idx %arg6[%add3A_217] : memref<16384xf32, #tpu.memory_space<vmem>>[vector<16xi32>], vector<16xf32>,
        %gt3A_219 = arith.cmpf ogt, %gather3A_218, %select_n3A_162 : vector<16xf32>
        %gt3A_220 = arith.cmpf ogt, %gather3A_218, %select_n3A_159 : vector<16xf32>
        %select_n3A_221 = arith.select %gt3A_220, %gather3A_218, %select_n3A_159 : vector<16xi1>, vector<16xf32>
        %select_n3A_222 = arith.select %gt3A_219, %select_n3A_162, %select_n3A_221 : vector<16xi1>, vector<16xf32>
        %select_n3A_223 = arith.select %gt3A_220, %add3A_216, %select_n3A_161 : vector<16xi1>, vector<16xi32>
        %select_n3A_224 = arith.select %gt3A_219, %select_n3A_163, %select_n3A_223 : vector<16xi1>, vector<16xi32>
        %select_n3A_225 = arith.select %gt3A_219, %gather3A_218, %select_n3A_162 : vector<16xi1>, vector<16xf32>
        %select_n3A_226 = arith.select %gt3A_219, %add3A_216, %select_n3A_163 : vector<16xi1>, vector<16xi32>
        %add3A_227 = arith.constant 48 : i32
        %add3A_228 = vector.broadcast %add3A_227 : i32 to vector<16xi32>
        %add3A_229 = arith.addi %select_n3A_187, %add3A_228 : vector<16xi32>
        %add3A_230 = arith.addi %mul3A_37, %add3A_229 : vector<16xi32>
        %gather3A_231 = tpu.vector_load_idx %arg6[%add3A_230] : memref<16384xf32, #tpu.memory_space<vmem>>[vector<16xi32>], vector<16xf32>,
        %gt3A_232 = arith.cmpf ogt, %gather3A_231, %select_n3A_175 : vector<16xf32>
        %gt3A_233 = arith.cmpf ogt, %gather3A_231, %select_n3A_172 : vector<16xf32>
        %select_n3A_234 = arith.select %gt3A_233, %gather3A_231, %select_n3A_172 : vector<16xi1>, vector<16xf32>
        %select_n3A_235 = arith.select %gt3A_232, %select_n3A_175, %select_n3A_234 : vector<16xi1>, vector<16xf32>
        %select_n3A_236 = arith.select %gt3A_233, %add3A_229, %select_n3A_174 : vector<16xi1>, vector<16xi32>
        %select_n3A_237 = arith.select %gt3A_232, %select_n3A_176, %select_n3A_236 : vector<16xi1>, vector<16xi32>
        %select_n3A_238 = arith.select %gt3A_232, %gather3A_231, %select_n3A_175 : vector<16xi1>, vector<16xf32>
        %select_n3A_239 = arith.select %gt3A_232, %add3A_229, %select_n3A_176 : vector<16xi1>, vector<16xi32>
        %scan3A_240 = arith.constant 2 : i32
        %scan3A_241 = arith.addi %scan3A_101, %scan3A_240 : i32
        %add3A_242 = vector.broadcast %scan3A_241 : i32 to vector<16xi32>
        %add3A_243 = arith.addi %iota3A, %add3A_242 : vector<16xi32>
        %ge3A_244 = arith.constant 16 : i32
        %ge3A_245 = vector.broadcast %ge3A_244 : i32 to vector<16xi32>
        %ge3A_246 = arith.cmpi sge, %add3A_243, %ge3A_245 : vector<16xi32>
        %sub3A_247 = arith.constant 16 : i32
        %sub3A_248 = vector.broadcast %sub3A_247 : i32 to vector<16xi32>
        %sub3A_249 = arith.subi %add3A_243, %sub3A_248 : vector<16xi32>
        %select_n3A_250 = arith.select %ge3A_246, %sub3A_249, %add3A_243 : vector<16xi1>, vector<16xi32>
        %add3A_251 = arith.constant 0 : i32
        %add3A_252 = vector.broadcast %add3A_251 : i32 to vector<16xi32>
        %add3A_253 = arith.addi %select_n3A_250, %add3A_252 : vector<16xi32>
        %add3A_254 = arith.addi %mul3A_37, %add3A_253 : vector<16xi32>
        %gather3A_255 = tpu.vector_load_idx %arg6[%add3A_254] : memref<16384xf32, #tpu.memory_space<vmem>>[vector<16xi32>], vector<16xf32>,
        %gt3A_256 = arith.cmpf ogt, %gather3A_255, %select_n3A_199 : vector<16xf32>
        %gt3A_257 = arith.cmpf ogt, %gather3A_255, %select_n3A_196 : vector<16xf32>
        %select_n3A_258 = arith.select %gt3A_257, %gather3A_255, %select_n3A_196 : vector<16xi1>, vector<16xf32>
        %select_n3A_259 = arith.select %gt3A_256, %select_n3A_199, %select_n3A_258 : vector<16xi1>, vector<16xf32>
        %select_n3A_260 = arith.select %gt3A_257, %add3A_253, %select_n3A_198 : vector<16xi1>, vector<16xi32>
        %select_n3A_261 = arith.select %gt3A_256, %select_n3A_200, %select_n3A_260 : vector<16xi1>, vector<16xi32>
        %select_n3A_262 = arith.select %gt3A_256, %gather3A_255, %select_n3A_199 : vector<16xi1>, vector<16xf32>
        %select_n3A_263 = arith.select %gt3A_256, %add3A_253, %select_n3A_200 : vector<16xi1>, vector<16xi32>
        %add3A_264 = arith.constant 16 : i32
        %add3A_265 = vector.broadcast %add3A_264 : i32 to vector<16xi32>
        %add3A_266 = arith.addi %select_n3A_250, %add3A_265 : vector<16xi32>
        %add3A_267 = arith.addi %mul3A_37, %add3A_266 : vector<16xi32>
        %gather3A_268 = tpu.vector_load_idx %arg6[%add3A_267] : memref<16384xf32, #tpu.memory_space<vmem>>[vector<16xi32>], vector<16xf32>,
        %gt3A_269 = arith.cmpf ogt, %gather3A_268, %select_n3A_212 : vector<16xf32>
        %gt3A_270 = arith.cmpf ogt, %gather3A_268, %select_n3A_209 : vector<16xf32>
        %select_n3A_271 = arith.select %gt3A_270, %gather3A_268, %select_n3A_209 : vector<16xi1>, vector<16xf32>
        %select_n3A_272 = arith.select %gt3A_269, %select_n3A_212, %select_n3A_271 : vector<16xi1>, vector<16xf32>
        %select_n3A_273 = arith.select %gt3A_270, %add3A_266, %select_n3A_211 : vector<16xi1>, vector<16xi32>
        %select_n3A_274 = arith.select %gt3A_269, %select_n3A_213, %select_n3A_273 : vector<16xi1>, vector<16xi32>
        %select_n3A_275 = arith.select %gt3A_269, %gather3A_268, %select_n3A_212 : vector<16xi1>, vector<16xf32>
        %select_n3A_276 = arith.select %gt3A_269, %add3A_266, %select_n3A_213 : vector<16xi1>, vector<16xi32>
        %add3A_277 = arith.constant 32 : i32
        %add3A_278 = vector.broadcast %add3A_277 : i32 to vector<16xi32>
        %add3A_279 = arith.addi %select_n3A_250, %add3A_278 : vector<16xi32>
        %add3A_280 = arith.addi %mul3A_37, %add3A_279 : vector<16xi32>
        %gather3A_281 = tpu.vector_load_idx %arg6[%add3A_280] : memref<16384xf32, #tpu.memory_space<vmem>>[vector<16xi32>], vector<16xf32>,
        %gt3A_282 = arith.cmpf ogt, %gather3A_281, %select_n3A_225 : vector<16xf32>
        %gt3A_283 = arith.cmpf ogt, %gather3A_281, %select_n3A_222 : vector<16xf32>
        %select_n3A_284 = arith.select %gt3A_283, %gather3A_281, %select_n3A_222 : vector<16xi1>, vector<16xf32>
        %select_n3A_285 = arith.select %gt3A_282, %select_n3A_225, %select_n3A_284 : vector<16xi1>, vector<16xf32>
        %select_n3A_286 = arith.select %gt3A_283, %add3A_279, %select_n3A_224 : vector<16xi1>, vector<16xi32>
        %select_n3A_287 = arith.select %gt3A_282, %select_n3A_226, %select_n3A_286 : vector<16xi1>, vector<16xi32>
        %select_n3A_288 = arith.select %gt3A_282, %gather3A_281, %select_n3A_225 : vector<16xi1>, vector<16xf32>
        %select_n3A_289 = arith.select %gt3A_282, %add3A_279, %select_n3A_226 : vector<16xi1>, vector<16xi32>
        %add3A_290 = arith.constant 48 : i32
        %add3A_291 = vector.broadcast %add3A_290 : i32 to vector<16xi32>
        %add3A_292 = arith.addi %select_n3A_250, %add3A_291 : vector<16xi32>
        %add3A_293 = arith.addi %mul3A_37, %add3A_292 : vector<16xi32>
        %gather3A_294 = tpu.vector_load_idx %arg6[%add3A_293] : memref<16384xf32, #tpu.memory_space<vmem>>[vector<16xi32>], vector<16xf32>,
        %gt3A_295 = arith.cmpf ogt, %gather3A_294, %select_n3A_238 : vector<16xf32>
        %gt3A_296 = arith.cmpf ogt, %gather3A_294, %select_n3A_235 : vector<16xf32>
        %select_n3A_297 = arith.select %gt3A_296, %gather3A_294, %select_n3A_235 : vector<16xi1>, vector<16xf32>
        %select_n3A_298 = arith.select %gt3A_295, %select_n3A_238, %select_n3A_297 : vector<16xi1>, vector<16xf32>
        %select_n3A_299 = arith.select %gt3A_296, %add3A_292, %select_n3A_237 : vector<16xi1>, vector<16xi32>
        %select_n3A_300 = arith.select %gt3A_295, %select_n3A_239, %select_n3A_299 : vector<16xi1>, vector<16xi32>
        %select_n3A_301 = arith.select %gt3A_295, %gather3A_294, %select_n3A_238 : vector<16xi1>, vector<16xf32>
        %select_n3A_302 = arith.select %gt3A_295, %add3A_292, %select_n3A_239 : vector<16xi1>, vector<16xi32>
        %scan3A_303 = arith.constant 3 : i32
        %scan3A_304 = arith.addi %scan3A_101, %scan3A_303 : i32
        %add3A_305 = vector.broadcast %scan3A_304 : i32 to vector<16xi32>
        %add3A_306 = arith.addi %iota3A, %add3A_305 : vector<16xi32>
        %ge3A_307 = arith.constant 16 : i32
        %ge3A_308 = vector.broadcast %ge3A_307 : i32 to vector<16xi32>
        %ge3A_309 = arith.cmpi sge, %add3A_306, %ge3A_308 : vector<16xi32>
        %sub3A_310 = arith.constant 16 : i32
        %sub3A_311 = vector.broadcast %sub3A_310 : i32 to vector<16xi32>
        %sub3A_312 = arith.subi %add3A_306, %sub3A_311 : vector<16xi32>
        %select_n3A_313 = arith.select %ge3A_309, %sub3A_312, %add3A_306 : vector<16xi1>, vector<16xi32>
        %add3A_314 = arith.constant 0 : i32
        %add3A_315 = vector.broadcast %add3A_314 : i32 to vector<16xi32>
        %add3A_316 = arith.addi %select_n3A_313, %add3A_315 : vector<16xi32>
        %add3A_317 = arith.addi %mul3A_37, %add3A_316 : vector<16xi32>
        %gather3A_318 = tpu.vector_load_idx %arg6[%add3A_317] : memref<16384xf32, #tpu.memory_space<vmem>>[vector<16xi32>], vector<16xf32>,
        %gt3A_319 = arith.cmpf ogt, %gather3A_318, %select_n3A_262 : vector<16xf32>
        %gt3A_320 = arith.cmpf ogt, %gather3A_318, %select_n3A_259 : vector<16xf32>
        %select_n3A_321 = arith.select %gt3A_320, %gather3A_318, %select_n3A_259 : vector<16xi1>, vector<16xf32>
        %select_n3A_322 = arith.select %gt3A_319, %select_n3A_262, %select_n3A_321 : vector<16xi1>, vector<16xf32>
        %select_n3A_323 = arith.select %gt3A_320, %add3A_316, %select_n3A_261 : vector<16xi1>, vector<16xi32>
        %select_n3A_324 = arith.select %gt3A_319, %select_n3A_263, %select_n3A_323 : vector<16xi1>, vector<16xi32>
        %select_n3A_325 = arith.select %gt3A_319, %gather3A_318, %select_n3A_262 : vector<16xi1>, vector<16xf32>
        %select_n3A_326 = arith.select %gt3A_319, %add3A_316, %select_n3A_263 : vector<16xi1>, vector<16xi32>
        %add3A_327 = arith.constant 16 : i32
        %add3A_328 = vector.broadcast %add3A_327 : i32 to vector<16xi32>
        %add3A_329 = arith.addi %select_n3A_313, %add3A_328 : vector<16xi32>
        %add3A_330 = arith.addi %mul3A_37, %add3A_329 : vector<16xi32>
        %gather3A_331 = tpu.vector_load_idx %arg6[%add3A_330] : memref<16384xf32, #tpu.memory_space<vmem>>[vector<16xi32>], vector<16xf32>,
        %gt3A_332 = arith.cmpf ogt, %gather3A_331, %select_n3A_275 : vector<16xf32>
        %gt3A_333 = arith.cmpf ogt, %gather3A_331, %select_n3A_272 : vector<16xf32>
        %select_n3A_334 = arith.select %gt3A_333, %gather3A_331, %select_n3A_272 : vector<16xi1>, vector<16xf32>
        %select_n3A_335 = arith.select %gt3A_332, %select_n3A_275, %select_n3A_334 : vector<16xi1>, vector<16xf32>
        %select_n3A_336 = arith.select %gt3A_333, %add3A_329, %select_n3A_274 : vector<16xi1>, vector<16xi32>
        %select_n3A_337 = arith.select %gt3A_332, %select_n3A_276, %select_n3A_336 : vector<16xi1>, vector<16xi32>
        %select_n3A_338 = arith.select %gt3A_332, %gather3A_331, %select_n3A_275 : vector<16xi1>, vector<16xf32>
        %select_n3A_339 = arith.select %gt3A_332, %add3A_329, %select_n3A_276 : vector<16xi1>, vector<16xi32>
        %add3A_340 = arith.constant 32 : i32
        %add3A_341 = vector.broadcast %add3A_340 : i32 to vector<16xi32>
        %add3A_342 = arith.addi %select_n3A_313, %add3A_341 : vector<16xi32>
        %add3A_343 = arith.addi %mul3A_37, %add3A_342 : vector<16xi32>
        %gather3A_344 = tpu.vector_load_idx %arg6[%add3A_343] : memref<16384xf32, #tpu.memory_space<vmem>>[vector<16xi32>], vector<16xf32>,
        %gt3A_345 = arith.cmpf ogt, %gather3A_344, %select_n3A_288 : vector<16xf32>
        %gt3A_346 = arith.cmpf ogt, %gather3A_344, %select_n3A_285 : vector<16xf32>
        %select_n3A_347 = arith.select %gt3A_346, %gather3A_344, %select_n3A_285 : vector<16xi1>, vector<16xf32>
        %select_n3A_348 = arith.select %gt3A_345, %select_n3A_288, %select_n3A_347 : vector<16xi1>, vector<16xf32>
        %select_n3A_349 = arith.select %gt3A_346, %add3A_342, %select_n3A_287 : vector<16xi1>, vector<16xi32>
        %select_n3A_350 = arith.select %gt3A_345, %select_n3A_289, %select_n3A_349 : vector<16xi1>, vector<16xi32>
        %select_n3A_351 = arith.select %gt3A_345, %gather3A_344, %select_n3A_288 : vector<16xi1>, vector<16xf32>
        %select_n3A_352 = arith.select %gt3A_345, %add3A_342, %select_n3A_289 : vector<16xi1>, vector<16xi32>
        %add3A_353 = arith.constant 48 : i32
        %add3A_354 = vector.broadcast %add3A_353 : i32 to vector<16xi32>
        %add3A_355 = arith.addi %select_n3A_313, %add3A_354 : vector<16xi32>
        %add3A_356 = arith.addi %mul3A_37, %add3A_355 : vector<16xi32>
        %gather3A_357 = tpu.vector_load_idx %arg6[%add3A_356] : memref<16384xf32, #tpu.memory_space<vmem>>[vector<16xi32>], vector<16xf32>,
        %gt3A_358 = arith.cmpf ogt, %gather3A_357, %select_n3A_301 : vector<16xf32>
        %gt3A_359 = arith.cmpf ogt, %gather3A_357, %select_n3A_298 : vector<16xf32>
        %select_n3A_360 = arith.select %gt3A_359, %gather3A_357, %select_n3A_298 : vector<16xi1>, vector<16xf32>
        %select_n3A_361 = arith.select %gt3A_358, %select_n3A_301, %select_n3A_360 : vector<16xi1>, vector<16xf32>
        %select_n3A_362 = arith.select %gt3A_359, %add3A_355, %select_n3A_300 : vector<16xi1>, vector<16xi32>
        %select_n3A_363 = arith.select %gt3A_358, %select_n3A_302, %select_n3A_362 : vector<16xi1>, vector<16xi32>
        %select_n3A_364 = arith.select %gt3A_358, %gather3A_357, %select_n3A_301 : vector<16xi1>, vector<16xf32>
        %select_n3A_365 = arith.select %gt3A_358, %add3A_355, %select_n3A_302 : vector<16xi1>, vector<16xi32>
        scf.yield %select_n3A_325, %select_n3A_326, %select_n3A_322, %select_n3A_324, %select_n3A_338, %select_n3A_339, %select_n3A_335, %select_n3A_337, %select_n3A_351, %select_n3A_352, %select_n3A_348, %select_n3A_350, %select_n3A_364, %select_n3A_365, %select_n3A_361, %select_n3A_363 : vector<16xf32>, vector<16xi32>, vector<16xf32>, vector<16xi32>, vector<16xf32>, vector<16xi32>, vector<16xf32>, vector<16xi32>, vector<16xf32>, vector<16xi32>, vector<16xf32>, vector<16xi32>, vector<16xf32>, vector<16xi32>, vector<16xf32>, vector<16xi32>
      }
      %scan3A_46 = arith.constant 16 : i32
      %ge3A = arith.cmpf oge, %scan3A_45#0, %scan3A_45#4 : vector<16xf32>
      %select_n3A = arith.select %ge3A, %scan3A_45#0, %scan3A_45#4 : vector<16xi1>, vector<16xf32>
      %select_n3A_47 = arith.select %ge3A, %scan3A_45#1, %scan3A_45#5 : vector<16xi1>, vector<16xi32>
      %ge3A_48 = arith.cmpf oge, %scan3A_45#2, %scan3A_45#4 : vector<16xf32>
      %ge3A_49 = arith.cmpf oge, %scan3A_45#0, %scan3A_45#6 : vector<16xf32>
      %select_n3A_50 = arith.select %ge3A_48, %scan3A_45#2, %scan3A_45#4 : vector<16xi1>, vector<16xf32>
      %select_n3A_51 = arith.select %ge3A_49, %scan3A_45#0, %scan3A_45#6 : vector<16xi1>, vector<16xf32>
      %select_n3A_52 = arith.select %ge3A, %select_n3A_50, %select_n3A_51 : vector<16xi1>, vector<16xf32>
      %select_n3A_53 = arith.select %ge3A_48, %scan3A_45#3, %scan3A_45#5 : vector<16xi1>, vector<16xi32>
      %select_n3A_54 = arith.select %ge3A_49, %scan3A_45#1, %scan3A_45#7 : vector<16xi1>, vector<16xi32>
      %select_n3A_55 = arith.select %ge3A, %select_n3A_53, %select_n3A_54 : vector<16xi1>, vector<16xi32>
      %ge3A_56 = arith.cmpf oge, %scan3A_45#8, %scan3A_45#12 : vector<16xf32>
      %select_n3A_57 = arith.select %ge3A_56, %scan3A_45#8, %scan3A_45#12 : vector<16xi1>, vector<16xf32>
      %select_n3A_58 = arith.select %ge3A_56, %scan3A_45#9, %scan3A_45#13 : vector<16xi1>, vector<16xi32>
      %ge3A_59 = arith.cmpf oge, %scan3A_45#10, %scan3A_45#12 : vector<16xf32>
      %ge3A_60 = arith.cmpf oge, %scan3A_45#8, %scan3A_45#14 : vector<16xf32>
      %select_n3A_61 = arith.select %ge3A_59, %scan3A_45#10, %scan3A_45#12 : vector<16xi1>, vector<16xf32>
      %select_n3A_62 = arith.select %ge3A_60, %scan3A_45#8, %scan3A_45#14 : vector<16xi1>, vector<16xf32>
      %select_n3A_63 = arith.select %ge3A_56, %select_n3A_61, %select_n3A_62 : vector<16xi1>, vector<16xf32>
      %select_n3A_64 = arith.select %ge3A_59, %scan3A_45#11, %scan3A_45#13 : vector<16xi1>, vector<16xi32>
      %select_n3A_65 = arith.select %ge3A_60, %scan3A_45#9, %scan3A_45#15 : vector<16xi1>, vector<16xi32>
      %select_n3A_66 = arith.select %ge3A_56, %select_n3A_64, %select_n3A_65 : vector<16xi1>, vector<16xi32>
      %ge3A_67 = arith.cmpf oge, %select_n3A, %select_n3A_57 : vector<16xf32>
      %select_n3A_68 = arith.select %ge3A_67, %select_n3A, %select_n3A_57 : vector<16xi1>, vector<16xf32>
      %select_n3A_69 = arith.select %ge3A_67, %select_n3A_47, %select_n3A_58 : vector<16xi1>, vector<16xi32>
      %ge3A_70 = arith.cmpf oge, %select_n3A_52, %select_n3A_57 : vector<16xf32>
      %ge3A_71 = arith.cmpf oge, %select_n3A, %select_n3A_63 : vector<16xf32>
      %select_n3A_72 = arith.select %ge3A_70, %select_n3A_52, %select_n3A_57 : vector<16xi1>, vector<16xf32>
      %select_n3A_73 = arith.select %ge3A_71, %select_n3A, %select_n3A_63 : vector<16xi1>, vector<16xf32>
      %select_n3A_74 = arith.select %ge3A_67, %select_n3A_72, %select_n3A_73 : vector<16xi1>, vector<16xf32>
      %select_n3A_75 = arith.select %ge3A_70, %select_n3A_55, %select_n3A_58 : vector<16xi1>, vector<16xi32>
      %select_n3A_76 = arith.select %ge3A_71, %select_n3A_47, %select_n3A_66 : vector<16xi1>, vector<16xi32>
      %select_n3A_77 = arith.select %ge3A_67, %select_n3A_75, %select_n3A_76 : vector<16xi1>, vector<16xi32>
      %sub3A = arith.subf %select_n3A_74, %select_n3A_68 : vector<16xf32>
      %exp3A = math.exp %sub3A : vector<16xf32>
      %add3A_78 = arith.constant 1.000000e+00 : f32
      %add3A_79 = vector.broadcast %add3A_78 : f32 to vector<16xf32>
      %add3A_80 = arith.addf %add3A_79, %exp3A : vector<16xf32>
      %div3A = arith.constant 1.000000e+00 : f32
      %div3A_81 = vector.broadcast %div3A : f32 to vector<16xf32>
      %div3A_82 = arith.divf %div3A_81, %add3A_80 : vector<16xf32>
      %sub3A_83 = arith.constant 1.000000e+00 : f32
      %sub3A_84 = vector.broadcast %sub3A_83 : f32 to vector<16xf32>
      %sub3A_85 = arith.subf %sub3A_84, %div3A_82 : vector<16xf32>
      %mul3A_86 = arith.constant 16 : i32
      %mul3A_87 = arith.muli %scan3A_30, %mul3A_86 : i32
      %add3A_88 = arith.constant 128 : i32
      %add3A_89 = arith.addi %add3A_88, %mul3A_87 : i32
      %add3A_90 = vector.broadcast %add3A_89 : i32 to vector<16xi32>
      %add3A_91 = arith.addi %add3A_90, %iota3A : vector<16xi32>
      %mul3A_92 = arith.constant 2 : i32
      %mul3A_93 = vector.broadcast %mul3A_92 : i32 to vector<16xi32>
      %mul3A_94 = arith.muli %add3A_91, %mul3A_93 : vector<16xi32>
      tpu.vector_store_idx %arg7[%mul3A_94], %div3A_82 : memref<512xf32, #tpu.memory_space<vmem>>[vector<16xi32>], vector<16xf32>,
      %add3A_95 = arith.constant 1 : i32
      %add3A_96 = vector.broadcast %add3A_95 : i32 to vector<16xi32>
      %add3A_97 = arith.addi %mul3A_94, %add3A_96 : vector<16xi32>
      tpu.vector_store_idx %arg7[%add3A_97], %sub3A_85 : memref<512xf32, #tpu.memory_space<vmem>>[vector<16xi32>], vector<16xf32>,
      tpu.vector_store_idx %arg8[%mul3A_94], %select_n3A_69 : memref<512xi32, #tpu.memory_space<vmem>>[vector<16xi32>], vector<16xi32>,
      %add3A_98 = arith.constant 1 : i32
      %add3A_99 = vector.broadcast %add3A_98 : i32 to vector<16xi32>
      %add3A_100 = arith.addi %mul3A_94, %add3A_99 : vector<16xi32>
      tpu.vector_store_idx %arg8[%add3A_100], %select_n3A_77 : memref<512xi32, #tpu.memory_space<vmem>>[vector<16xi32>], vector<16xi32>,
    }
    %scan3A_25 = arith.constant 8 : i32
    %mul3A_26 = arith.constant 2 : i32
    %mul3A_27 = arith.muli %mul3A_2, %mul3A_26 : i32
    "tpu.region"() ({
      %run_scoped3A = tpu.sem_alloc : memref<!tpu.dma_semaphore, #tpu.memory_space<semaphore_mem>>
      %dma_start3A_30 = tpu.memref_slice %arg3[%mul3A_27] : memref<16384xf32, #tpu.memory_space<hbm>> -> memref<512xf32, #tpu.memory_space<hbm>>
      %dma_start3A_31 = tpu.memref_slice %arg3[%mul3A_27] : memref<16384xf32, #tpu.memory_space<hbm>> -> memref<512xf32, #tpu.memory_space<hbm>>
      tpu.enqueue_dma source(%arg7 : memref<512xf32, #tpu.memory_space<vmem>>) target(%dma_start3A_31 : memref<512xf32, #tpu.memory_space<hbm>>) target_semaphore(%run_scoped3A : memref<!tpu.dma_semaphore, #tpu.memory_space<semaphore_mem>>)
      %dma_wait3A_32 = tpu.memref_slice %arg3[%mul3A_27] : memref<16384xf32, #tpu.memory_space<hbm>> -> memref<512xf32, #tpu.memory_space<hbm>>
      %dma_wait3A_33 = tpu.memref_slice %arg3[%mul3A_27] : memref<16384xf32, #tpu.memory_space<hbm>> -> memref<512xf32, #tpu.memory_space<hbm>>
      tpu.wait_dma2 semaphore(%run_scoped3A : memref<!tpu.dma_semaphore, #tpu.memory_space<semaphore_mem>>) src(%arg7 : memref<512xf32, #tpu.memory_space<vmem>>) dst(%dma_wait3A_33 : memref<512xf32, #tpu.memory_space<hbm>>)
      tpu.yield
    }) : () -> ()
    %mul3A_28 = arith.constant 2 : i32
    %mul3A_29 = arith.muli %mul3A_2, %mul3A_28 : i32
    "tpu.region"() ({
      %run_scoped3A = tpu.sem_alloc : memref<!tpu.dma_semaphore, #tpu.memory_space<semaphore_mem>>
      %dma_start3A_30 = tpu.memref_slice %arg4[%mul3A_29] : memref<16384xi32, #tpu.memory_space<hbm>> -> memref<512xi32, #tpu.memory_space<hbm>>
      %dma_start3A_31 = tpu.memref_slice %arg4[%mul3A_29] : memref<16384xi32, #tpu.memory_space<hbm>> -> memref<512xi32, #tpu.memory_space<hbm>>
      tpu.enqueue_dma source(%arg8 : memref<512xi32, #tpu.memory_space<vmem>>) target(%dma_start3A_31 : memref<512xi32, #tpu.memory_space<hbm>>) target_semaphore(%run_scoped3A : memref<!tpu.dma_semaphore, #tpu.memory_space<semaphore_mem>>)
      %dma_wait3A_32 = tpu.memref_slice %arg4[%mul3A_29] : memref<16384xi32, #tpu.memory_space<hbm>> -> memref<512xi32, #tpu.memory_space<hbm>>
      %dma_wait3A_33 = tpu.memref_slice %arg4[%mul3A_29] : memref<16384xi32, #tpu.memory_space<hbm>> -> memref<512xi32, #tpu.memory_space<hbm>>
      tpu.wait_dma2 semaphore(%run_scoped3A : memref<!tpu.dma_semaphore, #tpu.memory_space<semaphore_mem>>) src(%arg8 : memref<512xi32, #tpu.memory_space<vmem>>) dst(%dma_wait3A_33 : memref<512xi32, #tpu.memory_space<hbm>>)
      tpu.yield
    }) : () -> ()
    return
  }
}

#map = affine_map<(d0, d1) -> (0)>
module attributes {stable_mosaic.version = 14 : i64} {
  func.func @route(%arg0: i32, %arg1: i32, %arg2: memref<3145728xf32, #tpu.memory_space<hbm>>, %arg3: memref<49152xf32, #tpu.memory_space<hbm>>, %arg4: memref<49152xi32, #tpu.memory_space<hbm>>, %arg5: memref<49152xf32, #tpu.memory_space<vmem>>, %arg6: memref<49152xf32, #tpu.memory_space<vmem>>, %arg7: memref<1536xf32, #tpu.memory_space<vmem>>, %arg8: memref<1536xi32, #tpu.memory_space<vmem>>, %arg9: memref<!tpu.dma_semaphore, #tpu.memory_space<semaphore_mem>>, %arg10: memref<!tpu.dma_semaphore, #tpu.memory_space<semaphore_mem>>) attributes {dimension_semantics = [#tpu.dimension_semantics<core_parallel>, #tpu.dimension_semantics<subcore_parallel>], iteration_bounds = array<i64: 2, 16>, scalar_prefetch = 0 : i64, scratch_operands = 6 : i64, tpu.core_type = #tpu.core_type<sc_vector_subcore>, window_params = [{transform_indices = #map}, {transform_indices = #map}, {transform_indices = #map}]} {
    %mul3A = arith.constant 2 : i32
    %mul3A_0 = arith.muli %arg1, %mul3A : i32
    %add3A = arith.addi %mul3A_0, %arg0 : i32
    %mul3A_1 = arith.constant 768 : i32
    %mul3A_2 = arith.muli %add3A, %mul3A_1 : i32
    %mul3A_3 = arith.constant 128 : i32
    %mul3A_4 = arith.muli %mul3A_2, %mul3A_3 : i32
    %dma_start3A = tpu.memref_slice %arg2[%mul3A_4] : memref<3145728xf32, #tpu.memory_space<hbm>> -> memref<49152xf32, #tpu.memory_space<hbm>>
    %dma_start3A_5 = tpu.memref_slice %arg2[%mul3A_4] : memref<3145728xf32, #tpu.memory_space<hbm>> -> memref<49152xf32, #tpu.memory_space<hbm>>
    tpu.enqueue_dma source(%dma_start3A_5 : memref<49152xf32, #tpu.memory_space<hbm>>) target(%arg5 : memref<49152xf32, #tpu.memory_space<vmem>>) target_semaphore(%arg9 : memref<!tpu.dma_semaphore, #tpu.memory_space<semaphore_mem>>)
    %add3A_6 = arith.constant 384 : i32
    %add3A_7 = arith.addi %mul3A_2, %add3A_6 : i32
    %mul3A_8 = arith.constant 128 : i32
    %mul3A_9 = arith.muli %add3A_7, %mul3A_8 : i32
    %dma_start3A_10 = tpu.memref_slice %arg2[%mul3A_9] : memref<3145728xf32, #tpu.memory_space<hbm>> -> memref<49152xf32, #tpu.memory_space<hbm>>
    %dma_start3A_11 = tpu.memref_slice %arg2[%mul3A_9] : memref<3145728xf32, #tpu.memory_space<hbm>> -> memref<49152xf32, #tpu.memory_space<hbm>>
    tpu.enqueue_dma source(%dma_start3A_11 : memref<49152xf32, #tpu.memory_space<hbm>>) target(%arg6 : memref<49152xf32, #tpu.memory_space<vmem>>) target_semaphore(%arg10 : memref<!tpu.dma_semaphore, #tpu.memory_space<semaphore_mem>>)
    %iota3A = tpu.iota {dimensions = array<i32: 0>} : vector<16xi32>
    %dma_wait3A = tpu.memref_slice %arg2[%mul3A_4] : memref<3145728xf32, #tpu.memory_space<hbm>> -> memref<49152xf32, #tpu.memory_space<hbm>>
    %dma_wait3A_12 = tpu.memref_slice %arg2[%mul3A_4] : memref<3145728xf32, #tpu.memory_space<hbm>> -> memref<49152xf32, #tpu.memory_space<hbm>>
    tpu.wait_dma2 semaphore(%arg9 : memref<!tpu.dma_semaphore, #tpu.memory_space<semaphore_mem>>) src(%dma_wait3A_12 : memref<49152xf32, #tpu.memory_space<hbm>>) dst(%arg5 : memref<49152xf32, #tpu.memory_space<vmem>>)
    %scan3A = arith.constant 0 : i32
    %scan3A_13 = arith.constant 0 : i32
    %scan3A_14 = arith.constant 24 : i32
    %scan3A_15 = arith.addi %scan3A_13, %scan3A_14 : i32
    %scan3A_16 = arith.constant 1 : i32
    scf.for %scan3A_30 = %scan3A_13 to %scan3A_15 step %scan3A_16  : i32 {
      %mul3A_31 = arith.constant 16 : i32
      %mul3A_32 = arith.muli %scan3A_30, %mul3A_31 : i32
      %add3A_33 = vector.broadcast %mul3A_32 : i32 to vector<16xi32>
      %add3A_34 = arith.addi %add3A_33, %iota3A : vector<16xi32>
      %mul3A_35 = arith.constant 128 : i32
      %mul3A_36 = vector.broadcast %mul3A_35 : i32 to vector<16xi32>
      %mul3A_37 = arith.muli %add3A_34, %mul3A_36 : vector<16xi32>
      %broadcast_in_dim3A = arith.constant -3.000000e+38 : f32
      %broadcast_in_dim3A_38 = vector.broadcast %broadcast_in_dim3A : f32 to vector<16xf32>
      %broadcast_in_dim3A_39 = arith.constant 0 : i32
      %broadcast_in_dim3A_40 = vector.broadcast %broadcast_in_dim3A_39 : i32 to vector<16xi32>
      %scan3A_41 = arith.constant 0 : i32
      %scan3A_42 = arith.constant 16 : i32
      %scan3A_43 = arith.addi %scan3A_41, %scan3A_42 : i32
      %scan3A_44 = arith.constant 4 : i32
      %scan3A_45:16 = scf.for %scan3A_101 = %scan3A_41 to %scan3A_43 step %scan3A_44 iter_args(%scan3A_102 = %broadcast_in_dim3A_38, %scan3A_103 = %broadcast_in_dim3A_40, %scan3A_104 = %broadcast_in_dim3A_38, %scan3A_105 = %broadcast_in_dim3A_40, %scan3A_106 = %broadcast_in_dim3A_38, %scan3A_107 = %broadcast_in_dim3A_40, %scan3A_108 = %broadcast_in_dim3A_38, %scan3A_109 = %broadcast_in_dim3A_40, %scan3A_110 = %broadcast_in_dim3A_38, %scan3A_111 = %broadcast_in_dim3A_40, %scan3A_112 = %broadcast_in_dim3A_38, %scan3A_113 = %broadcast_in_dim3A_40, %scan3A_114 = %broadcast_in_dim3A_38, %scan3A_115 = %broadcast_in_dim3A_40, %scan3A_116 = %broadcast_in_dim3A_38, %scan3A_117 = %broadcast_in_dim3A_40) -> (vector<16xf32>, vector<16xi32>, vector<16xf32>, vector<16xi32>, vector<16xf32>, vector<16xi32>, vector<16xf32>, vector<16xi32>, vector<16xf32>, vector<16xi32>, vector<16xf32>, vector<16xi32>, vector<16xf32>, vector<16xi32>, vector<16xf32>, vector<16xi32>)  : i32 {
        %add3A_118 = vector.broadcast %scan3A_101 : i32 to vector<16xi32>
        %add3A_119 = arith.addi %iota3A, %add3A_118 : vector<16xi32>
        %ge3A_120 = arith.constant 16 : i32
        %ge3A_121 = vector.broadcast %ge3A_120 : i32 to vector<16xi32>
        %ge3A_122 = arith.cmpi sge, %add3A_119, %ge3A_121 : vector<16xi32>
        %sub3A_123 = arith.constant 16 : i32
        %sub3A_124 = vector.broadcast %sub3A_123 : i32 to vector<16xi32>
        %sub3A_125 = arith.subi %add3A_119, %sub3A_124 : vector<16xi32>
        %select_n3A_126 = arith.select %ge3A_122, %sub3A_125, %add3A_119 : vector<16xi1>, vector<16xi32>
        %add3A_127 = arith.constant 0 : i32
        %add3A_128 = vector.broadcast %add3A_127 : i32 to vector<16xi32>
        %add3A_129 = arith.addi %select_n3A_126, %add3A_128 : vector<16xi32>
        %add3A_130 = arith.addi %mul3A_37, %add3A_129 : vector<16xi32>
        %gather3A = tpu.vector_load_idx %arg5[%add3A_130] : memref<49152xf32, #tpu.memory_space<vmem>>[vector<16xi32>], vector<16xf32>,
        %gt3A = arith.cmpf ogt, %gather3A, %scan3A_102 : vector<16xf32>
        %gt3A_131 = arith.cmpf ogt, %gather3A, %scan3A_104 : vector<16xf32>
        %select_n3A_132 = arith.select %gt3A_131, %gather3A, %scan3A_104 : vector<16xi1>, vector<16xf32>
        %select_n3A_133 = arith.select %gt3A, %scan3A_102, %select_n3A_132 : vector<16xi1>, vector<16xf32>
        %select_n3A_134 = arith.select %gt3A_131, %add3A_129, %scan3A_105 : vector<16xi1>, vector<16xi32>
        %select_n3A_135 = arith.select %gt3A, %scan3A_103, %select_n3A_134 : vector<16xi1>, vector<16xi32>
        %select_n3A_136 = arith.select %gt3A, %gather3A, %scan3A_102 : vector<16xi1>, vector<16xf32>
        %select_n3A_137 = arith.select %gt3A, %add3A_129, %scan3A_103 : vector<16xi1>, vector<16xi32>
        %add3A_138 = arith.constant 16 : i32
        %add3A_139 = vector.broadcast %add3A_138 : i32 to vector<16xi32>
        %add3A_140 = arith.addi %select_n3A_126, %add3A_139 : vector<16xi32>
        %add3A_141 = arith.addi %mul3A_37, %add3A_140 : vector<16xi32>
        %gather3A_142 = tpu.vector_load_idx %arg5[%add3A_141] : memref<49152xf32, #tpu.memory_space<vmem>>[vector<16xi32>], vector<16xf32>,
        %gt3A_143 = arith.cmpf ogt, %gather3A_142, %scan3A_106 : vector<16xf32>
        %gt3A_144 = arith.cmpf ogt, %gather3A_142, %scan3A_108 : vector<16xf32>
        %select_n3A_145 = arith.select %gt3A_144, %gather3A_142, %scan3A_108 : vector<16xi1>, vector<16xf32>
        %select_n3A_146 = arith.select %gt3A_143, %scan3A_106, %select_n3A_145 : vector<16xi1>, vector<16xf32>
        %select_n3A_147 = arith.select %gt3A_144, %add3A_140, %scan3A_109 : vector<16xi1>, vector<16xi32>
        %select_n3A_148 = arith.select %gt3A_143, %scan3A_107, %select_n3A_147 : vector<16xi1>, vector<16xi32>
        %select_n3A_149 = arith.select %gt3A_143, %gather3A_142, %scan3A_106 : vector<16xi1>, vector<16xf32>
        %select_n3A_150 = arith.select %gt3A_143, %add3A_140, %scan3A_107 : vector<16xi1>, vector<16xi32>
        %add3A_151 = arith.constant 32 : i32
        %add3A_152 = vector.broadcast %add3A_151 : i32 to vector<16xi32>
        %add3A_153 = arith.addi %select_n3A_126, %add3A_152 : vector<16xi32>
        %add3A_154 = arith.addi %mul3A_37, %add3A_153 : vector<16xi32>
        %gather3A_155 = tpu.vector_load_idx %arg5[%add3A_154] : memref<49152xf32, #tpu.memory_space<vmem>>[vector<16xi32>], vector<16xf32>,
        %gt3A_156 = arith.cmpf ogt, %gather3A_155, %scan3A_110 : vector<16xf32>
        %gt3A_157 = arith.cmpf ogt, %gather3A_155, %scan3A_112 : vector<16xf32>
        %select_n3A_158 = arith.select %gt3A_157, %gather3A_155, %scan3A_112 : vector<16xi1>, vector<16xf32>
        %select_n3A_159 = arith.select %gt3A_156, %scan3A_110, %select_n3A_158 : vector<16xi1>, vector<16xf32>
        %select_n3A_160 = arith.select %gt3A_157, %add3A_153, %scan3A_113 : vector<16xi1>, vector<16xi32>
        %select_n3A_161 = arith.select %gt3A_156, %scan3A_111, %select_n3A_160 : vector<16xi1>, vector<16xi32>
        %select_n3A_162 = arith.select %gt3A_156, %gather3A_155, %scan3A_110 : vector<16xi1>, vector<16xf32>
        %select_n3A_163 = arith.select %gt3A_156, %add3A_153, %scan3A_111 : vector<16xi1>, vector<16xi32>
        %add3A_164 = arith.constant 48 : i32
        %add3A_165 = vector.broadcast %add3A_164 : i32 to vector<16xi32>
        %add3A_166 = arith.addi %select_n3A_126, %add3A_165 : vector<16xi32>
        %add3A_167 = arith.addi %mul3A_37, %add3A_166 : vector<16xi32>
        %gather3A_168 = tpu.vector_load_idx %arg5[%add3A_167] : memref<49152xf32, #tpu.memory_space<vmem>>[vector<16xi32>], vector<16xf32>,
        %gt3A_169 = arith.cmpf ogt, %gather3A_168, %scan3A_114 : vector<16xf32>
        %gt3A_170 = arith.cmpf ogt, %gather3A_168, %scan3A_116 : vector<16xf32>
        %select_n3A_171 = arith.select %gt3A_170, %gather3A_168, %scan3A_116 : vector<16xi1>, vector<16xf32>
        %select_n3A_172 = arith.select %gt3A_169, %scan3A_114, %select_n3A_171 : vector<16xi1>, vector<16xf32>
        %select_n3A_173 = arith.select %gt3A_170, %add3A_166, %scan3A_117 : vector<16xi1>, vector<16xi32>
        %select_n3A_174 = arith.select %gt3A_169, %scan3A_115, %select_n3A_173 : vector<16xi1>, vector<16xi32>
        %select_n3A_175 = arith.select %gt3A_169, %gather3A_168, %scan3A_114 : vector<16xi1>, vector<16xf32>
        %select_n3A_176 = arith.select %gt3A_169, %add3A_166, %scan3A_115 : vector<16xi1>, vector<16xi32>
        %scan3A_177 = arith.constant 1 : i32
        %scan3A_178 = arith.addi %scan3A_101, %scan3A_177 : i32
        %add3A_179 = vector.broadcast %scan3A_178 : i32 to vector<16xi32>
        %add3A_180 = arith.addi %iota3A, %add3A_179 : vector<16xi32>
        %ge3A_181 = arith.constant 16 : i32
        %ge3A_182 = vector.broadcast %ge3A_181 : i32 to vector<16xi32>
        %ge3A_183 = arith.cmpi sge, %add3A_180, %ge3A_182 : vector<16xi32>
        %sub3A_184 = arith.constant 16 : i32
        %sub3A_185 = vector.broadcast %sub3A_184 : i32 to vector<16xi32>
        %sub3A_186 = arith.subi %add3A_180, %sub3A_185 : vector<16xi32>
        %select_n3A_187 = arith.select %ge3A_183, %sub3A_186, %add3A_180 : vector<16xi1>, vector<16xi32>
        %add3A_188 = arith.constant 0 : i32
        %add3A_189 = vector.broadcast %add3A_188 : i32 to vector<16xi32>
        %add3A_190 = arith.addi %select_n3A_187, %add3A_189 : vector<16xi32>
        %add3A_191 = arith.addi %mul3A_37, %add3A_190 : vector<16xi32>
        %gather3A_192 = tpu.vector_load_idx %arg5[%add3A_191] : memref<49152xf32, #tpu.memory_space<vmem>>[vector<16xi32>], vector<16xf32>,
        %gt3A_193 = arith.cmpf ogt, %gather3A_192, %select_n3A_136 : vector<16xf32>
        %gt3A_194 = arith.cmpf ogt, %gather3A_192, %select_n3A_133 : vector<16xf32>
        %select_n3A_195 = arith.select %gt3A_194, %gather3A_192, %select_n3A_133 : vector<16xi1>, vector<16xf32>
        %select_n3A_196 = arith.select %gt3A_193, %select_n3A_136, %select_n3A_195 : vector<16xi1>, vector<16xf32>
        %select_n3A_197 = arith.select %gt3A_194, %add3A_190, %select_n3A_135 : vector<16xi1>, vector<16xi32>
        %select_n3A_198 = arith.select %gt3A_193, %select_n3A_137, %select_n3A_197 : vector<16xi1>, vector<16xi32>
        %select_n3A_199 = arith.select %gt3A_193, %gather3A_192, %select_n3A_136 : vector<16xi1>, vector<16xf32>
        %select_n3A_200 = arith.select %gt3A_193, %add3A_190, %select_n3A_137 : vector<16xi1>, vector<16xi32>
        %add3A_201 = arith.constant 16 : i32
        %add3A_202 = vector.broadcast %add3A_201 : i32 to vector<16xi32>
        %add3A_203 = arith.addi %select_n3A_187, %add3A_202 : vector<16xi32>
        %add3A_204 = arith.addi %mul3A_37, %add3A_203 : vector<16xi32>
        %gather3A_205 = tpu.vector_load_idx %arg5[%add3A_204] : memref<49152xf32, #tpu.memory_space<vmem>>[vector<16xi32>], vector<16xf32>,
        %gt3A_206 = arith.cmpf ogt, %gather3A_205, %select_n3A_149 : vector<16xf32>
        %gt3A_207 = arith.cmpf ogt, %gather3A_205, %select_n3A_146 : vector<16xf32>
        %select_n3A_208 = arith.select %gt3A_207, %gather3A_205, %select_n3A_146 : vector<16xi1>, vector<16xf32>
        %select_n3A_209 = arith.select %gt3A_206, %select_n3A_149, %select_n3A_208 : vector<16xi1>, vector<16xf32>
        %select_n3A_210 = arith.select %gt3A_207, %add3A_203, %select_n3A_148 : vector<16xi1>, vector<16xi32>
        %select_n3A_211 = arith.select %gt3A_206, %select_n3A_150, %select_n3A_210 : vector<16xi1>, vector<16xi32>
        %select_n3A_212 = arith.select %gt3A_206, %gather3A_205, %select_n3A_149 : vector<16xi1>, vector<16xf32>
        %select_n3A_213 = arith.select %gt3A_206, %add3A_203, %select_n3A_150 : vector<16xi1>, vector<16xi32>
        %add3A_214 = arith.constant 32 : i32
        %add3A_215 = vector.broadcast %add3A_214 : i32 to vector<16xi32>
        %add3A_216 = arith.addi %select_n3A_187, %add3A_215 : vector<16xi32>
        %add3A_217 = arith.addi %mul3A_37, %add3A_216 : vector<16xi32>
        %gather3A_218 = tpu.vector_load_idx %arg5[%add3A_217] : memref<49152xf32, #tpu.memory_space<vmem>>[vector<16xi32>], vector<16xf32>,
        %gt3A_219 = arith.cmpf ogt, %gather3A_218, %select_n3A_162 : vector<16xf32>
        %gt3A_220 = arith.cmpf ogt, %gather3A_218, %select_n3A_159 : vector<16xf32>
        %select_n3A_221 = arith.select %gt3A_220, %gather3A_218, %select_n3A_159 : vector<16xi1>, vector<16xf32>
        %select_n3A_222 = arith.select %gt3A_219, %select_n3A_162, %select_n3A_221 : vector<16xi1>, vector<16xf32>
        %select_n3A_223 = arith.select %gt3A_220, %add3A_216, %select_n3A_161 : vector<16xi1>, vector<16xi32>
        %select_n3A_224 = arith.select %gt3A_219, %select_n3A_163, %select_n3A_223 : vector<16xi1>, vector<16xi32>
        %select_n3A_225 = arith.select %gt3A_219, %gather3A_218, %select_n3A_162 : vector<16xi1>, vector<16xf32>
        %select_n3A_226 = arith.select %gt3A_219, %add3A_216, %select_n3A_163 : vector<16xi1>, vector<16xi32>
        %add3A_227 = arith.constant 48 : i32
        %add3A_228 = vector.broadcast %add3A_227 : i32 to vector<16xi32>
        %add3A_229 = arith.addi %select_n3A_187, %add3A_228 : vector<16xi32>
        %add3A_230 = arith.addi %mul3A_37, %add3A_229 : vector<16xi32>
        %gather3A_231 = tpu.vector_load_idx %arg5[%add3A_230] : memref<49152xf32, #tpu.memory_space<vmem>>[vector<16xi32>], vector<16xf32>,
        %gt3A_232 = arith.cmpf ogt, %gather3A_231, %select_n3A_175 : vector<16xf32>
        %gt3A_233 = arith.cmpf ogt, %gather3A_231, %select_n3A_172 : vector<16xf32>
        %select_n3A_234 = arith.select %gt3A_233, %gather3A_231, %select_n3A_172 : vector<16xi1>, vector<16xf32>
        %select_n3A_235 = arith.select %gt3A_232, %select_n3A_175, %select_n3A_234 : vector<16xi1>, vector<16xf32>
        %select_n3A_236 = arith.select %gt3A_233, %add3A_229, %select_n3A_174 : vector<16xi1>, vector<16xi32>
        %select_n3A_237 = arith.select %gt3A_232, %select_n3A_176, %select_n3A_236 : vector<16xi1>, vector<16xi32>
        %select_n3A_238 = arith.select %gt3A_232, %gather3A_231, %select_n3A_175 : vector<16xi1>, vector<16xf32>
        %select_n3A_239 = arith.select %gt3A_232, %add3A_229, %select_n3A_176 : vector<16xi1>, vector<16xi32>
        %scan3A_240 = arith.constant 2 : i32
        %scan3A_241 = arith.addi %scan3A_101, %scan3A_240 : i32
        %add3A_242 = vector.broadcast %scan3A_241 : i32 to vector<16xi32>
        %add3A_243 = arith.addi %iota3A, %add3A_242 : vector<16xi32>
        %ge3A_244 = arith.constant 16 : i32
        %ge3A_245 = vector.broadcast %ge3A_244 : i32 to vector<16xi32>
        %ge3A_246 = arith.cmpi sge, %add3A_243, %ge3A_245 : vector<16xi32>
        %sub3A_247 = arith.constant 16 : i32
        %sub3A_248 = vector.broadcast %sub3A_247 : i32 to vector<16xi32>
        %sub3A_249 = arith.subi %add3A_243, %sub3A_248 : vector<16xi32>
        %select_n3A_250 = arith.select %ge3A_246, %sub3A_249, %add3A_243 : vector<16xi1>, vector<16xi32>
        %add3A_251 = arith.constant 0 : i32
        %add3A_252 = vector.broadcast %add3A_251 : i32 to vector<16xi32>
        %add3A_253 = arith.addi %select_n3A_250, %add3A_252 : vector<16xi32>
        %add3A_254 = arith.addi %mul3A_37, %add3A_253 : vector<16xi32>
        %gather3A_255 = tpu.vector_load_idx %arg5[%add3A_254] : memref<49152xf32, #tpu.memory_space<vmem>>[vector<16xi32>], vector<16xf32>,
        %gt3A_256 = arith.cmpf ogt, %gather3A_255, %select_n3A_199 : vector<16xf32>
        %gt3A_257 = arith.cmpf ogt, %gather3A_255, %select_n3A_196 : vector<16xf32>
        %select_n3A_258 = arith.select %gt3A_257, %gather3A_255, %select_n3A_196 : vector<16xi1>, vector<16xf32>
        %select_n3A_259 = arith.select %gt3A_256, %select_n3A_199, %select_n3A_258 : vector<16xi1>, vector<16xf32>
        %select_n3A_260 = arith.select %gt3A_257, %add3A_253, %select_n3A_198 : vector<16xi1>, vector<16xi32>
        %select_n3A_261 = arith.select %gt3A_256, %select_n3A_200, %select_n3A_260 : vector<16xi1>, vector<16xi32>
        %select_n3A_262 = arith.select %gt3A_256, %gather3A_255, %select_n3A_199 : vector<16xi1>, vector<16xf32>
        %select_n3A_263 = arith.select %gt3A_256, %add3A_253, %select_n3A_200 : vector<16xi1>, vector<16xi32>
        %add3A_264 = arith.constant 16 : i32
        %add3A_265 = vector.broadcast %add3A_264 : i32 to vector<16xi32>
        %add3A_266 = arith.addi %select_n3A_250, %add3A_265 : vector<16xi32>
        %add3A_267 = arith.addi %mul3A_37, %add3A_266 : vector<16xi32>
        %gather3A_268 = tpu.vector_load_idx %arg5[%add3A_267] : memref<49152xf32, #tpu.memory_space<vmem>>[vector<16xi32>], vector<16xf32>,
        %gt3A_269 = arith.cmpf ogt, %gather3A_268, %select_n3A_212 : vector<16xf32>
        %gt3A_270 = arith.cmpf ogt, %gather3A_268, %select_n3A_209 : vector<16xf32>
        %select_n3A_271 = arith.select %gt3A_270, %gather3A_268, %select_n3A_209 : vector<16xi1>, vector<16xf32>
        %select_n3A_272 = arith.select %gt3A_269, %select_n3A_212, %select_n3A_271 : vector<16xi1>, vector<16xf32>
        %select_n3A_273 = arith.select %gt3A_270, %add3A_266, %select_n3A_211 : vector<16xi1>, vector<16xi32>
        %select_n3A_274 = arith.select %gt3A_269, %select_n3A_213, %select_n3A_273 : vector<16xi1>, vector<16xi32>
        %select_n3A_275 = arith.select %gt3A_269, %gather3A_268, %select_n3A_212 : vector<16xi1>, vector<16xf32>
        %select_n3A_276 = arith.select %gt3A_269, %add3A_266, %select_n3A_213 : vector<16xi1>, vector<16xi32>
        %add3A_277 = arith.constant 32 : i32
        %add3A_278 = vector.broadcast %add3A_277 : i32 to vector<16xi32>
        %add3A_279 = arith.addi %select_n3A_250, %add3A_278 : vector<16xi32>
        %add3A_280 = arith.addi %mul3A_37, %add3A_279 : vector<16xi32>
        %gather3A_281 = tpu.vector_load_idx %arg5[%add3A_280] : memref<49152xf32, #tpu.memory_space<vmem>>[vector<16xi32>], vector<16xf32>,
        %gt3A_282 = arith.cmpf ogt, %gather3A_281, %select_n3A_225 : vector<16xf32>
        %gt3A_283 = arith.cmpf ogt, %gather3A_281, %select_n3A_222 : vector<16xf32>
        %select_n3A_284 = arith.select %gt3A_283, %gather3A_281, %select_n3A_222 : vector<16xi1>, vector<16xf32>
        %select_n3A_285 = arith.select %gt3A_282, %select_n3A_225, %select_n3A_284 : vector<16xi1>, vector<16xf32>
        %select_n3A_286 = arith.select %gt3A_283, %add3A_279, %select_n3A_224 : vector<16xi1>, vector<16xi32>
        %select_n3A_287 = arith.select %gt3A_282, %select_n3A_226, %select_n3A_286 : vector<16xi1>, vector<16xi32>
        %select_n3A_288 = arith.select %gt3A_282, %gather3A_281, %select_n3A_225 : vector<16xi1>, vector<16xf32>
        %select_n3A_289 = arith.select %gt3A_282, %add3A_279, %select_n3A_226 : vector<16xi1>, vector<16xi32>
        %add3A_290 = arith.constant 48 : i32
        %add3A_291 = vector.broadcast %add3A_290 : i32 to vector<16xi32>
        %add3A_292 = arith.addi %select_n3A_250, %add3A_291 : vector<16xi32>
        %add3A_293 = arith.addi %mul3A_37, %add3A_292 : vector<16xi32>
        %gather3A_294 = tpu.vector_load_idx %arg5[%add3A_293] : memref<49152xf32, #tpu.memory_space<vmem>>[vector<16xi32>], vector<16xf32>,
        %gt3A_295 = arith.cmpf ogt, %gather3A_294, %select_n3A_238 : vector<16xf32>
        %gt3A_296 = arith.cmpf ogt, %gather3A_294, %select_n3A_235 : vector<16xf32>
        %select_n3A_297 = arith.select %gt3A_296, %gather3A_294, %select_n3A_235 : vector<16xi1>, vector<16xf32>
        %select_n3A_298 = arith.select %gt3A_295, %select_n3A_238, %select_n3A_297 : vector<16xi1>, vector<16xf32>
        %select_n3A_299 = arith.select %gt3A_296, %add3A_292, %select_n3A_237 : vector<16xi1>, vector<16xi32>
        %select_n3A_300 = arith.select %gt3A_295, %select_n3A_239, %select_n3A_299 : vector<16xi1>, vector<16xi32>
        %select_n3A_301 = arith.select %gt3A_295, %gather3A_294, %select_n3A_238 : vector<16xi1>, vector<16xf32>
        %select_n3A_302 = arith.select %gt3A_295, %add3A_292, %select_n3A_239 : vector<16xi1>, vector<16xi32>
        %scan3A_303 = arith.constant 3 : i32
        %scan3A_304 = arith.addi %scan3A_101, %scan3A_303 : i32
        %add3A_305 = vector.broadcast %scan3A_304 : i32 to vector<16xi32>
        %add3A_306 = arith.addi %iota3A, %add3A_305 : vector<16xi32>
        %ge3A_307 = arith.constant 16 : i32
        %ge3A_308 = vector.broadcast %ge3A_307 : i32 to vector<16xi32>
        %ge3A_309 = arith.cmpi sge, %add3A_306, %ge3A_308 : vector<16xi32>
        %sub3A_310 = arith.constant 16 : i32
        %sub3A_311 = vector.broadcast %sub3A_310 : i32 to vector<16xi32>
        %sub3A_312 = arith.subi %add3A_306, %sub3A_311 : vector<16xi32>
        %select_n3A_313 = arith.select %ge3A_309, %sub3A_312, %add3A_306 : vector<16xi1>, vector<16xi32>
        %add3A_314 = arith.constant 0 : i32
        %add3A_315 = vector.broadcast %add3A_314 : i32 to vector<16xi32>
        %add3A_316 = arith.addi %select_n3A_313, %add3A_315 : vector<16xi32>
        %add3A_317 = arith.addi %mul3A_37, %add3A_316 : vector<16xi32>
        %gather3A_318 = tpu.vector_load_idx %arg5[%add3A_317] : memref<49152xf32, #tpu.memory_space<vmem>>[vector<16xi32>], vector<16xf32>,
        %gt3A_319 = arith.cmpf ogt, %gather3A_318, %select_n3A_262 : vector<16xf32>
        %gt3A_320 = arith.cmpf ogt, %gather3A_318, %select_n3A_259 : vector<16xf32>
        %select_n3A_321 = arith.select %gt3A_320, %gather3A_318, %select_n3A_259 : vector<16xi1>, vector<16xf32>
        %select_n3A_322 = arith.select %gt3A_319, %select_n3A_262, %select_n3A_321 : vector<16xi1>, vector<16xf32>
        %select_n3A_323 = arith.select %gt3A_320, %add3A_316, %select_n3A_261 : vector<16xi1>, vector<16xi32>
        %select_n3A_324 = arith.select %gt3A_319, %select_n3A_263, %select_n3A_323 : vector<16xi1>, vector<16xi32>
        %select_n3A_325 = arith.select %gt3A_319, %gather3A_318, %select_n3A_262 : vector<16xi1>, vector<16xf32>
        %select_n3A_326 = arith.select %gt3A_319, %add3A_316, %select_n3A_263 : vector<16xi1>, vector<16xi32>
        %add3A_327 = arith.constant 16 : i32
        %add3A_328 = vector.broadcast %add3A_327 : i32 to vector<16xi32>
        %add3A_329 = arith.addi %select_n3A_313, %add3A_328 : vector<16xi32>
        %add3A_330 = arith.addi %mul3A_37, %add3A_329 : vector<16xi32>
        %gather3A_331 = tpu.vector_load_idx %arg5[%add3A_330] : memref<49152xf32, #tpu.memory_space<vmem>>[vector<16xi32>], vector<16xf32>,
        %gt3A_332 = arith.cmpf ogt, %gather3A_331, %select_n3A_275 : vector<16xf32>
        %gt3A_333 = arith.cmpf ogt, %gather3A_331, %select_n3A_272 : vector<16xf32>
        %select_n3A_334 = arith.select %gt3A_333, %gather3A_331, %select_n3A_272 : vector<16xi1>, vector<16xf32>
        %select_n3A_335 = arith.select %gt3A_332, %select_n3A_275, %select_n3A_334 : vector<16xi1>, vector<16xf32>
        %select_n3A_336 = arith.select %gt3A_333, %add3A_329, %select_n3A_274 : vector<16xi1>, vector<16xi32>
        %select_n3A_337 = arith.select %gt3A_332, %select_n3A_276, %select_n3A_336 : vector<16xi1>, vector<16xi32>
        %select_n3A_338 = arith.select %gt3A_332, %gather3A_331, %select_n3A_275 : vector<16xi1>, vector<16xf32>
        %select_n3A_339 = arith.select %gt3A_332, %add3A_329, %select_n3A_276 : vector<16xi1>, vector<16xi32>
        %add3A_340 = arith.constant 32 : i32
        %add3A_341 = vector.broadcast %add3A_340 : i32 to vector<16xi32>
        %add3A_342 = arith.addi %select_n3A_313, %add3A_341 : vector<16xi32>
        %add3A_343 = arith.addi %mul3A_37, %add3A_342 : vector<16xi32>
        %gather3A_344 = tpu.vector_load_idx %arg5[%add3A_343] : memref<49152xf32, #tpu.memory_space<vmem>>[vector<16xi32>], vector<16xf32>,
        %gt3A_345 = arith.cmpf ogt, %gather3A_344, %select_n3A_288 : vector<16xf32>
        %gt3A_346 = arith.cmpf ogt, %gather3A_344, %select_n3A_285 : vector<16xf32>
        %select_n3A_347 = arith.select %gt3A_346, %gather3A_344, %select_n3A_285 : vector<16xi1>, vector<16xf32>
        %select_n3A_348 = arith.select %gt3A_345, %select_n3A_288, %select_n3A_347 : vector<16xi1>, vector<16xf32>
        %select_n3A_349 = arith.select %gt3A_346, %add3A_342, %select_n3A_287 : vector<16xi1>, vector<16xi32>
        %select_n3A_350 = arith.select %gt3A_345, %select_n3A_289, %select_n3A_349 : vector<16xi1>, vector<16xi32>
        %select_n3A_351 = arith.select %gt3A_345, %gather3A_344, %select_n3A_288 : vector<16xi1>, vector<16xf32>
        %select_n3A_352 = arith.select %gt3A_345, %add3A_342, %select_n3A_289 : vector<16xi1>, vector<16xi32>
        %add3A_353 = arith.constant 48 : i32
        %add3A_354 = vector.broadcast %add3A_353 : i32 to vector<16xi32>
        %add3A_355 = arith.addi %select_n3A_313, %add3A_354 : vector<16xi32>
        %add3A_356 = arith.addi %mul3A_37, %add3A_355 : vector<16xi32>
        %gather3A_357 = tpu.vector_load_idx %arg5[%add3A_356] : memref<49152xf32, #tpu.memory_space<vmem>>[vector<16xi32>], vector<16xf32>,
        %gt3A_358 = arith.cmpf ogt, %gather3A_357, %select_n3A_301 : vector<16xf32>
        %gt3A_359 = arith.cmpf ogt, %gather3A_357, %select_n3A_298 : vector<16xf32>
        %select_n3A_360 = arith.select %gt3A_359, %gather3A_357, %select_n3A_298 : vector<16xi1>, vector<16xf32>
        %select_n3A_361 = arith.select %gt3A_358, %select_n3A_301, %select_n3A_360 : vector<16xi1>, vector<16xf32>
        %select_n3A_362 = arith.select %gt3A_359, %add3A_355, %select_n3A_300 : vector<16xi1>, vector<16xi32>
        %select_n3A_363 = arith.select %gt3A_358, %select_n3A_302, %select_n3A_362 : vector<16xi1>, vector<16xi32>
        %select_n3A_364 = arith.select %gt3A_358, %gather3A_357, %select_n3A_301 : vector<16xi1>, vector<16xf32>
        %select_n3A_365 = arith.select %gt3A_358, %add3A_355, %select_n3A_302 : vector<16xi1>, vector<16xi32>
        scf.yield %select_n3A_325, %select_n3A_326, %select_n3A_322, %select_n3A_324, %select_n3A_338, %select_n3A_339, %select_n3A_335, %select_n3A_337, %select_n3A_351, %select_n3A_352, %select_n3A_348, %select_n3A_350, %select_n3A_364, %select_n3A_365, %select_n3A_361, %select_n3A_363 : vector<16xf32>, vector<16xi32>, vector<16xf32>, vector<16xi32>, vector<16xf32>, vector<16xi32>, vector<16xf32>, vector<16xi32>, vector<16xf32>, vector<16xi32>, vector<16xf32>, vector<16xi32>, vector<16xf32>, vector<16xi32>, vector<16xf32>, vector<16xi32>
      }
      %scan3A_46 = arith.constant 16 : i32
      %ge3A = arith.cmpf oge, %scan3A_45#0, %scan3A_45#4 : vector<16xf32>
      %select_n3A = arith.select %ge3A, %scan3A_45#0, %scan3A_45#4 : vector<16xi1>, vector<16xf32>
      %select_n3A_47 = arith.select %ge3A, %scan3A_45#1, %scan3A_45#5 : vector<16xi1>, vector<16xi32>
      %ge3A_48 = arith.cmpf oge, %scan3A_45#2, %scan3A_45#4 : vector<16xf32>
      %ge3A_49 = arith.cmpf oge, %scan3A_45#0, %scan3A_45#6 : vector<16xf32>
      %select_n3A_50 = arith.select %ge3A_48, %scan3A_45#2, %scan3A_45#4 : vector<16xi1>, vector<16xf32>
      %select_n3A_51 = arith.select %ge3A_49, %scan3A_45#0, %scan3A_45#6 : vector<16xi1>, vector<16xf32>
      %select_n3A_52 = arith.select %ge3A, %select_n3A_50, %select_n3A_51 : vector<16xi1>, vector<16xf32>
      %select_n3A_53 = arith.select %ge3A_48, %scan3A_45#3, %scan3A_45#5 : vector<16xi1>, vector<16xi32>
      %select_n3A_54 = arith.select %ge3A_49, %scan3A_45#1, %scan3A_45#7 : vector<16xi1>, vector<16xi32>
      %select_n3A_55 = arith.select %ge3A, %select_n3A_53, %select_n3A_54 : vector<16xi1>, vector<16xi32>
      %ge3A_56 = arith.cmpf oge, %scan3A_45#8, %scan3A_45#12 : vector<16xf32>
      %select_n3A_57 = arith.select %ge3A_56, %scan3A_45#8, %scan3A_45#12 : vector<16xi1>, vector<16xf32>
      %select_n3A_58 = arith.select %ge3A_56, %scan3A_45#9, %scan3A_45#13 : vector<16xi1>, vector<16xi32>
      %ge3A_59 = arith.cmpf oge, %scan3A_45#10, %scan3A_45#12 : vector<16xf32>
      %ge3A_60 = arith.cmpf oge, %scan3A_45#8, %scan3A_45#14 : vector<16xf32>
      %select_n3A_61 = arith.select %ge3A_59, %scan3A_45#10, %scan3A_45#12 : vector<16xi1>, vector<16xf32>
      %select_n3A_62 = arith.select %ge3A_60, %scan3A_45#8, %scan3A_45#14 : vector<16xi1>, vector<16xf32>
      %select_n3A_63 = arith.select %ge3A_56, %select_n3A_61, %select_n3A_62 : vector<16xi1>, vector<16xf32>
      %select_n3A_64 = arith.select %ge3A_59, %scan3A_45#11, %scan3A_45#13 : vector<16xi1>, vector<16xi32>
      %select_n3A_65 = arith.select %ge3A_60, %scan3A_45#9, %scan3A_45#15 : vector<16xi1>, vector<16xi32>
      %select_n3A_66 = arith.select %ge3A_56, %select_n3A_64, %select_n3A_65 : vector<16xi1>, vector<16xi32>
      %ge3A_67 = arith.cmpf oge, %select_n3A, %select_n3A_57 : vector<16xf32>
      %select_n3A_68 = arith.select %ge3A_67, %select_n3A, %select_n3A_57 : vector<16xi1>, vector<16xf32>
      %select_n3A_69 = arith.select %ge3A_67, %select_n3A_47, %select_n3A_58 : vector<16xi1>, vector<16xi32>
      %ge3A_70 = arith.cmpf oge, %select_n3A_52, %select_n3A_57 : vector<16xf32>
      %ge3A_71 = arith.cmpf oge, %select_n3A, %select_n3A_63 : vector<16xf32>
      %select_n3A_72 = arith.select %ge3A_70, %select_n3A_52, %select_n3A_57 : vector<16xi1>, vector<16xf32>
      %select_n3A_73 = arith.select %ge3A_71, %select_n3A, %select_n3A_63 : vector<16xi1>, vector<16xf32>
      %select_n3A_74 = arith.select %ge3A_67, %select_n3A_72, %select_n3A_73 : vector<16xi1>, vector<16xf32>
      %select_n3A_75 = arith.select %ge3A_70, %select_n3A_55, %select_n3A_58 : vector<16xi1>, vector<16xi32>
      %select_n3A_76 = arith.select %ge3A_71, %select_n3A_47, %select_n3A_66 : vector<16xi1>, vector<16xi32>
      %select_n3A_77 = arith.select %ge3A_67, %select_n3A_75, %select_n3A_76 : vector<16xi1>, vector<16xi32>
      %sub3A = arith.subf %select_n3A_74, %select_n3A_68 : vector<16xf32>
      %exp3A = math.exp %sub3A : vector<16xf32>
      %add3A_78 = arith.constant 1.000000e+00 : f32
      %add3A_79 = vector.broadcast %add3A_78 : f32 to vector<16xf32>
      %add3A_80 = arith.addf %add3A_79, %exp3A : vector<16xf32>
      %div3A = arith.constant 1.000000e+00 : f32
      %div3A_81 = vector.broadcast %div3A : f32 to vector<16xf32>
      %div3A_82 = arith.divf %div3A_81, %add3A_80 : vector<16xf32>
      %sub3A_83 = arith.constant 1.000000e+00 : f32
      %sub3A_84 = vector.broadcast %sub3A_83 : f32 to vector<16xf32>
      %sub3A_85 = arith.subf %sub3A_84, %div3A_82 : vector<16xf32>
      %mul3A_86 = arith.constant 16 : i32
      %mul3A_87 = arith.muli %scan3A_30, %mul3A_86 : i32
      %add3A_88 = arith.constant 0 : i32
      %add3A_89 = arith.addi %add3A_88, %mul3A_87 : i32
      %add3A_90 = vector.broadcast %add3A_89 : i32 to vector<16xi32>
      %add3A_91 = arith.addi %add3A_90, %iota3A : vector<16xi32>
      %mul3A_92 = arith.constant 2 : i32
      %mul3A_93 = vector.broadcast %mul3A_92 : i32 to vector<16xi32>
      %mul3A_94 = arith.muli %add3A_91, %mul3A_93 : vector<16xi32>
      tpu.vector_store_idx %arg7[%mul3A_94], %div3A_82 : memref<1536xf32, #tpu.memory_space<vmem>>[vector<16xi32>], vector<16xf32>,
      %add3A_95 = arith.constant 1 : i32
      %add3A_96 = vector.broadcast %add3A_95 : i32 to vector<16xi32>
      %add3A_97 = arith.addi %mul3A_94, %add3A_96 : vector<16xi32>
      tpu.vector_store_idx %arg7[%add3A_97], %sub3A_85 : memref<1536xf32, #tpu.memory_space<vmem>>[vector<16xi32>], vector<16xf32>,
      tpu.vector_store_idx %arg8[%mul3A_94], %select_n3A_69 : memref<1536xi32, #tpu.memory_space<vmem>>[vector<16xi32>], vector<16xi32>,
      %add3A_98 = arith.constant 1 : i32
      %add3A_99 = vector.broadcast %add3A_98 : i32 to vector<16xi32>
      %add3A_100 = arith.addi %mul3A_94, %add3A_99 : vector<16xi32>
      tpu.vector_store_idx %arg8[%add3A_100], %select_n3A_77 : memref<1536xi32, #tpu.memory_space<vmem>>[vector<16xi32>], vector<16xi32>,
    }
    %scan3A_17 = arith.constant 24 : i32
    %dma_wait3A_18 = tpu.memref_slice %arg2[%mul3A_9] : memref<3145728xf32, #tpu.memory_space<hbm>> -> memref<49152xf32, #tpu.memory_space<hbm>>
    %dma_wait3A_19 = tpu.memref_slice %arg2[%mul3A_9] : memref<3145728xf32, #tpu.memory_space<hbm>> -> memref<49152xf32, #tpu.memory_space<hbm>>
    tpu.wait_dma2 semaphore(%arg10 : memref<!tpu.dma_semaphore, #tpu.memory_space<semaphore_mem>>) src(%dma_wait3A_19 : memref<49152xf32, #tpu.memory_space<hbm>>) dst(%arg6 : memref<49152xf32, #tpu.memory_space<vmem>>)
    %scan3A_20 = arith.constant 0 : i32
    %scan3A_21 = arith.constant 0 : i32
    %scan3A_22 = arith.constant 24 : i32
    %scan3A_23 = arith.addi %scan3A_21, %scan3A_22 : i32
    %scan3A_24 = arith.constant 1 : i32
    scf.for %scan3A_30 = %scan3A_21 to %scan3A_23 step %scan3A_24  : i32 {
      %mul3A_31 = arith.constant 16 : i32
      %mul3A_32 = arith.muli %scan3A_30, %mul3A_31 : i32
      %add3A_33 = vector.broadcast %mul3A_32 : i32 to vector<16xi32>
      %add3A_34 = arith.addi %add3A_33, %iota3A : vector<16xi32>
      %mul3A_35 = arith.constant 128 : i32
      %mul3A_36 = vector.broadcast %mul3A_35 : i32 to vector<16xi32>
      %mul3A_37 = arith.muli %add3A_34, %mul3A_36 : vector<16xi32>
      %broadcast_in_dim3A = arith.constant -3.000000e+38 : f32
      %broadcast_in_dim3A_38 = vector.broadcast %broadcast_in_dim3A : f32 to vector<16xf32>
      %broadcast_in_dim3A_39 = arith.constant 0 : i32
      %broadcast_in_dim3A_40 = vector.broadcast %broadcast_in_dim3A_39 : i32 to vector<16xi32>
      %scan3A_41 = arith.constant 0 : i32
      %scan3A_42 = arith.constant 16 : i32
      %scan3A_43 = arith.addi %scan3A_41, %scan3A_42 : i32
      %scan3A_44 = arith.constant 4 : i32
      %scan3A_45:16 = scf.for %scan3A_101 = %scan3A_41 to %scan3A_43 step %scan3A_44 iter_args(%scan3A_102 = %broadcast_in_dim3A_38, %scan3A_103 = %broadcast_in_dim3A_40, %scan3A_104 = %broadcast_in_dim3A_38, %scan3A_105 = %broadcast_in_dim3A_40, %scan3A_106 = %broadcast_in_dim3A_38, %scan3A_107 = %broadcast_in_dim3A_40, %scan3A_108 = %broadcast_in_dim3A_38, %scan3A_109 = %broadcast_in_dim3A_40, %scan3A_110 = %broadcast_in_dim3A_38, %scan3A_111 = %broadcast_in_dim3A_40, %scan3A_112 = %broadcast_in_dim3A_38, %scan3A_113 = %broadcast_in_dim3A_40, %scan3A_114 = %broadcast_in_dim3A_38, %scan3A_115 = %broadcast_in_dim3A_40, %scan3A_116 = %broadcast_in_dim3A_38, %scan3A_117 = %broadcast_in_dim3A_40) -> (vector<16xf32>, vector<16xi32>, vector<16xf32>, vector<16xi32>, vector<16xf32>, vector<16xi32>, vector<16xf32>, vector<16xi32>, vector<16xf32>, vector<16xi32>, vector<16xf32>, vector<16xi32>, vector<16xf32>, vector<16xi32>, vector<16xf32>, vector<16xi32>)  : i32 {
        %add3A_118 = vector.broadcast %scan3A_101 : i32 to vector<16xi32>
        %add3A_119 = arith.addi %iota3A, %add3A_118 : vector<16xi32>
        %ge3A_120 = arith.constant 16 : i32
        %ge3A_121 = vector.broadcast %ge3A_120 : i32 to vector<16xi32>
        %ge3A_122 = arith.cmpi sge, %add3A_119, %ge3A_121 : vector<16xi32>
        %sub3A_123 = arith.constant 16 : i32
        %sub3A_124 = vector.broadcast %sub3A_123 : i32 to vector<16xi32>
        %sub3A_125 = arith.subi %add3A_119, %sub3A_124 : vector<16xi32>
        %select_n3A_126 = arith.select %ge3A_122, %sub3A_125, %add3A_119 : vector<16xi1>, vector<16xi32>
        %add3A_127 = arith.constant 0 : i32
        %add3A_128 = vector.broadcast %add3A_127 : i32 to vector<16xi32>
        %add3A_129 = arith.addi %select_n3A_126, %add3A_128 : vector<16xi32>
        %add3A_130 = arith.addi %mul3A_37, %add3A_129 : vector<16xi32>
        %gather3A = tpu.vector_load_idx %arg6[%add3A_130] : memref<49152xf32, #tpu.memory_space<vmem>>[vector<16xi32>], vector<16xf32>,
        %gt3A = arith.cmpf ogt, %gather3A, %scan3A_102 : vector<16xf32>
        %gt3A_131 = arith.cmpf ogt, %gather3A, %scan3A_104 : vector<16xf32>
        %select_n3A_132 = arith.select %gt3A_131, %gather3A, %scan3A_104 : vector<16xi1>, vector<16xf32>
        %select_n3A_133 = arith.select %gt3A, %scan3A_102, %select_n3A_132 : vector<16xi1>, vector<16xf32>
        %select_n3A_134 = arith.select %gt3A_131, %add3A_129, %scan3A_105 : vector<16xi1>, vector<16xi32>
        %select_n3A_135 = arith.select %gt3A, %scan3A_103, %select_n3A_134 : vector<16xi1>, vector<16xi32>
        %select_n3A_136 = arith.select %gt3A, %gather3A, %scan3A_102 : vector<16xi1>, vector<16xf32>
        %select_n3A_137 = arith.select %gt3A, %add3A_129, %scan3A_103 : vector<16xi1>, vector<16xi32>
        %add3A_138 = arith.constant 16 : i32
        %add3A_139 = vector.broadcast %add3A_138 : i32 to vector<16xi32>
        %add3A_140 = arith.addi %select_n3A_126, %add3A_139 : vector<16xi32>
        %add3A_141 = arith.addi %mul3A_37, %add3A_140 : vector<16xi32>
        %gather3A_142 = tpu.vector_load_idx %arg6[%add3A_141] : memref<49152xf32, #tpu.memory_space<vmem>>[vector<16xi32>], vector<16xf32>,
        %gt3A_143 = arith.cmpf ogt, %gather3A_142, %scan3A_106 : vector<16xf32>
        %gt3A_144 = arith.cmpf ogt, %gather3A_142, %scan3A_108 : vector<16xf32>
        %select_n3A_145 = arith.select %gt3A_144, %gather3A_142, %scan3A_108 : vector<16xi1>, vector<16xf32>
        %select_n3A_146 = arith.select %gt3A_143, %scan3A_106, %select_n3A_145 : vector<16xi1>, vector<16xf32>
        %select_n3A_147 = arith.select %gt3A_144, %add3A_140, %scan3A_109 : vector<16xi1>, vector<16xi32>
        %select_n3A_148 = arith.select %gt3A_143, %scan3A_107, %select_n3A_147 : vector<16xi1>, vector<16xi32>
        %select_n3A_149 = arith.select %gt3A_143, %gather3A_142, %scan3A_106 : vector<16xi1>, vector<16xf32>
        %select_n3A_150 = arith.select %gt3A_143, %add3A_140, %scan3A_107 : vector<16xi1>, vector<16xi32>
        %add3A_151 = arith.constant 32 : i32
        %add3A_152 = vector.broadcast %add3A_151 : i32 to vector<16xi32>
        %add3A_153 = arith.addi %select_n3A_126, %add3A_152 : vector<16xi32>
        %add3A_154 = arith.addi %mul3A_37, %add3A_153 : vector<16xi32>
        %gather3A_155 = tpu.vector_load_idx %arg6[%add3A_154] : memref<49152xf32, #tpu.memory_space<vmem>>[vector<16xi32>], vector<16xf32>,
        %gt3A_156 = arith.cmpf ogt, %gather3A_155, %scan3A_110 : vector<16xf32>
        %gt3A_157 = arith.cmpf ogt, %gather3A_155, %scan3A_112 : vector<16xf32>
        %select_n3A_158 = arith.select %gt3A_157, %gather3A_155, %scan3A_112 : vector<16xi1>, vector<16xf32>
        %select_n3A_159 = arith.select %gt3A_156, %scan3A_110, %select_n3A_158 : vector<16xi1>, vector<16xf32>
        %select_n3A_160 = arith.select %gt3A_157, %add3A_153, %scan3A_113 : vector<16xi1>, vector<16xi32>
        %select_n3A_161 = arith.select %gt3A_156, %scan3A_111, %select_n3A_160 : vector<16xi1>, vector<16xi32>
        %select_n3A_162 = arith.select %gt3A_156, %gather3A_155, %scan3A_110 : vector<16xi1>, vector<16xf32>
        %select_n3A_163 = arith.select %gt3A_156, %add3A_153, %scan3A_111 : vector<16xi1>, vector<16xi32>
        %add3A_164 = arith.constant 48 : i32
        %add3A_165 = vector.broadcast %add3A_164 : i32 to vector<16xi32>
        %add3A_166 = arith.addi %select_n3A_126, %add3A_165 : vector<16xi32>
        %add3A_167 = arith.addi %mul3A_37, %add3A_166 : vector<16xi32>
        %gather3A_168 = tpu.vector_load_idx %arg6[%add3A_167] : memref<49152xf32, #tpu.memory_space<vmem>>[vector<16xi32>], vector<16xf32>,
        %gt3A_169 = arith.cmpf ogt, %gather3A_168, %scan3A_114 : vector<16xf32>
        %gt3A_170 = arith.cmpf ogt, %gather3A_168, %scan3A_116 : vector<16xf32>
        %select_n3A_171 = arith.select %gt3A_170, %gather3A_168, %scan3A_116 : vector<16xi1>, vector<16xf32>
        %select_n3A_172 = arith.select %gt3A_169, %scan3A_114, %select_n3A_171 : vector<16xi1>, vector<16xf32>
        %select_n3A_173 = arith.select %gt3A_170, %add3A_166, %scan3A_117 : vector<16xi1>, vector<16xi32>
        %select_n3A_174 = arith.select %gt3A_169, %scan3A_115, %select_n3A_173 : vector<16xi1>, vector<16xi32>
        %select_n3A_175 = arith.select %gt3A_169, %gather3A_168, %scan3A_114 : vector<16xi1>, vector<16xf32>
        %select_n3A_176 = arith.select %gt3A_169, %add3A_166, %scan3A_115 : vector<16xi1>, vector<16xi32>
        %scan3A_177 = arith.constant 1 : i32
        %scan3A_178 = arith.addi %scan3A_101, %scan3A_177 : i32
        %add3A_179 = vector.broadcast %scan3A_178 : i32 to vector<16xi32>
        %add3A_180 = arith.addi %iota3A, %add3A_179 : vector<16xi32>
        %ge3A_181 = arith.constant 16 : i32
        %ge3A_182 = vector.broadcast %ge3A_181 : i32 to vector<16xi32>
        %ge3A_183 = arith.cmpi sge, %add3A_180, %ge3A_182 : vector<16xi32>
        %sub3A_184 = arith.constant 16 : i32
        %sub3A_185 = vector.broadcast %sub3A_184 : i32 to vector<16xi32>
        %sub3A_186 = arith.subi %add3A_180, %sub3A_185 : vector<16xi32>
        %select_n3A_187 = arith.select %ge3A_183, %sub3A_186, %add3A_180 : vector<16xi1>, vector<16xi32>
        %add3A_188 = arith.constant 0 : i32
        %add3A_189 = vector.broadcast %add3A_188 : i32 to vector<16xi32>
        %add3A_190 = arith.addi %select_n3A_187, %add3A_189 : vector<16xi32>
        %add3A_191 = arith.addi %mul3A_37, %add3A_190 : vector<16xi32>
        %gather3A_192 = tpu.vector_load_idx %arg6[%add3A_191] : memref<49152xf32, #tpu.memory_space<vmem>>[vector<16xi32>], vector<16xf32>,
        %gt3A_193 = arith.cmpf ogt, %gather3A_192, %select_n3A_136 : vector<16xf32>
        %gt3A_194 = arith.cmpf ogt, %gather3A_192, %select_n3A_133 : vector<16xf32>
        %select_n3A_195 = arith.select %gt3A_194, %gather3A_192, %select_n3A_133 : vector<16xi1>, vector<16xf32>
        %select_n3A_196 = arith.select %gt3A_193, %select_n3A_136, %select_n3A_195 : vector<16xi1>, vector<16xf32>
        %select_n3A_197 = arith.select %gt3A_194, %add3A_190, %select_n3A_135 : vector<16xi1>, vector<16xi32>
        %select_n3A_198 = arith.select %gt3A_193, %select_n3A_137, %select_n3A_197 : vector<16xi1>, vector<16xi32>
        %select_n3A_199 = arith.select %gt3A_193, %gather3A_192, %select_n3A_136 : vector<16xi1>, vector<16xf32>
        %select_n3A_200 = arith.select %gt3A_193, %add3A_190, %select_n3A_137 : vector<16xi1>, vector<16xi32>
        %add3A_201 = arith.constant 16 : i32
        %add3A_202 = vector.broadcast %add3A_201 : i32 to vector<16xi32>
        %add3A_203 = arith.addi %select_n3A_187, %add3A_202 : vector<16xi32>
        %add3A_204 = arith.addi %mul3A_37, %add3A_203 : vector<16xi32>
        %gather3A_205 = tpu.vector_load_idx %arg6[%add3A_204] : memref<49152xf32, #tpu.memory_space<vmem>>[vector<16xi32>], vector<16xf32>,
        %gt3A_206 = arith.cmpf ogt, %gather3A_205, %select_n3A_149 : vector<16xf32>
        %gt3A_207 = arith.cmpf ogt, %gather3A_205, %select_n3A_146 : vector<16xf32>
        %select_n3A_208 = arith.select %gt3A_207, %gather3A_205, %select_n3A_146 : vector<16xi1>, vector<16xf32>
        %select_n3A_209 = arith.select %gt3A_206, %select_n3A_149, %select_n3A_208 : vector<16xi1>, vector<16xf32>
        %select_n3A_210 = arith.select %gt3A_207, %add3A_203, %select_n3A_148 : vector<16xi1>, vector<16xi32>
        %select_n3A_211 = arith.select %gt3A_206, %select_n3A_150, %select_n3A_210 : vector<16xi1>, vector<16xi32>
        %select_n3A_212 = arith.select %gt3A_206, %gather3A_205, %select_n3A_149 : vector<16xi1>, vector<16xf32>
        %select_n3A_213 = arith.select %gt3A_206, %add3A_203, %select_n3A_150 : vector<16xi1>, vector<16xi32>
        %add3A_214 = arith.constant 32 : i32
        %add3A_215 = vector.broadcast %add3A_214 : i32 to vector<16xi32>
        %add3A_216 = arith.addi %select_n3A_187, %add3A_215 : vector<16xi32>
        %add3A_217 = arith.addi %mul3A_37, %add3A_216 : vector<16xi32>
        %gather3A_218 = tpu.vector_load_idx %arg6[%add3A_217] : memref<49152xf32, #tpu.memory_space<vmem>>[vector<16xi32>], vector<16xf32>,
        %gt3A_219 = arith.cmpf ogt, %gather3A_218, %select_n3A_162 : vector<16xf32>
        %gt3A_220 = arith.cmpf ogt, %gather3A_218, %select_n3A_159 : vector<16xf32>
        %select_n3A_221 = arith.select %gt3A_220, %gather3A_218, %select_n3A_159 : vector<16xi1>, vector<16xf32>
        %select_n3A_222 = arith.select %gt3A_219, %select_n3A_162, %select_n3A_221 : vector<16xi1>, vector<16xf32>
        %select_n3A_223 = arith.select %gt3A_220, %add3A_216, %select_n3A_161 : vector<16xi1>, vector<16xi32>
        %select_n3A_224 = arith.select %gt3A_219, %select_n3A_163, %select_n3A_223 : vector<16xi1>, vector<16xi32>
        %select_n3A_225 = arith.select %gt3A_219, %gather3A_218, %select_n3A_162 : vector<16xi1>, vector<16xf32>
        %select_n3A_226 = arith.select %gt3A_219, %add3A_216, %select_n3A_163 : vector<16xi1>, vector<16xi32>
        %add3A_227 = arith.constant 48 : i32
        %add3A_228 = vector.broadcast %add3A_227 : i32 to vector<16xi32>
        %add3A_229 = arith.addi %select_n3A_187, %add3A_228 : vector<16xi32>
        %add3A_230 = arith.addi %mul3A_37, %add3A_229 : vector<16xi32>
        %gather3A_231 = tpu.vector_load_idx %arg6[%add3A_230] : memref<49152xf32, #tpu.memory_space<vmem>>[vector<16xi32>], vector<16xf32>,
        %gt3A_232 = arith.cmpf ogt, %gather3A_231, %select_n3A_175 : vector<16xf32>
        %gt3A_233 = arith.cmpf ogt, %gather3A_231, %select_n3A_172 : vector<16xf32>
        %select_n3A_234 = arith.select %gt3A_233, %gather3A_231, %select_n3A_172 : vector<16xi1>, vector<16xf32>
        %select_n3A_235 = arith.select %gt3A_232, %select_n3A_175, %select_n3A_234 : vector<16xi1>, vector<16xf32>
        %select_n3A_236 = arith.select %gt3A_233, %add3A_229, %select_n3A_174 : vector<16xi1>, vector<16xi32>
        %select_n3A_237 = arith.select %gt3A_232, %select_n3A_176, %select_n3A_236 : vector<16xi1>, vector<16xi32>
        %select_n3A_238 = arith.select %gt3A_232, %gather3A_231, %select_n3A_175 : vector<16xi1>, vector<16xf32>
        %select_n3A_239 = arith.select %gt3A_232, %add3A_229, %select_n3A_176 : vector<16xi1>, vector<16xi32>
        %scan3A_240 = arith.constant 2 : i32
        %scan3A_241 = arith.addi %scan3A_101, %scan3A_240 : i32
        %add3A_242 = vector.broadcast %scan3A_241 : i32 to vector<16xi32>
        %add3A_243 = arith.addi %iota3A, %add3A_242 : vector<16xi32>
        %ge3A_244 = arith.constant 16 : i32
        %ge3A_245 = vector.broadcast %ge3A_244 : i32 to vector<16xi32>
        %ge3A_246 = arith.cmpi sge, %add3A_243, %ge3A_245 : vector<16xi32>
        %sub3A_247 = arith.constant 16 : i32
        %sub3A_248 = vector.broadcast %sub3A_247 : i32 to vector<16xi32>
        %sub3A_249 = arith.subi %add3A_243, %sub3A_248 : vector<16xi32>
        %select_n3A_250 = arith.select %ge3A_246, %sub3A_249, %add3A_243 : vector<16xi1>, vector<16xi32>
        %add3A_251 = arith.constant 0 : i32
        %add3A_252 = vector.broadcast %add3A_251 : i32 to vector<16xi32>
        %add3A_253 = arith.addi %select_n3A_250, %add3A_252 : vector<16xi32>
        %add3A_254 = arith.addi %mul3A_37, %add3A_253 : vector<16xi32>
        %gather3A_255 = tpu.vector_load_idx %arg6[%add3A_254] : memref<49152xf32, #tpu.memory_space<vmem>>[vector<16xi32>], vector<16xf32>,
        %gt3A_256 = arith.cmpf ogt, %gather3A_255, %select_n3A_199 : vector<16xf32>
        %gt3A_257 = arith.cmpf ogt, %gather3A_255, %select_n3A_196 : vector<16xf32>
        %select_n3A_258 = arith.select %gt3A_257, %gather3A_255, %select_n3A_196 : vector<16xi1>, vector<16xf32>
        %select_n3A_259 = arith.select %gt3A_256, %select_n3A_199, %select_n3A_258 : vector<16xi1>, vector<16xf32>
        %select_n3A_260 = arith.select %gt3A_257, %add3A_253, %select_n3A_198 : vector<16xi1>, vector<16xi32>
        %select_n3A_261 = arith.select %gt3A_256, %select_n3A_200, %select_n3A_260 : vector<16xi1>, vector<16xi32>
        %select_n3A_262 = arith.select %gt3A_256, %gather3A_255, %select_n3A_199 : vector<16xi1>, vector<16xf32>
        %select_n3A_263 = arith.select %gt3A_256, %add3A_253, %select_n3A_200 : vector<16xi1>, vector<16xi32>
        %add3A_264 = arith.constant 16 : i32
        %add3A_265 = vector.broadcast %add3A_264 : i32 to vector<16xi32>
        %add3A_266 = arith.addi %select_n3A_250, %add3A_265 : vector<16xi32>
        %add3A_267 = arith.addi %mul3A_37, %add3A_266 : vector<16xi32>
        %gather3A_268 = tpu.vector_load_idx %arg6[%add3A_267] : memref<49152xf32, #tpu.memory_space<vmem>>[vector<16xi32>], vector<16xf32>,
        %gt3A_269 = arith.cmpf ogt, %gather3A_268, %select_n3A_212 : vector<16xf32>
        %gt3A_270 = arith.cmpf ogt, %gather3A_268, %select_n3A_209 : vector<16xf32>
        %select_n3A_271 = arith.select %gt3A_270, %gather3A_268, %select_n3A_209 : vector<16xi1>, vector<16xf32>
        %select_n3A_272 = arith.select %gt3A_269, %select_n3A_212, %select_n3A_271 : vector<16xi1>, vector<16xf32>
        %select_n3A_273 = arith.select %gt3A_270, %add3A_266, %select_n3A_211 : vector<16xi1>, vector<16xi32>
        %select_n3A_274 = arith.select %gt3A_269, %select_n3A_213, %select_n3A_273 : vector<16xi1>, vector<16xi32>
        %select_n3A_275 = arith.select %gt3A_269, %gather3A_268, %select_n3A_212 : vector<16xi1>, vector<16xf32>
        %select_n3A_276 = arith.select %gt3A_269, %add3A_266, %select_n3A_213 : vector<16xi1>, vector<16xi32>
        %add3A_277 = arith.constant 32 : i32
        %add3A_278 = vector.broadcast %add3A_277 : i32 to vector<16xi32>
        %add3A_279 = arith.addi %select_n3A_250, %add3A_278 : vector<16xi32>
        %add3A_280 = arith.addi %mul3A_37, %add3A_279 : vector<16xi32>
        %gather3A_281 = tpu.vector_load_idx %arg6[%add3A_280] : memref<49152xf32, #tpu.memory_space<vmem>>[vector<16xi32>], vector<16xf32>,
        %gt3A_282 = arith.cmpf ogt, %gather3A_281, %select_n3A_225 : vector<16xf32>
        %gt3A_283 = arith.cmpf ogt, %gather3A_281, %select_n3A_222 : vector<16xf32>
        %select_n3A_284 = arith.select %gt3A_283, %gather3A_281, %select_n3A_222 : vector<16xi1>, vector<16xf32>
        %select_n3A_285 = arith.select %gt3A_282, %select_n3A_225, %select_n3A_284 : vector<16xi1>, vector<16xf32>
        %select_n3A_286 = arith.select %gt3A_283, %add3A_279, %select_n3A_224 : vector<16xi1>, vector<16xi32>
        %select_n3A_287 = arith.select %gt3A_282, %select_n3A_226, %select_n3A_286 : vector<16xi1>, vector<16xi32>
        %select_n3A_288 = arith.select %gt3A_282, %gather3A_281, %select_n3A_225 : vector<16xi1>, vector<16xf32>
        %select_n3A_289 = arith.select %gt3A_282, %add3A_279, %select_n3A_226 : vector<16xi1>, vector<16xi32>
        %add3A_290 = arith.constant 48 : i32
        %add3A_291 = vector.broadcast %add3A_290 : i32 to vector<16xi32>
        %add3A_292 = arith.addi %select_n3A_250, %add3A_291 : vector<16xi32>
        %add3A_293 = arith.addi %mul3A_37, %add3A_292 : vector<16xi32>
        %gather3A_294 = tpu.vector_load_idx %arg6[%add3A_293] : memref<49152xf32, #tpu.memory_space<vmem>>[vector<16xi32>], vector<16xf32>,
        %gt3A_295 = arith.cmpf ogt, %gather3A_294, %select_n3A_238 : vector<16xf32>
        %gt3A_296 = arith.cmpf ogt, %gather3A_294, %select_n3A_235 : vector<16xf32>
        %select_n3A_297 = arith.select %gt3A_296, %gather3A_294, %select_n3A_235 : vector<16xi1>, vector<16xf32>
        %select_n3A_298 = arith.select %gt3A_295, %select_n3A_238, %select_n3A_297 : vector<16xi1>, vector<16xf32>
        %select_n3A_299 = arith.select %gt3A_296, %add3A_292, %select_n3A_237 : vector<16xi1>, vector<16xi32>
        %select_n3A_300 = arith.select %gt3A_295, %select_n3A_239, %select_n3A_299 : vector<16xi1>, vector<16xi32>
        %select_n3A_301 = arith.select %gt3A_295, %gather3A_294, %select_n3A_238 : vector<16xi1>, vector<16xf32>
        %select_n3A_302 = arith.select %gt3A_295, %add3A_292, %select_n3A_239 : vector<16xi1>, vector<16xi32>
        %scan3A_303 = arith.constant 3 : i32
        %scan3A_304 = arith.addi %scan3A_101, %scan3A_303 : i32
        %add3A_305 = vector.broadcast %scan3A_304 : i32 to vector<16xi32>
        %add3A_306 = arith.addi %iota3A, %add3A_305 : vector<16xi32>
        %ge3A_307 = arith.constant 16 : i32
        %ge3A_308 = vector.broadcast %ge3A_307 : i32 to vector<16xi32>
        %ge3A_309 = arith.cmpi sge, %add3A_306, %ge3A_308 : vector<16xi32>
        %sub3A_310 = arith.constant 16 : i32
        %sub3A_311 = vector.broadcast %sub3A_310 : i32 to vector<16xi32>
        %sub3A_312 = arith.subi %add3A_306, %sub3A_311 : vector<16xi32>
        %select_n3A_313 = arith.select %ge3A_309, %sub3A_312, %add3A_306 : vector<16xi1>, vector<16xi32>
        %add3A_314 = arith.constant 0 : i32
        %add3A_315 = vector.broadcast %add3A_314 : i32 to vector<16xi32>
        %add3A_316 = arith.addi %select_n3A_313, %add3A_315 : vector<16xi32>
        %add3A_317 = arith.addi %mul3A_37, %add3A_316 : vector<16xi32>
        %gather3A_318 = tpu.vector_load_idx %arg6[%add3A_317] : memref<49152xf32, #tpu.memory_space<vmem>>[vector<16xi32>], vector<16xf32>,
        %gt3A_319 = arith.cmpf ogt, %gather3A_318, %select_n3A_262 : vector<16xf32>
        %gt3A_320 = arith.cmpf ogt, %gather3A_318, %select_n3A_259 : vector<16xf32>
        %select_n3A_321 = arith.select %gt3A_320, %gather3A_318, %select_n3A_259 : vector<16xi1>, vector<16xf32>
        %select_n3A_322 = arith.select %gt3A_319, %select_n3A_262, %select_n3A_321 : vector<16xi1>, vector<16xf32>
        %select_n3A_323 = arith.select %gt3A_320, %add3A_316, %select_n3A_261 : vector<16xi1>, vector<16xi32>
        %select_n3A_324 = arith.select %gt3A_319, %select_n3A_263, %select_n3A_323 : vector<16xi1>, vector<16xi32>
        %select_n3A_325 = arith.select %gt3A_319, %gather3A_318, %select_n3A_262 : vector<16xi1>, vector<16xf32>
        %select_n3A_326 = arith.select %gt3A_319, %add3A_316, %select_n3A_263 : vector<16xi1>, vector<16xi32>
        %add3A_327 = arith.constant 16 : i32
        %add3A_328 = vector.broadcast %add3A_327 : i32 to vector<16xi32>
        %add3A_329 = arith.addi %select_n3A_313, %add3A_328 : vector<16xi32>
        %add3A_330 = arith.addi %mul3A_37, %add3A_329 : vector<16xi32>
        %gather3A_331 = tpu.vector_load_idx %arg6[%add3A_330] : memref<49152xf32, #tpu.memory_space<vmem>>[vector<16xi32>], vector<16xf32>,
        %gt3A_332 = arith.cmpf ogt, %gather3A_331, %select_n3A_275 : vector<16xf32>
        %gt3A_333 = arith.cmpf ogt, %gather3A_331, %select_n3A_272 : vector<16xf32>
        %select_n3A_334 = arith.select %gt3A_333, %gather3A_331, %select_n3A_272 : vector<16xi1>, vector<16xf32>
        %select_n3A_335 = arith.select %gt3A_332, %select_n3A_275, %select_n3A_334 : vector<16xi1>, vector<16xf32>
        %select_n3A_336 = arith.select %gt3A_333, %add3A_329, %select_n3A_274 : vector<16xi1>, vector<16xi32>
        %select_n3A_337 = arith.select %gt3A_332, %select_n3A_276, %select_n3A_336 : vector<16xi1>, vector<16xi32>
        %select_n3A_338 = arith.select %gt3A_332, %gather3A_331, %select_n3A_275 : vector<16xi1>, vector<16xf32>
        %select_n3A_339 = arith.select %gt3A_332, %add3A_329, %select_n3A_276 : vector<16xi1>, vector<16xi32>
        %add3A_340 = arith.constant 32 : i32
        %add3A_341 = vector.broadcast %add3A_340 : i32 to vector<16xi32>
        %add3A_342 = arith.addi %select_n3A_313, %add3A_341 : vector<16xi32>
        %add3A_343 = arith.addi %mul3A_37, %add3A_342 : vector<16xi32>
        %gather3A_344 = tpu.vector_load_idx %arg6[%add3A_343] : memref<49152xf32, #tpu.memory_space<vmem>>[vector<16xi32>], vector<16xf32>,
        %gt3A_345 = arith.cmpf ogt, %gather3A_344, %select_n3A_288 : vector<16xf32>
        %gt3A_346 = arith.cmpf ogt, %gather3A_344, %select_n3A_285 : vector<16xf32>
        %select_n3A_347 = arith.select %gt3A_346, %gather3A_344, %select_n3A_285 : vector<16xi1>, vector<16xf32>
        %select_n3A_348 = arith.select %gt3A_345, %select_n3A_288, %select_n3A_347 : vector<16xi1>, vector<16xf32>
        %select_n3A_349 = arith.select %gt3A_346, %add3A_342, %select_n3A_287 : vector<16xi1>, vector<16xi32>
        %select_n3A_350 = arith.select %gt3A_345, %select_n3A_289, %select_n3A_349 : vector<16xi1>, vector<16xi32>
        %select_n3A_351 = arith.select %gt3A_345, %gather3A_344, %select_n3A_288 : vector<16xi1>, vector<16xf32>
        %select_n3A_352 = arith.select %gt3A_345, %add3A_342, %select_n3A_289 : vector<16xi1>, vector<16xi32>
        %add3A_353 = arith.constant 48 : i32
        %add3A_354 = vector.broadcast %add3A_353 : i32 to vector<16xi32>
        %add3A_355 = arith.addi %select_n3A_313, %add3A_354 : vector<16xi32>
        %add3A_356 = arith.addi %mul3A_37, %add3A_355 : vector<16xi32>
        %gather3A_357 = tpu.vector_load_idx %arg6[%add3A_356] : memref<49152xf32, #tpu.memory_space<vmem>>[vector<16xi32>], vector<16xf32>,
        %gt3A_358 = arith.cmpf ogt, %gather3A_357, %select_n3A_301 : vector<16xf32>
        %gt3A_359 = arith.cmpf ogt, %gather3A_357, %select_n3A_298 : vector<16xf32>
        %select_n3A_360 = arith.select %gt3A_359, %gather3A_357, %select_n3A_298 : vector<16xi1>, vector<16xf32>
        %select_n3A_361 = arith.select %gt3A_358, %select_n3A_301, %select_n3A_360 : vector<16xi1>, vector<16xf32>
        %select_n3A_362 = arith.select %gt3A_359, %add3A_355, %select_n3A_300 : vector<16xi1>, vector<16xi32>
        %select_n3A_363 = arith.select %gt3A_358, %select_n3A_302, %select_n3A_362 : vector<16xi1>, vector<16xi32>
        %select_n3A_364 = arith.select %gt3A_358, %gather3A_357, %select_n3A_301 : vector<16xi1>, vector<16xf32>
        %select_n3A_365 = arith.select %gt3A_358, %add3A_355, %select_n3A_302 : vector<16xi1>, vector<16xi32>
        scf.yield %select_n3A_325, %select_n3A_326, %select_n3A_322, %select_n3A_324, %select_n3A_338, %select_n3A_339, %select_n3A_335, %select_n3A_337, %select_n3A_351, %select_n3A_352, %select_n3A_348, %select_n3A_350, %select_n3A_364, %select_n3A_365, %select_n3A_361, %select_n3A_363 : vector<16xf32>, vector<16xi32>, vector<16xf32>, vector<16xi32>, vector<16xf32>, vector<16xi32>, vector<16xf32>, vector<16xi32>, vector<16xf32>, vector<16xi32>, vector<16xf32>, vector<16xi32>, vector<16xf32>, vector<16xi32>, vector<16xf32>, vector<16xi32>
      }
      %scan3A_46 = arith.constant 16 : i32
      %ge3A = arith.cmpf oge, %scan3A_45#0, %scan3A_45#4 : vector<16xf32>
      %select_n3A = arith.select %ge3A, %scan3A_45#0, %scan3A_45#4 : vector<16xi1>, vector<16xf32>
      %select_n3A_47 = arith.select %ge3A, %scan3A_45#1, %scan3A_45#5 : vector<16xi1>, vector<16xi32>
      %ge3A_48 = arith.cmpf oge, %scan3A_45#2, %scan3A_45#4 : vector<16xf32>
      %ge3A_49 = arith.cmpf oge, %scan3A_45#0, %scan3A_45#6 : vector<16xf32>
      %select_n3A_50 = arith.select %ge3A_48, %scan3A_45#2, %scan3A_45#4 : vector<16xi1>, vector<16xf32>
      %select_n3A_51 = arith.select %ge3A_49, %scan3A_45#0, %scan3A_45#6 : vector<16xi1>, vector<16xf32>
      %select_n3A_52 = arith.select %ge3A, %select_n3A_50, %select_n3A_51 : vector<16xi1>, vector<16xf32>
      %select_n3A_53 = arith.select %ge3A_48, %scan3A_45#3, %scan3A_45#5 : vector<16xi1>, vector<16xi32>
      %select_n3A_54 = arith.select %ge3A_49, %scan3A_45#1, %scan3A_45#7 : vector<16xi1>, vector<16xi32>
      %select_n3A_55 = arith.select %ge3A, %select_n3A_53, %select_n3A_54 : vector<16xi1>, vector<16xi32>
      %ge3A_56 = arith.cmpf oge, %scan3A_45#8, %scan3A_45#12 : vector<16xf32>
      %select_n3A_57 = arith.select %ge3A_56, %scan3A_45#8, %scan3A_45#12 : vector<16xi1>, vector<16xf32>
      %select_n3A_58 = arith.select %ge3A_56, %scan3A_45#9, %scan3A_45#13 : vector<16xi1>, vector<16xi32>
      %ge3A_59 = arith.cmpf oge, %scan3A_45#10, %scan3A_45#12 : vector<16xf32>
      %ge3A_60 = arith.cmpf oge, %scan3A_45#8, %scan3A_45#14 : vector<16xf32>
      %select_n3A_61 = arith.select %ge3A_59, %scan3A_45#10, %scan3A_45#12 : vector<16xi1>, vector<16xf32>
      %select_n3A_62 = arith.select %ge3A_60, %scan3A_45#8, %scan3A_45#14 : vector<16xi1>, vector<16xf32>
      %select_n3A_63 = arith.select %ge3A_56, %select_n3A_61, %select_n3A_62 : vector<16xi1>, vector<16xf32>
      %select_n3A_64 = arith.select %ge3A_59, %scan3A_45#11, %scan3A_45#13 : vector<16xi1>, vector<16xi32>
      %select_n3A_65 = arith.select %ge3A_60, %scan3A_45#9, %scan3A_45#15 : vector<16xi1>, vector<16xi32>
      %select_n3A_66 = arith.select %ge3A_56, %select_n3A_64, %select_n3A_65 : vector<16xi1>, vector<16xi32>
      %ge3A_67 = arith.cmpf oge, %select_n3A, %select_n3A_57 : vector<16xf32>
      %select_n3A_68 = arith.select %ge3A_67, %select_n3A, %select_n3A_57 : vector<16xi1>, vector<16xf32>
      %select_n3A_69 = arith.select %ge3A_67, %select_n3A_47, %select_n3A_58 : vector<16xi1>, vector<16xi32>
      %ge3A_70 = arith.cmpf oge, %select_n3A_52, %select_n3A_57 : vector<16xf32>
      %ge3A_71 = arith.cmpf oge, %select_n3A, %select_n3A_63 : vector<16xf32>
      %select_n3A_72 = arith.select %ge3A_70, %select_n3A_52, %select_n3A_57 : vector<16xi1>, vector<16xf32>
      %select_n3A_73 = arith.select %ge3A_71, %select_n3A, %select_n3A_63 : vector<16xi1>, vector<16xf32>
      %select_n3A_74 = arith.select %ge3A_67, %select_n3A_72, %select_n3A_73 : vector<16xi1>, vector<16xf32>
      %select_n3A_75 = arith.select %ge3A_70, %select_n3A_55, %select_n3A_58 : vector<16xi1>, vector<16xi32>
      %select_n3A_76 = arith.select %ge3A_71, %select_n3A_47, %select_n3A_66 : vector<16xi1>, vector<16xi32>
      %select_n3A_77 = arith.select %ge3A_67, %select_n3A_75, %select_n3A_76 : vector<16xi1>, vector<16xi32>
      %sub3A = arith.subf %select_n3A_74, %select_n3A_68 : vector<16xf32>
      %exp3A = math.exp %sub3A : vector<16xf32>
      %add3A_78 = arith.constant 1.000000e+00 : f32
      %add3A_79 = vector.broadcast %add3A_78 : f32 to vector<16xf32>
      %add3A_80 = arith.addf %add3A_79, %exp3A : vector<16xf32>
      %div3A = arith.constant 1.000000e+00 : f32
      %div3A_81 = vector.broadcast %div3A : f32 to vector<16xf32>
      %div3A_82 = arith.divf %div3A_81, %add3A_80 : vector<16xf32>
      %sub3A_83 = arith.constant 1.000000e+00 : f32
      %sub3A_84 = vector.broadcast %sub3A_83 : f32 to vector<16xf32>
      %sub3A_85 = arith.subf %sub3A_84, %div3A_82 : vector<16xf32>
      %mul3A_86 = arith.constant 16 : i32
      %mul3A_87 = arith.muli %scan3A_30, %mul3A_86 : i32
      %add3A_88 = arith.constant 384 : i32
      %add3A_89 = arith.addi %add3A_88, %mul3A_87 : i32
      %add3A_90 = vector.broadcast %add3A_89 : i32 to vector<16xi32>
      %add3A_91 = arith.addi %add3A_90, %iota3A : vector<16xi32>
      %mul3A_92 = arith.constant 2 : i32
      %mul3A_93 = vector.broadcast %mul3A_92 : i32 to vector<16xi32>
      %mul3A_94 = arith.muli %add3A_91, %mul3A_93 : vector<16xi32>
      tpu.vector_store_idx %arg7[%mul3A_94], %div3A_82 : memref<1536xf32, #tpu.memory_space<vmem>>[vector<16xi32>], vector<16xf32>,
      %add3A_95 = arith.constant 1 : i32
      %add3A_96 = vector.broadcast %add3A_95 : i32 to vector<16xi32>
      %add3A_97 = arith.addi %mul3A_94, %add3A_96 : vector<16xi32>
      tpu.vector_store_idx %arg7[%add3A_97], %sub3A_85 : memref<1536xf32, #tpu.memory_space<vmem>>[vector<16xi32>], vector<16xf32>,
      tpu.vector_store_idx %arg8[%mul3A_94], %select_n3A_69 : memref<1536xi32, #tpu.memory_space<vmem>>[vector<16xi32>], vector<16xi32>,
      %add3A_98 = arith.constant 1 : i32
      %add3A_99 = vector.broadcast %add3A_98 : i32 to vector<16xi32>
      %add3A_100 = arith.addi %mul3A_94, %add3A_99 : vector<16xi32>
      tpu.vector_store_idx %arg8[%add3A_100], %select_n3A_77 : memref<1536xi32, #tpu.memory_space<vmem>>[vector<16xi32>], vector<16xi32>,
    }
    %scan3A_25 = arith.constant 24 : i32
    %mul3A_26 = arith.constant 2 : i32
    %mul3A_27 = arith.muli %mul3A_2, %mul3A_26 : i32
    "tpu.region"() ({
      %run_scoped3A = tpu.sem_alloc : memref<!tpu.dma_semaphore, #tpu.memory_space<semaphore_mem>>
      %dma_start3A_30 = tpu.memref_slice %arg3[%mul3A_27] : memref<49152xf32, #tpu.memory_space<hbm>> -> memref<1536xf32, #tpu.memory_space<hbm>>
      %dma_start3A_31 = tpu.memref_slice %arg3[%mul3A_27] : memref<49152xf32, #tpu.memory_space<hbm>> -> memref<1536xf32, #tpu.memory_space<hbm>>
      tpu.enqueue_dma source(%arg7 : memref<1536xf32, #tpu.memory_space<vmem>>) target(%dma_start3A_31 : memref<1536xf32, #tpu.memory_space<hbm>>) target_semaphore(%run_scoped3A : memref<!tpu.dma_semaphore, #tpu.memory_space<semaphore_mem>>)
      %dma_wait3A_32 = tpu.memref_slice %arg3[%mul3A_27] : memref<49152xf32, #tpu.memory_space<hbm>> -> memref<1536xf32, #tpu.memory_space<hbm>>
      %dma_wait3A_33 = tpu.memref_slice %arg3[%mul3A_27] : memref<49152xf32, #tpu.memory_space<hbm>> -> memref<1536xf32, #tpu.memory_space<hbm>>
      tpu.wait_dma2 semaphore(%run_scoped3A : memref<!tpu.dma_semaphore, #tpu.memory_space<semaphore_mem>>) src(%arg7 : memref<1536xf32, #tpu.memory_space<vmem>>) dst(%dma_wait3A_33 : memref<1536xf32, #tpu.memory_space<hbm>>)
      tpu.yield
    }) : () -> ()
    %mul3A_28 = arith.constant 2 : i32
    %mul3A_29 = arith.muli %mul3A_2, %mul3A_28 : i32
    "tpu.region"() ({
      %run_scoped3A = tpu.sem_alloc : memref<!tpu.dma_semaphore, #tpu.memory_space<semaphore_mem>>
      %dma_start3A_30 = tpu.memref_slice %arg4[%mul3A_29] : memref<49152xi32, #tpu.memory_space<hbm>> -> memref<1536xi32, #tpu.memory_space<hbm>>
      %dma_start3A_31 = tpu.memref_slice %arg4[%mul3A_29] : memref<49152xi32, #tpu.memory_space<hbm>> -> memref<1536xi32, #tpu.memory_space<hbm>>
      tpu.enqueue_dma source(%arg8 : memref<1536xi32, #tpu.memory_space<vmem>>) target(%dma_start3A_31 : memref<1536xi32, #tpu.memory_space<hbm>>) target_semaphore(%run_scoped3A : memref<!tpu.dma_semaphore, #tpu.memory_space<semaphore_mem>>)
      %dma_wait3A_32 = tpu.memref_slice %arg4[%mul3A_29] : memref<49152xi32, #tpu.memory_space<hbm>> -> memref<1536xi32, #tpu.memory_space<hbm>>
      %dma_wait3A_33 = tpu.memref_slice %arg4[%mul3A_29] : memref<49152xi32, #tpu.memory_space<hbm>> -> memref<1536xi32, #tpu.memory_space<hbm>>
      tpu.wait_dma2 semaphore(%run_scoped3A : memref<!tpu.dma_semaphore, #tpu.memory_space<semaphore_mem>>) src(%arg8 : memref<1536xi32, #tpu.memory_space<vmem>>) dst(%dma_wait3A_33 : memref<1536xi32, #tpu.memory_space<hbm>>)
      tpu.yield
    }) : () -> ()
    return
  }
}

module attributes {stable_mosaic.version = 14 : i64} {
  func.func @_logits_body(%arg0: i32, %arg1: memref<512x4096xf32, #tpu.memory_space<vmem>>, %arg2: memref<64x4096xf32, #tpu.memory_space<vmem>>, %arg3: memref<512x64xf32, #tpu.memory_space<vmem>>, %arg4: memref<512x128xf32, #tpu.memory_space<vmem>>) attributes {dimension_semantics = [#tpu.dimension_semantics<arbitrary>], iteration_bounds = array<i64: 16>, scalar_prefetch = 0 : i64, scratch_operands = 0 : i64, tpu.core_type = #tpu.core_type<tc>, window_params = [{transform_indices = @transform_0, window_bounds = array<i64: 512, 4096>}, {pipeline_mode = #tpu.pipeline_mode<synchronous>, transform_indices = @transform_1, window_bounds = array<i64: 64, 4096>}, {transform_indices = @transform_2, window_bounds = array<i64: 512, 64>}, {transform_indices = @transform_3, window_bounds = array<i64: 512, 128>}]} {
    %get3A = arith.constant 0 : index
    %get3A_0 = arith.constant 0 : index
    %get3A_1 = vector.load %arg1[%get3A, %get3A_0] : memref<512x4096xf32, #tpu.memory_space<vmem>>, vector<512x4096xf32>
    %get3A_2 = arith.constant 0 : index
    %get3A_3 = arith.constant 0 : index
    %get3A_4 = vector.load %arg2[%get3A_2, %get3A_3] : memref<64x4096xf32, #tpu.memory_space<vmem>>, vector<64x4096xf32>
    %dot_general3A = arith.constant dense<0.000000e+00> : vector<512x64xf32>
    %dot_general3A_5 = tpu.matmul %get3A_1, %get3A_4, %dot_general3A {dimension_numbers = #tpu.dot_dimension_numbers<[1], [1], [0], [0], [0, 0, 1, 0], [], []>, transpose_lhs_hint = false} : vector<512x4096xf32>, vector<64x4096xf32>, vector<512x64xf32> -> vector<512x64xf32>
    %swap3A = arith.constant 0 : index
    %swap3A_6 = arith.constant 0 : index
    %swap3A_7 = vector.load %arg3[%swap3A, %swap3A_6] : memref<512x64xf32, #tpu.memory_space<vmem>>, vector<512x64xf32>
    tpu.vector_store %arg3[%swap3A, %swap3A_6], %dot_general3A_5 {strides = array<i32>} : memref<512x64xf32, #tpu.memory_space<vmem>>, vector<512x64xf32>,
    %concatenate3A = tpu.concatenate %dot_general3A_5, %dot_general3A_5 in 1 : vector<512x64xf32>, vector<512x64xf32> -> vector<512x128xf32>
    %swap3A_8 = arith.constant 0 : index
    %swap3A_9 = arith.constant 0 : index
    %swap3A_10 = vector.load %arg4[%swap3A_8, %swap3A_9] : memref<512x128xf32, #tpu.memory_space<vmem>>, vector<512x128xf32>
    tpu.vector_store %arg4[%swap3A_8, %swap3A_9], %concatenate3A {strides = array<i32>} : memref<512x128xf32, #tpu.memory_space<vmem>>, vector<512x128xf32>,
    return
  }
  func.func @transform_0(%arg0: i32) -> (i32, i32) {
    %add3A = arith.constant 48 : i32
    %add3A_0 = arith.addi %add3A, %arg0 : i32
    %c0_i32 = arith.constant 0 : i32
    %c0_i32_1 = arith.constant 0 : i32
    return %add3A_0, %c0_i32 : i32, i32
  }
  func.func @transform_1(%arg0: i32) -> (i32, i32) {
    %c0_i32 = arith.constant 0 : i32
    %c0_i32_0 = arith.constant 0 : i32
    %c0_i32_1 = arith.constant 0 : i32
    return %c0_i32, %c0_i32_0 : i32, i32
  }
  func.func @transform_2(%arg0: i32) -> (i32, i32) {
    %c0_i32 = arith.constant 0 : i32
    %c0_i32_0 = arith.constant 0 : i32
    return %arg0, %c0_i32 : i32, i32
  }
  func.func @transform_3(%arg0: i32) -> (i32, i32) {
    %c0_i32 = arith.constant 0 : i32
    %c0_i32_0 = arith.constant 0 : i32
    return %arg0, %c0_i32 : i32, i32
  }
}

module attributes {stable_mosaic.version = 14 : i64} {
  func.func @_logits_body(%arg0: i32, %arg1: memref<512x4096xf32, #tpu.memory_space<vmem>>, %arg2: memref<64x4096xf32, #tpu.memory_space<vmem>>, %arg3: memref<512x64xf32, #tpu.memory_space<vmem>>, %arg4: memref<512x128xf32, #tpu.memory_space<vmem>>) attributes {dimension_semantics = [#tpu.dimension_semantics<arbitrary>], iteration_bounds = array<i64: 48>, scalar_prefetch = 0 : i64, scratch_operands = 0 : i64, tpu.core_type = #tpu.core_type<tc>, window_params = [{transform_indices = @transform_0, window_bounds = array<i64: 512, 4096>}, {pipeline_mode = #tpu.pipeline_mode<synchronous>, transform_indices = @transform_1, window_bounds = array<i64: 64, 4096>}, {transform_indices = @transform_2, window_bounds = array<i64: 512, 64>}, {transform_indices = @transform_3, window_bounds = array<i64: 512, 128>}]} {
    %get3A = arith.constant 0 : index
    %get3A_0 = arith.constant 0 : index
    %get3A_1 = vector.load %arg1[%get3A, %get3A_0] : memref<512x4096xf32, #tpu.memory_space<vmem>>, vector<512x4096xf32>
    %get3A_2 = arith.constant 0 : index
    %get3A_3 = arith.constant 0 : index
    %get3A_4 = vector.load %arg2[%get3A_2, %get3A_3] : memref<64x4096xf32, #tpu.memory_space<vmem>>, vector<64x4096xf32>
    %dot_general3A = arith.constant dense<0.000000e+00> : vector<512x64xf32>
    %dot_general3A_5 = tpu.matmul %get3A_1, %get3A_4, %dot_general3A {dimension_numbers = #tpu.dot_dimension_numbers<[1], [1], [0], [0], [0, 0, 1, 0], [], []>, transpose_lhs_hint = false} : vector<512x4096xf32>, vector<64x4096xf32>, vector<512x64xf32> -> vector<512x64xf32>
    %swap3A = arith.constant 0 : index
    %swap3A_6 = arith.constant 0 : index
    %swap3A_7 = vector.load %arg3[%swap3A, %swap3A_6] : memref<512x64xf32, #tpu.memory_space<vmem>>, vector<512x64xf32>
    tpu.vector_store %arg3[%swap3A, %swap3A_6], %dot_general3A_5 {strides = array<i32>} : memref<512x64xf32, #tpu.memory_space<vmem>>, vector<512x64xf32>,
    %concatenate3A = tpu.concatenate %dot_general3A_5, %dot_general3A_5 in 1 : vector<512x64xf32>, vector<512x64xf32> -> vector<512x128xf32>
    %swap3A_8 = arith.constant 0 : index
    %swap3A_9 = arith.constant 0 : index
    %swap3A_10 = vector.load %arg4[%swap3A_8, %swap3A_9] : memref<512x128xf32, #tpu.memory_space<vmem>>, vector<512x128xf32>
    tpu.vector_store %arg4[%swap3A_8, %swap3A_9], %concatenate3A {strides = array<i32>} : memref<512x128xf32, #tpu.memory_space<vmem>>, vector<512x128xf32>,
    return
  }
  func.func @transform_0(%arg0: i32) -> (i32, i32) {
    %add3A = arith.constant 0 : i32
    %add3A_0 = arith.addi %add3A, %arg0 : i32
    %c0_i32 = arith.constant 0 : i32
    %c0_i32_1 = arith.constant 0 : i32
    return %add3A_0, %c0_i32 : i32, i32
  }
  func.func @transform_1(%arg0: i32) -> (i32, i32) {
    %c0_i32 = arith.constant 0 : i32
    %c0_i32_0 = arith.constant 0 : i32
    %c0_i32_1 = arith.constant 0 : i32
    return %c0_i32, %c0_i32_0 : i32, i32
  }
  func.func @transform_2(%arg0: i32) -> (i32, i32) {
    %c0_i32 = arith.constant 0 : i32
    %c0_i32_0 = arith.constant 0 : i32
    return %arg0, %c0_i32 : i32, i32
  }
  func.func @transform_3(%arg0: i32) -> (i32, i32) {
    %c0_i32 = arith.constant 0 : i32
    %c0_i32_0 = arith.constant 0 : i32
    return %arg0, %c0_i32 : i32, i32
  }
}

</mosaic_0001>

<sc_bundles>
// kernel: kernel.6.cloned.1.call-start
scs
__scs_entry_jumppad:
0x0: {  	(pc) =	sbr.rel $0x88, $3  }
0x1: {  	(tag) =	ssettag $0x0;
	lr =	simm.s32 $0x1  }
0x2: {  	[smem:$0x3F9F] =	sst lr;
	_ =	strace $0xD0000000  }
0x3: {  	_ = 	snop  }
0x4: {  	_ = 	snop  }
0x5: {  	_ = 	snop  }
0x6: {  	_ = 	snop  }
0x7: {  	_ = 	snop  }
__scs_overlays_trampoline_lowered:
0x8: {  	[smem:$0x3FAE] =	sst s0  }
0x9: {  	[smem:$0x3FAF] =	sst s1  }
0xa: {  	[smem:$0x3FB0] =	sst s2  }
0xb: {  	[smem:$0x3FB1] =	sst s3  }
0xc: {  	[smem:$0x3FB2] =	sst s4  }
0xd: {  	[smem:$0x3FB3] =	sst s5  }
0xe: {  	[smem:$0x3FB4] =	sst s6  }
0xf: {  	[smem:$0x3FB5] =	sst s7  }
0x10: {  	[smem:$0x3FB6] =	sst s8  }
0x11: {  	[smem:$0x3FB7] =	sst s9;
	s0 =	simm.s32 @!p0 $0x0  }
0x12: {  	s1 =	sld [smem:$0x3F9D];
	s0 =	simm.s32 @p0 $0x1  }
0x13: {  	[smem:$0x3FB8] =	sst s0;
	s0 =	simm.s32 @!p1 $0x0  }
0x14: {  	s2 =	sld [smem:$0x3F9C];
	s0 =	simm.s32 @p1 $0x1  }
0x15: {  	[smem:$0x3FB9] =	sst s0;
	s0 =	simm.s32 @!p2 $0x0  }
0x16: {  	s3 =	sld [smem:$0x3FDB];
	s0 =	simm.s32 @p2 $0x1  }
0x17: {  	s4 =	simm.s32 $0x1BF5;
	[smem:$0x3FBB] =	sst s0  }
0x18: {  	s0 =	sld [smem:$0x3F9E];
	_ =	swait.ge [sflag:s4], $0x0  }
0x19: {  	s7 =	sld [smem:$0x3F9F]  }
0x1a: {  	s8 =	sadd.s32 $0xFFFFE003, lr  }
0x1b: {  	s9 =	sadd.s32 $0xFFFFFEF7, lr;
	s5 =	simm.s32 $0xFFFFFFFF;
	p2 =	slt.u32 s8, $0xFFFFF086  }
0x1c: {  	p1 =	slt.u32 s9, $0xF7A;
	s5 =	simm.s32 @!p2 $0x0  }
0x1d: {  	s5 =	simm.s32 @p1 $0x1;
	p0 =	seq.s32 s7, s2  }
0x1e: {  	s7 =	smul.u32 @!p0 $0xF7A, s2;
	p2 =	seq.s32 @!p0 s5, $0x0  }
0x1f: {  	s9 =	smul.u32 $0xF7A, s1;
	s8 =	simm.s32 @!p0 $0x1BF5;
	p2 =	por !p2, p0  }
0x20: {  	[sflag:s8] =	ssyncset.s32 @!p0 $0xFFFFF086;
	s6 =	sadd.s32 @!p0 s3, s7;
	s7 =	simm.s32 @!p0 $0x108  }
0x21: {  	s3 =	sadd.s32 s3, s9;
	s6 =	sadd.s32 @!p0 $0x88, s6;
	s7 =	simm.s32 @p2 $0x1082  }
0x22: {  	[simem:s7], [sflag:s8] =	dma.local @!p0 [hbm:s6], $0xF7A  }
0x23: {  	s9 =	sor.u32 $0xD0000000, s2;
	s6 =	simm.s32 $0x108;
	_ =	swait.ge @!p0 [sflag:s8], $0x0  }
0x24: {  	s3 =	sadd.s32 $0x88, s3;
	s6 =	simm.s32 @!p1 $0x1082;
	[sflag:s4] =	ssyncset.s32 $0xFFFFF086  }
0x25: {  	[simem:s6], [sflag:s4] =	dma.local [hbm:s3], $0xF7A  }
0x26: {  	[smem:$0x3F9F] =	sst s1;
	(tag) =	ssettag s2;
	_ =	strace s9  }
0x27: {  	s1 =	sld [smem:$0x3FAF]  }
0x28: {  	s2 =	sld [smem:$0x3FB0]  }
0x29: {  	s4 =	sld [smem:$0x3FB2]  }
0x2a: {  	p0 =	seq.s32 s5, $0x0;
	s5 =	sld [smem:$0x3FB3]  }
0x2b: {  	s6 =	sld [smem:$0x3FB4]  }
0x2c: {  	s7 =	sld [smem:$0x3FB5]  }
0x2d: {  	s3 =	simm.s32 $0x108;
	s8 =	sld [smem:$0x3FB6]  }
0x2e: {  	s3 =	simm.s32 @!p0 $0x1082;
	s9 =	sld [smem:$0x3FB7]  }
0x2f: {  	lr =	sadd.s32 s0, s3;
	s0 =	sld [smem:$0x3FAE]  }
0x30: {  	s3 =	sld [smem:$0x3FB1]  }
0x31: {  	[smem:$0x3FBA] =	sst s10  }
0x32: {  	s10 =	sld [smem:$0x3FB8];
	_ =	sdelay $0x3  }
0x33: {  	p0 =	seq.s32 s10, $0x1;
	s10 =	sld [smem:$0x3FBA];
	_ =	sdelay $0x3  }
0x34: {  	[smem:$0x3FBA] =	sst s10  }
0x35: {  	s10 =	sld [smem:$0x3FB9];
	_ =	sdelay $0x3  }
0x36: {  	p1 =	seq.s32 s10, $0x1;
	s10 =	sld [smem:$0x3FBA];
	_ =	sdelay $0x3  }
0x37: {  	[smem:$0x3FBA] =	sst s10  }
0x38: {  	s10 =	sld [smem:$0x3FBB]  }
0x39: {  	_ = 	snop;
	(pc) =	sbr.ind lr, $3  }
0x3a: {  	_ = 	snop  }
0x3b: {  	_ = 	snop  }
0x3c: {  	p2 =	seq.s32 s10, $0x1;
	s10 =	sld [smem:$0x3FBA]  }
0x3d: {  	_ =	shalt  }
0x3e: {  	_ =	shalt  }
0x3f: {  	_ =	shalt  }
0x40: {  	_ =	shalt  }
0x41: {  	_ =	shalt  }
0x42: {  	_ =	shalt  }
0x43: {  	_ =	shalt  }
0x44: {  	_ =	shalt  }
0x45: {  	_ =	shalt  }
0x46: {  	_ =	shalt  }
0x47: {  	_ =	shalt  }
0x48: {  	_ =	shalt  }
0x49: {  	_ =	shalt  }
0x4a: {  	_ =	shalt  }
0x4b: {  	_ =	shalt  }
0x4c: {  	_ =	shalt  }
0x4d: {  	_ =	shalt  }
0x4e: {  	_ =	shalt  }
0x4f: {  	_ =	shalt  }
0x50: {  	_ =	shalt  }
0x51: {  	_ =	shalt  }
0x52: {  	_ =	shalt  }
0x53: {  	_ =	shalt  }
0x54: {  	_ =	shalt  }
0x55: {  	_ =	shalt  }
0x56: {  	_ =	shalt  }
0x57: {  	_ =	shalt  }
0x58: {  	_ =	shalt  }
0x59: {  	_ =	shalt  }
0x5a: {  	_ =	shalt  }
0x5b: {  	_ =	shalt  }
0x5c: {  	_ =	shalt  }
0x5d: {  	_ =	shalt  }
0x5e: {  	_ =	shalt  }
0x5f: {  	_ =	shalt  }
0x60: {  	_ =	shalt  }
0x61: {  	_ =	shalt  }
0x62: {  	_ =	shalt  }
0x63: {  	_ =	shalt  }
0x64: {  	_ =	shalt  }
0x65: {  	_ =	shalt  }
0x66: {  	_ =	shalt  }
0x67: {  	_ =	shalt  }
0x68: {  	_ =	shalt  }
0x69: {  	_ =	shalt  }
0x6a: {  	_ =	shalt  }
0x6b: {  	_ =	shalt  }
0x6c: {  	_ =	shalt  }
0x6d: {  	_ =	shalt  }
0x6e: {  	_ =	shalt  }
0x6f: {  	_ =	shalt  }
0x70: {  	_ =	shalt  }
0x71: {  	_ =	shalt  }
0x72: {  	_ =	shalt  }
0x73: {  	_ =	shalt  }
0x74: {  	_ =	shalt  }
0x75: {  	_ =	shalt  }
0x76: {  	_ =	shalt  }
0x77: {  	_ =	shalt  }
0x78: {  	_ =	shalt  }
0x79: {  	_ =	shalt  }
0x7a: {  	_ =	shalt  }
0x7b: {  	_ =	shalt  }
0x7c: {  	_ =	shalt  }
0x7d: {  	_ =	shalt  }
0x7e: {  	_ =	shalt  }
0x7f: {  	_ =	shalt  }
0x80: {  	_ =	shalt  }
0x81: {  	_ =	shalt  }
0x82: {  	_ =	shalt  }
0x83: {  	_ =	shalt  }
0x84: {  	_ =	shalt  }
0x85: {  	_ =	shalt  }
0x86: {  	_ =	shalt  }
0x87: {  	_ =	shalt  }
.Lfunc_end0:
.L_simem_size_0:
called_computation_lowered:
.L_overlay_start_0:
0x88: {  	s2 =	sld [smem:$0x3FD9]  }
0x89: {  	s3 =	sld [smem:$0x3FFE];
	_ =	sdelay $0x1  }
0x8a: {  	s1 =	srdreg.scid  }
0x8b: {  	s0 =	sand.u32 $0x1, s1  }
0x8c: {  	s15 =	sshll.u32 s0, $0xA;
	s2 =	sadd.s32 s3, s2  }
0x8d: {  	s2 =	sadd.s32 s2, s15  }
0x8e: {  	[smem:$0x3FC6] =	sst s2  }
0x8f: {  	_ = 	snop  }
0x90: {  	s2 =	sld [smem:$0x3FD0];
	_ =	sdelay $0x2  }
0x91: {  	s4 =	simm.s32 $0xB;
	s16 =	simm.s32 $0x10  }
0x92: {  	[smem:s16], [sflag:s4] =	dma.local [hbm:s2], $0x1  }
0x93: {  	_ =	swait.eq [sflag:s4], $0x1  }
0x94: {  	[sflag:s4] =	ssyncset.done $0x0  }
0x95: {  	s17 =	sld [smem:$0x10];
	[sflag:s4] =	ssyncadd.s32 $0xFFFFFFFF  }
0x96: {  	s18 =	sld [smem:$0x11];
	(tm) =	ssettm $0x1  }
0x97: {  	s19 =	sld [smem:$0x3FFB];
	_ =	sdelay $0x3  }
0x98: {  	_ =	strace s19  }
0x99: {  	s2 =	sld [smem:$0x3FFC];
	_ =	sdelay $0x3  }
0x9a: {  	_ =	strace s2  }
0x9b: {  	s2 =	sld [smem:$0x3FFD];
	_ =	sdelay $0x3  }
0x9c: {  	_ =	strace s2  }
0x9d: {  	_ =	strace $0x8FFFFFFF  }
0x9e: {  	s20 =	sld [smem:$0x3FDB];
	_ =	sdelay $0x1  }
0x9f: {  	s5 =	simm.s32 $_scs_section_size  }
0xa0: {  	s6 =	simm.s32 $_size__tile_overlayer_lowered;
	s7 =	simm.s32 $_tile_overlayer_lowered  }
0xa1: {  	s8 =	simm.s32 $0x1BFF;
	s21 =	sshll.u32 s7, $0x1;
	s5 =	sadd.s32 s5, s20  }
0xa2: {  	s22 =	simm.s32 $0x0;
	s6 =	sshll.u32 s6, $0x1;
	s7 =	sadd.s32 s21, s5  }
0xa3: {  	[timem:s22], [sflag:s8] =	dma.local [hbm:s7], s6  }
0xa4: {  	_ =	swait.ge [sflag:s8], s6  }
0xa5: {  	s6 =	ssub.s32 $0x0, s6;
	[sflag:s8] =	ssyncset.done $0x0  }
0xa6: {  	[sflag:s8] =	ssyncadd.s32 s6;
	_ =	sdelay $0x1  }
0xa7: {  	s23 =	simm.s32 $0x1B8B  }
0xa8: {  	_ =	swait.ge [sflag:s23], $0x1  }
0xa9: {  	[sflag:s23] =	ssyncset.done $0x0  }
0xaa: {  	[sflag:s23] =	ssyncadd.s32 $0xFFFFFFFF  }
0xab: {  	s6 =	sld [smem:$0x0]  }
0xac: {  	s7 =	sand.u32 $0xFFFFFFFE, s1  }
0xad: {  	p0 =	sne.s32 s1, s7  }
0xae: {  	s7 =	sshll.u32 @p0 s7, $0xE  }
0xaf: {  	s7 =	sadd.s32 @p0 $0x11B8D, s7;
	s8 =	sshll.u32 @p0 s6, $0x11  }
0xb0: {  	s7 =	sor.u32 @p0 s8, s7  }
0xb1: {  	[sflag:s7] =	ssyncadd.remote.s32 @p0 $0x1;
	_ =	sdelay $0x1  }
0xb2: {  	s7 =	simm.s32 @p0 $0x1B8D  }
0xb3: {  	_ =	swait.eq @p0 [sflag:s7], $0x1  }
0xb4: {  	[sflag:s7] =	ssyncadd.s32 @p0 $0xFFFFFFFF  }
0xb5: {  	s8 =	sshll.u32 @!p0 s1, $0xE  }
0xb6: {  	s8 =	sor.u32 @!p0 $0x4000, s8;
	s7 =	simm.s32 @!p0 $0x1B8D  }
0xb7: {  	s6 =	sshll.u32 @!p0 s6, $0x11;
	s8 =	sadd.s32 @!p0 $0x11B8D, s8;
	_ =	swait.eq @!p0 [sflag:s7], $0x1  }
0xb8: {  	s6 =	sor.u32 @!p0 s6, s8;
	[sflag:s7] =	ssyncadd.s32 @!p0 $0xFFFFFFFF  }
0xb9: {  	s25 =	simm.s32 $0x1B8E;
	s24 =	sld [smem:$0x3FFE];
	[sflag:s6] =	ssyncadd.remote.s32 @!p0 $0x1  }
0xba: {  	s26 =	simm.s32 $execute0_lowered;
	[smem:$0x3FD2] =	sst s25  }
0xbb: {  	s7 =	sshll.u32 s26, $0x1;
	_ =	strace $0x80000049;
	[dreg:$0x1] =	wrdreg $0xFFFFFFFF  }
0xbc: {  	s28 =	simm.s32 $_size_execute0_lowered;
	s5 =	sadd.s32 s5, s7;
	[dreg:$0x0] =	wrdreg $0x0  }
0xbd: {  	s7 =	sshll.u32 s28, $0x1;
	[dreg:$0x2] =	wrdreg s5  }
0xbe: {  	[dreg:$0x3] =	wrdreg s7  }
0xbf: {  	[dreg:$0x4] =	wrdreg $0xC0  }
0xc0: {  	_ =	task [dreg:s22], $0x5FFFF  }
0xc1: {  	[dreg:$0x1] =	wrdreg $0xFFFFFFFF  }
0xc2: {  	[dreg:$0x0] =	wrdreg $0x60  }
0xc3: {  	[dreg:$0x2] =	wrdreg s24  }
0xc4: {  	[dreg:$0x3] =	wrdreg s18  }
0xc5: {  	[dreg:$0x4] =	wrdreg s17  }
0xc6: {  	[dreg:$0x5] =	wrdreg $0x9  }
0xc7: {  	_ =	task.clear_ibuf [dreg:s22], $0x6FFFF;
	_ =	strace $0x90000049  }
0xc8: {  	s29 =	simm.s32 $0x9;
	_ =	strace $0x8000004B  }
0xc9: {  	_ =	swait.ge [sflag:s29], $0x1  }
0xca: {  	[sflag:s29] =	ssyncadd.s32 $0xFFFFFFFF  }
0xcb: {  	_ =	strace $0x9000004B  }
0xcc: {  	_ =	sfence  }
0xcd: {  	s30 =	sld [smem:$0x0];
	_ =	sdelay $0x2  }
0xce: {  	s31 =	sshll.u32 s1, $0xD;
	s1 =	sshrl.u32 s1, $0x2  }
0xcf: {  	s4 =	sand.u32 $0x4000, s31;
	s1 =	sadd.s32 s1, s30  }
0xd0: {  	s0 =	sor.u32 s4, s0;
	s1 =	sshll.u32 s1, $0x11  }
0xd1: {  	s0 =	sor.u32 s1, s0  }
0xd2: {  	s0 =	sadd.s32 $0x8F2B, s0  }
0xd3: {  	[sflag:s0] =	ssyncadd.remote.s32 $0x1  }
0xd4: {  	_ =	sfence.sel $0xFFFF  }
0xd5: {  	[dreg:$0x0] =	wrdreg $0xFFFFFFFF;
	(pc) =	sbr.abs _section_cstart, $3  }
0xd6: {  	[dreg:$0x1] =	wrdreg $0xFFFFFFFF  }
0xd7: {  	_ =	task.clear_ibuf [dreg:s22], $0x2FFFF;
	_ =	strace $0x9FFFFFFF  }
0xd8: {  	(tm) =	ssettm $0x7FFFFFFF  }
0xd9: {  	_ =	shalt  }
tec
execute0_lowered:
.L_overlay_start_1:
0x0: {  	(tag) =	ssettag $0x1  }
0x1: {  	s3 =	rddreg [dreg:$0x0]  }
0x2: {  	s5 =	rddreg [dreg:$0x1];
	s1 =	srdreg.scid  }
0x3: {  	s0 =	stileid.u32;
	s6 =	rddreg [dreg:$0x2];
	s2 =	simm.s32 $0x0  }
0x4: {  	s11 =	simm.s32 $0x18600;
	s4 =	sand.u32 $0x1, s1;
	s7 =	sshll.u32 s0, $0x1  }
0x5: {  	s12 =	simm.s32 $0x2;
	s13 =	simm.s32 $0x3;
	s7 =	sor.u32 s4, s7  }
0x6: {  	s14 =	simm.s32 $0x0;
	s1 =	rddreg [dreg:$0x3];
	s8 =	smul.u32 $0x18000, s7  }
0x7: {  	[smem:$0x7FF] =	sst s2;
	s4 =	ssub.s32 $0x2, s4;
	s9 =	smul.u32 $0x3000, s7  }
0x8: {  	s3 =	sadd.s32 $0x23000, s3;
	s10 =	sshrl.u32 s4, $0x1;
	s7 =	smul.u32 $0xC0, s7  }
0x9: {  	_ =	strace $0x8000004A;
	s10 =	ssub.s32 s4, s10;
	s8 =	sshrl.u32 s8, $0x3  }
0xa: {  	s5 =	sadd.s32 s5, s7;
	s6 =	sadd.s32 s6, s7;
	s7 =	smax.u32 s10, $0x1  }
0xb: {  	v0 =	vlaneseq.u32;
	s10 =	simm.s32 $0x18000;
	s31 =	sadd.s32 s3, s8;
	s3 =	sadd.s32 s3, s9  }
0xc: {  	v1 =	vor.u32 $0xFFFFFFF0, v0;
	s8 =	simm.s32 $0xC000;
	s9 =	simm.s32 $0x1;
	s4 =	sadd.s32 $0x1800, s31  }
.LBB2_1:
0xd: {  	[tilespmem:s2], [sflag:$0x1] =	stream.linear.gather [hbm4b:s3+s2], $0xC000, $0x38;
	[tilespmem:$0x18C00] =	vst v63  }
0xe: {  	_ = 	snop  }
0xf: {  	[tilespmem:s8], [sflag:$0x2] =	stream.linear.gather [hbm4b:s4+s2], $0xC000, $0x38;
	[tilespmem:$0x18C00] =	vst v63  }
0x10: {  	_ =	swait.ge [sflag:s9], $0xC000  }
0x11: {  	[sflag:s9] =	ssyncset.done $0x0  }
0x12: {  	s15 =	simm.s32 $0x0;
	[sflag:s9] =	ssyncadd.s32 $0xFFFF4000  }
.LBB2_2:
0x13: {  	s16 =	simm.s32 $0x0  }
0x14: {  	s17 =	sshll.u32 s15, $0x4;
	v20 =	vimm.f32 $-3.000000010e+38;
	v3 =	vadd.s32 s16, v0  }
0x15: {  	v2 =	vor.u32 s17, v0;
	v4 =	vadd.s32 s16, v1;
	vm0 =	vgt.u32 v3, $0xF  }
0x16: {  	s29 =	simm.s32 $0x1;
	v13 =	vimm.s32 $0x0;
	v7 =	vshll.u32 v2, $0x7;
	v14 =	vsel vm0, v4, v3  }
0x17: {  	v8 =	vadd.s32 s29, v1;
	v3 =	vadd.s32 v7, v14;
	v11 =	vadd.s32 $0x10, v14  }
0x18: {  	v4 =	vadd.s32 s29, v0;
	v18 =	vadd.s32 $0x30, v14;
	v5 =	vadd.s32 v7, v11  }
0x19: {  	s31 =	simm.s32 $0x2;
	vm0 =	vgt.u32 v4, $0xF;
	v17 =	vadd.s32 $0x20, v14;
	v6 =	vadd.s32 v7, v18  }
0x1a: {  	v12 =	vadd.s32 s31, v1;
	v10 =	vadd.s32 v7, v17;
	v16 =	vsel vm0, v8, v4  }
0x1b: {  	s30 =	simm.s32 $0x3;
	v8 =	vadd.s32 s31, v0;
	v22 =	vadd.s32 v7, v16;
	v15 =	vadd.s32 $0x20, v16  }
0x1c: {  	v19 =	vadd.s32 s30, v1;
	vm0 =	vgt.u32 v8, $0xF;
	v33 =	vadd.s32 v7, v15;
	v4 =	vld.idx.msk [tilespmem:v3+s2+$0x0], $0xffff  }
0x1d: {  	v9 =	vadd.s32 $0x10, v16;
	v8 =	vsel vm0, v12, v8;
	v3 =	vadd.s32 s30, v0;
	v5 =	vld.idx.msk [tilespmem:v5+s2+$0x0], $0xffff  }
0x1e: {  	v21 =	vadd.s32 v7, v9;
	v12 =	vadd.s32 $0x20, v8;
	vm1 =	vgt.u32 v3, $0xF;
	v24 =	vld.idx.msk [tilespmem:v6+s2+$0x0], $0xffff  }
0x1f: {  	v39 =	vadd.s32 v7, v12;
	v32 =	vld.idx.msk [tilespmem:v10+s2+$0x0], $0xffff;
	v10 =	vadd.s32 $0x10, v8;
	v6 =	vsel vm1, v19, v3  }
0x20: {  	v19 =	vadd.s32 $0x30, v16;
	v25 =	vld.idx.msk [tilespmem:v22+s2+$0x0], $0xffff;
	v22 =	vadd.s32 $0x30, v8;
	v3 =	vadd.s32 $0x20, v6  }
0x21: {  	v44 =	vadd.s32 v7, v19;
	v37 =	vld.idx.msk [tilespmem:v33+s2+$0x0], $0xffff;
	v33 =	vimm.f32 $-3.000000010e+38;
	vm3 =	vgt.f32 v4, v20  }
0x22: {  	v28 =	vadd.s32 v7, v3;
	v29 =	vsel vm3, v4, v20;
	v4 =	vadd.s32 $0x10, v6  }
0x23: {  	vm1 =	vgt.f32 v5, v20;
	v26 =	vsel vm3, v14, v13;
	vm5 =	vgt.f32 v24, v20  }
0x24: {  	vm4 =	vgt.f32 v32, v20;
	v35 =	vsel vm3, v14, v13;
	v14 =	vimm.s32 $0x0  }
0x25: {  	v27 =	vld.idx.msk [tilespmem:v21+s2+$0x0], $0xffff;
	v23 =	vadd.s32 v7, v4;
	v42 =	vsel vm3, v20, v29;
	v31 =	vsel vm1, v5, v20  }
0x26: {  	v5 =	vadd.s32 $0x30, v6;
	v21 =	vsel vm1, v11, v13;
	v43 =	vsel vm4, v32, v20  }
0x27: {  	v45 =	vsel vm5, v24, v20;
	v36 =	vsel vm5, v24, v20;
	v34 =	vsel vm4, v17, v13  }
0x28: {  	v30 =	vsel vm5, v18, v13;
	v41 =	vsel vm4, v32, v20;
	v24 =	vimm.s32 $0x0  }
0x29: {  	v18 =	vimm.s32 $0x0;
	vm2 =	vmmov vm1;
	v38 =	vsel vm1, v20, v31  }
0x2a: {  	s16 =	simm.s32 $0x4;
	vm0 =	vgt.f32 v27, v31;
	v40 =	vadd.s32 v7, v5;
	v32 =	vsel vm5, v13, v30;
	v44 =	vld.idx.msk [tilespmem:v44+s2+$0x0], $0xffff  }
.LBB2_3:
0x2b: {  	p0 =	slt.u32 s16, $0xC;
	v13 =	vsel vm3, v13, v35;
	v35 =	vadd.s32 v7, v10;
	v46 =	vadd.s32 v7, v22;
	s18 =	smov.u32 s16;
	s16 =	sadd.s32 $0x4, s16  }
0x2c: {  	v34 =	vsel vm4, v24, v34;
	v20 =	vsel vm5, v20, v45;
	vm3 =	vgt.f32 v25, v42  }
0x2d: {  	v17 =	vsel vm4, v17, v24;
	v24 =	vsel vm3, v25, v42;
	v13 =	vsel vm3, v16, v13;
	v39 =	vld.idx.msk [tilespmem:v39+s2+$0x0], $0xffff  }
0x2e: {  	v33 =	vsel vm4, v33, v43;
	v42 =	vadd.s32 v7, v8;
	vm6 =	vgt.f32 v37, v41  }
0x2f: {  	vm5 =	vgt.f32 v37, v33;
	vm3 =	vgt.f32 v44, v36;
	vm8 =	vgt.f32 v44, v20  }
0x30: {  	vm4 =	vgt.f32 v25, v29;
	v33 =	vsel vm5, v37, v33;
	v20 =	vsel vm8, v44, v20;
	v43 =	vld.idx.msk [tilespmem:v46+s2+$0x0], $0xffff  }
0x31: {  	v13 =	vsel vm4, v26, v13;
	v34 =	vsel vm5, v15, v34;
	v44 =	vsel vm3, v44, v36;
	v35 =	vld.idx.msk [tilespmem:v35+s2+$0x0], $0xffff  }
0x32: {  	v16 =	vsel vm4, v16, v26;
	v33 =	vsel vm6, v41, v33;
	v45 =	vsel vm3, v19, v30  }
0x33: {  	vm7 =	vgt.f32 v27, v38;
	s17 =	sadd.s32 $0x3, s18;
	v34 =	vsel vm6, v17, v34;
	vm5 =	vgt.f32 v39, v33;
	v42 =	vld.idx.msk [tilespmem:v42+s2+$0x0], $0xffff  }
0x34: {  	v38 =	vsel vm7, v27, v38;
	v26 =	vadd.s32 s17, v0;
	v19 =	vsel vm8, v19, v32;
	v40 =	vld.idx.msk [tilespmem:v40+s2+$0x0], $0xffff  }
0x35: {  	v11 =	vsel vm1, v11, v18;
	v18 =	vsel vm0, v31, v38;
	v19 =	vsel vm3, v30, v19  }
0x36: {  	v30 =	vsel vm6, v37, v41;
	v20 =	vsel vm3, v36, v20;
	vm3 =	vgt.f32 v43, v44  }
0x37: {  	v24 =	vsel vm4, v29, v24;
	v36 =	vsel vm0, v9, v21;
	vm1 =	vgt.f32 v43, v20  }
0x38: {  	v15 =	vsel vm6, v15, v17;
	v17 =	vsel vm1, v43, v20;
	v37 =	vsel vm3, v43, v44  }
0x39: {  	v38 =	vadd.s32 v7, v6;
	vm6 =	vgt.f32 v39, v30;
	vm8 =	vgt.f32 v42, v24  }
0x3a: {  	v11 =	vsel vm2, v14, v11;
	v14 =	vsel vm1, v22, v19;
	vm1 =	vgt.f32 v40, v37;
	v19 =	vld.idx.msk [tilespmem:v28+s2+$0x0], $0xffff  }
0x3b: {  	v27 =	vsel vm0, v27, v31;
	v24 =	vsel vm8, v42, v24;
	v28 =	vsel vm5, v39, v33  }
0x3c: {  	v9 =	vsel vm7, v9, v11;
	vm2 =	vgt.f32 v35, v18;
	v22 =	vsel vm3, v22, v45  }
0x3d: {  	v11 =	vsel vm6, v39, v30;
	v20 =	vsel vm1, v40, v37;
	v32 =	vsel vm1, v5, v22  }
0x3e: {  	v9 =	vsel vm0, v21, v9;
	v21 =	vsel vm6, v12, v15;
	v13 =	vsel vm8, v8, v13;
	v31 =	vld.idx.msk [tilespmem:v38+s2+$0x0], $0xffff  }
0x3f: {  	vm0 =	vgt.f32 v35, v27;
	v9 =	vsel vm2, v10, v9;
	v28 =	vsel vm6, v30, v28  }
0x40: {  	v12 =	vsel vm5, v12, v34;
	v10 =	vsel vm0, v10, v36;
	vm5 =	vgt.f32 v19, v11  }
0x41: {  	v25 =	vsel vm4, v25, v29;
	v12 =	vsel vm6, v15, v12;
	v29 =	vsel vm0, v35, v27  }
0x42: {  	v15 =	vsel vm2, v35, v18;
	vm4 =	vgt.f32 v42, v25;
	vm2 =	vgt.f32 v19, v28  }
0x43: {  	v17 =	vsel vm3, v44, v17;
	v8 =	vsel vm4, v8, v16;
	v18 =	vsel vm4, v25, v24;
	v23 =	vld.idx.msk [tilespmem:v23+s2+$0x0], $0xffff  }
0x44: {  	v13 =	vsel vm4, v16, v13;
	v16 =	vsel vm4, v42, v25;
	vm4 =	vgt.f32 v31, v18  }
0x45: {  	vm6 =	vgt.f32 v31, v16;
	v18 =	vsel vm4, v31, v18;
	v13 =	vsel vm4, v6, v13  }
0x46: {  	v30 =	vsel vm6, v31, v16;
	v25 =	vsel vm6, v16, v18;
	v35 =	vsel vm6, v8, v13  }
0x47: {  	v13 =	vsel vm6, v6, v8;
	v6 =	vsel vm2, v19, v28;
	v8 =	vsel vm2, v3, v12  }
0x48: {  	v12 =	vsel vm0, v27, v15;
	v34 =	vsel vm5, v11, v6;
	v41 =	vsel vm5, v21, v8  }
0x49: {  	s19 =	sadd.s32 $0x1, s18;
	s20 =	sadd.s32 $0x2, s18;
	v33 =	vsel vm5, v19, v11;
	vm6 =	vgt.f32 v23, v29;
	vm7 =	vgt.f32 v23, v12  }
0x4a: {  	v6 =	vadd.s32 s19, v0;
	v8 =	vadd.s32 s20, v0;
	v38 =	vsel vm6, v23, v29  }
0x4b: {  	v9 =	vsel vm0, v36, v9;
	vm4 =	vgt.u32 v6, $0xF;
	vm2 =	vgt.u32 v8, $0xF  }
0x4c: {  	v24 =	vsel vm5, v3, v21;
	v11 =	vsel vm7, v23, v12;
	v9 =	vsel vm7, v4, v9  }
0x4d: {  	v3 =	vadd.s32 s18, v0;
	v12 =	vsel vm3, v45, v14;
	v14 =	vsel vm6, v4, v10  }
0x4e: {  	vm0 =	vgt.u32 v3, $0xF;
	v4 =	vadd.s32 s18, v1;
	v21 =	vsel vm6, v29, v11  }
0x4f: {  	v46 =	vsel vm0, v4, v3;
	v18 =	vsel vm6, v10, v9;
	vm0 =	vgt.f32 v40, v17  }
0x50: {  	v3 =	vadd.s32 v7, v46;
	v44 =	vadd.s32 $0x30, v46;
	v4 =	vsel vm0, v40, v17  }
0x51: {  	v11 =	vadd.s32 $0x10, v46;
	v5 =	vsel vm0, v5, v12;
	v10 =	vadd.s32 v7, v44  }
0x52: {  	v9 =	vadd.s32 s19, v1;
	v17 =	vadd.s32 $0x20, v46;
	v12 =	vadd.s32 v7, v11  }
0x53: {  	v16 =	vsel vm4, v9, v6;
	v23 =	vadd.s32 v7, v17;
	v29 =	vsel vm1, v37, v4  }
0x54: {  	v4 =	vadd.s32 v7, v16;
	v9 =	vadd.s32 $0x10, v16;
	v22 =	vsel vm1, v22, v5  }
0x55: {  	v37 =	vld.idx.msk [tilespmem:v3+s2+$0x0], $0xffff;
	v3 =	vadd.s32 v7, v9;
	_ =	sdelay $0x1  }
0x56: {  	v36 =	vld.idx.msk [tilespmem:v12+s2+$0x0], $0xffff  }
0x57: {  	vm0 =	vgt.u32 v26, $0xF;
	v6 =	vadd.s32 s17, v1;
	v5 =	vadd.s32 s20, v1;
	v40 =	vld.idx.msk [tilespmem:v10+s2+$0x0], $0xffff  }
0x58: {  	v15 =	vadd.s32 $0x20, v16;
	v6 =	vsel vm0, v6, v26;
	v8 =	vsel vm2, v5, v8  }
0x59: {  	v19 =	vadd.s32 $0x30, v16;
	v10 =	vadd.s32 $0x10, v8;
	v27 =	vld.idx.msk [tilespmem:v3+s2+$0x0], $0xffff;
	v3 =	vadd.s32 $0x20, v6  }
0x5a: {  	vm3 =	vgt.f32 v37, v30;
	vm6 =	vgt.f32 v37, v25;
	v47 =	vld.idx.msk [tilespmem:v23+s2+$0x0], $0xffff;
	v28 =	vadd.s32 v7, v3  }
0x5b: {  	v12 =	vadd.s32 $0x20, v8;
	v5 =	vsel vm6, v37, v25;
	v25 =	vld.idx.msk [tilespmem:v4+s2+$0x0], $0xffff;
	v4 =	vadd.s32 $0x10, v6  }
0x5c: {  	v39 =	vadd.s32 v7, v12;
	vm2 =	vgt.f32 v36, v38;
	v23 =	vadd.s32 v7, v4  }
0x5d: {  	v48 =	vadd.s32 v7, v15;
	v42 =	vsel vm3, v30, v5;
	vm1 =	vgt.f32 v36, v21  }
0x5e: {  	v26 =	vsel vm3, v46, v13;
	v5 =	vadd.s32 $0x30, v6;
	v31 =	vsel vm2, v36, v38  }
0x5f: {  	v50 =	vadd.s32 v7, v19;
	v49 =	vsel vm1, v36, v21;
	vm5 =	vgt.f32 v40, v20  }
0x60: {  	v21 =	vsel vm2, v11, v14;
	vm4 =	vgt.f32 v40, v29;
	vm0 =	vgt.f32 v47, v34  }
.Ltmp0:
0x61: {  	v45 =	vsel vm4, v40, v29;
	v36 =	vsel vm5, v40, v20;
	v43 =	vsel vm0, v47, v34;
	(pc) =	sbr.rel @p0 .LBB2_3-.Ltmp0, $4  }
0x62: {  	v29 =	vsel vm3, v37, v30;
	v38 =	vsel vm2, v38, v49;
	v34 =	vsel vm0, v17, v41  }
0x63: {  	v49 =	vsel vm4, v44, v22;
	v40 =	vadd.s32 v7, v5;
	vm0 =	vgt.f32 v27, v31;
	v37 =	vld.idx.msk [tilespmem:v48+s2+$0x0], $0xffff  }
0x64: {  	v30 =	vsel vm5, v44, v32;
	v22 =	vadd.s32 $0x30, v8;
	vm4 =	vgt.f32 v47, v33;
	v44 =	vld.idx.msk [tilespmem:v50+s2+$0x0], $0xffff  }
0x65: {  	v35 =	vsel vm6, v46, v35;
	v32 =	vsel vm5, v32, v49;
	v41 =	vsel vm4, v47, v33  }
0x66: {  	v46 =	vadd.s32 v7, v22;
	v47 =	vadd.s32 v7, v8;
	v20 =	vsel vm5, v20, v45  }
0x67: {  	vm10 =	vgt.f32 v25, v42;
	v59 =	vimm.s32 $0x0;
	v33 =	vsel vm4, v33, v43  }
0x68: {  	v60 =	vadd.s32 v7, v10;
	v61 =	vimm.s32 $0x0;
	v62 =	vimm.s32 $0x0  }
0x69: {  	v63 =	vimm.s32 $0x0;
	v49 =	vimm.s32 $0x0;
	vm15 =	vgt.f32 v25, v29  }
0x6a: {  	vm11 =	vgt.f32 v27, v38;
	v50 =	vimm.s32 $0x0;
	v51 =	vadd.s32 v7, v6  }
0x6b: {  	v53 =	vimm.s32 $0x0;
	v57 =	vimm.s32 $0x0;
	v58 =	vimm.s32 $0x0  }
0x6c: {  	v17 =	vsel vm4, v17, v24;
	v45 =	vsel vm10, $0xFFFFFFFF, v59;
	v42 =	vsel vm10, v25, v42  }
0x6d: {  	v38 =	vsel vm11, v27, v38;
	v25 =	vsel vm15, v25, v29;
	vm5 =	vgt.f32 v37, v41  }
0x6e: {  	v39 =	vld.idx.msk [tilespmem:v39+s2+$0x0], $0xffff;
	vm6 =	vgt.f32 v37, v33;
	v38 =	vsel vm0, v31, v38;
	v56 =	vsel vm15, v29, v42  }
0x6f: {  	[tilespmem:$0x1FEB0] =	vst v45;
	v45 =	vsel vm5, $0xFFFFFFFF, v61;
	vm8 =	vgt.f32 v44, v36;
	vm7 =	vgt.f32 v44, v20  }
0x70: {  	v33 =	vsel vm6, v37, v33;
	v55 =	vsel vm5, v37, v41;
	v61 =	vsel vm0, v27, v31  }
0x71: {  	[tilespmem:$0x1FEF0] =	vst v45;
	v45 =	vsel vm6, $0xFFFFFFFF, v62;
	v20 =	vsel vm7, v44, v20;
	v52 =	vsel vm8, v44, v36;
	v48 =	vld.idx.msk [tilespmem:v46+s2+$0x0], $0xffff  }
0x72: {  	v33 =	vsel vm5, v41, v33;
	[tilespmem:$0x1FEC0] =	vst v45;
	v45 =	vsel vm8, $0xFFFFFFFF, v63;
	v46 =	vsel vm7, $0xFFFFFFFF, v49;
	v54 =	vld.idx.msk [tilespmem:v60+s2+$0x0], $0xffff  }
0x73: {  	vm7 =	vgt.f32 v39, v33;
	v20 =	vsel vm8, v36, v20;
	v60 =	vimm.s32 $0x0;
	[tilespmem:$0x1FED0] =	vst v46;
	v46 =	vld.idx.msk [tilespmem:v47+s2+$0x0], $0xffff  }
0x74: {  	v7 =	vld.idx.msk [tilespmem:v51+s2+$0x0], $0xffff;
	v49 =	vimm.s32 $0x0;
	v51 =	vimm.s32 $0x0;
	v47 =	vsel vm11, $0xFFFFFFFF, v50  }
0x75: {  	[tilespmem:$0x1FEE0] =	vst v45;
	v33 =	vsel vm7, v39, v33;
	v45 =	vimm.s32 $0x0;
	v50 =	vimm.s32 $0x0  }
0x76: {  	[tilespmem:$0x1FF10] =	vst v47;
	v47 =	vsel vm7, $0xFFFFFFFF, v53;
	v53 =	vimm.s32 $0x0;
	vm12 =	vgt.f32 v48, v20  }
0x77: {  	v40 =	vld.idx.msk [tilespmem:v40+s2+$0x0], $0xffff;
	vm13 =	vgt.f32 v48, v52;
	vm10 =	vgt.f32 v54, v38;
	v42 =	vsel vm12, $0xFFFFFFFF, v57  }
0x78: {  	v20 =	vsel vm12, v48, v20;
	vm14 =	vgt.f32 v46, v56;
	v59 =	vsel vm13, v48, v52  }
0x79: {  	vm9 =	vmmov vm13;
	v43 =	vsel vm13, $0xFFFFFFFF, v60;
	vm13 =	vgt.f32 v54, v61  }
0x7a: {  	vm12 =	vgt.f32 v46, v25;
	v37 =	vsel vm10, $0xFFFFFFFF, v49;
	v36 =	vsel vm10, v54, v38  }
0x7b: {  	v23 =	vld.idx.msk [tilespmem:v23+s2+$0x0], $0xffff;
	v57 =	vimm.s32 $0x0;
	[tilespmem:$0x1FF00] =	vst v42;
	v42 =	vsel vm14, $0xFFFFFFFF, v58;
	v62 =	vsel vm14, v46, v56  }
0x7c: {  	vm14 =	vgt.f32 v39, v55;
	vm5 =	vgt.f32 v40, v59;
	v48 =	vsel vm13, v54, v61  }
0x7d: {  	v28 =	vld.idx.msk [tilespmem:v28+s2+$0x0], $0xffff;
	v20 =	vsel vm9, v52, v20;
	v27 =	vsel vm13, v61, v36;
	v54 =	vimm.s32 $0x0  }
0x7e: {  	[tilespmem:$0x1FF40] =	vst v47;
	v58 =	vimm.s32 $0x0;
	v61 =	vimm.s32 $0x0;
	v39 =	vsel vm14, v39, v55  }
0x7f: {  	[tilespmem:$0x1FF80] =	vst v43;
	v63 =	vsel vm5, v40, v59;
	v43 =	vsel vm5, $0xFFFFFFFF, v45;
	v47 =	vsel vm14, v55, v33  }
0x80: {  	v31 =	vsel vm12, v25, v62;
	v25 =	vsel vm12, v46, v25;
	vm10 =	vgt.f32 v23, v27  }
0x81: {  	vm8 =	vgt.f32 v23, v48;
	v55 =	vimm.s32 $0x0;
	vm11 =	vgt.f32 v7, v31  }
0x82: {  	vm9 =	vgt.f32 v28, v47;
	v29 =	vsel vm10, $0xFFFFFFFF, v53;
	v27 =	vsel vm10, v23, v27  }
0x83: {  	[tilespmem:$0x1FF30] =	vst v37;
	vm10 =	vgt.f32 v40, v20;
	v23 =	vsel vm8, v23, v48;
	v37 =	vsel vm11, $0xFFFFFFFF, v50  }
0x84: {  	v31 =	vsel vm11, v7, v31;
	vm11 =	vgt.f32 v7, v25;
	v52 =	vsel vm9, v28, v47  }
0x85: {  	[tilespmem:$0x1FF70] =	vst v29;
	v29 =	vsel vm10, $0xFFFFFFFF, v54;
	v27 =	vsel vm8, v48, v27;
	v20 =	vsel vm10, v40, v20  }
0x86: {  	v31 =	vsel vm11, v25, v31;
	v7 =	vsel vm11, v7, v25;
	v25 =	vsel vm9, $0xFFFFFFFF, v51  }
0x87: {  	vm9 =	vgt.f32 v28, v39;
	v20 =	vsel vm5, v59, v20;
	v59 =	vimm.s32 $0x0  }
0x88: {  	[tilespmem:$0x1FF60] =	vst v25;
	v25 =	vsel vm9, v39, v52;
	vm10 =	vge.f32 v7, v23;
	vm5 =	vge.f32 v31, v23  }
0x89: {  	[tilespmem:$0x1FF90] =	vst v29;
	v28 =	vsel vm9, v28, v39;
	v29 =	vsel vm5, $0xFFFFFFFF, v55;
	v56 =	vsel vm10, v7, v23  }
0x8a: {  	v23 =	vsel vm5, v31, v23;
	vm5 =	vge.f32 v7, v27;
	vm6 =	vge.f32 v28, v20  }
0x8b: {  	vm7 =	vge.f32 v28, v63;
	v31 =	vsel vm5, $0xFFFFFFFF, v57;
	v7 =	vsel vm5, v7, v27  }
0x8c: {  	vm5 =	vge.f32 v25, v63;
	v20 =	vsel vm6, v28, v20;
	v60 =	vsel vm7, v28, v63  }
0x8d: {  	v27 =	vsel vm5, $0xFFFFFFFF, v58;
	v25 =	vsel vm5, v25, v63;
	v7 =	vsel vm10, v23, v7  }
0x8e: {  	v63 =	vsel vm4, v24, v34;
	v20 =	vsel vm7, v25, v20;
	vm5 =	vge.f32 v7, v60  }
0x8f: {  	[tilespmem:$0x1FFD0] =	vst v27;
	v27 =	vsel vm6, $0xFFFFFFFF, v59;
	v25 =	vsel vm5, $0xFFFFFFFF, v61;
	vm6 =	vge.f32 v56, v20  }
0x90: {  	v24 =	vld [tilespmem:$0x1FEB0];
	v7 =	vsel vm5, v7, v60;
	vm5 =	vge.f32 v56, v60;
	v20 =	vsel vm6, v56, v20  }
0x91: {  	v23 =	vsel vm5, v56, v60;
	v7 =	vsel vm5, v7, v20  }
0x92: {  	[tilespmem:$0x1FFE0] =	vst v27;
	v27 =	vld [tilespmem:$0x1FED0];
	v7 =	vsub.f32 v7, v23  }
0x93: {  	v28 =	vld [tilespmem:$0x1FEE0]  }
0x94: {  	v7 =	vmul.f32 $1.442695020e+00, v7  }
0x95: {  	v62 =	vsel vm3, v13, v35;
	vm3 =	vnez.u8 v24  }
0x96: {  	v38 =	vld [tilespmem:$0x1FF40];
	(erf) = vpow2.f32 v7;
	v7 =	vsel vm3, v16, v62  }
0x97: {  	[tilespmem:$0x1FFF0] =	vst v25;
	v25 =	vld [tilespmem:$0x1FEC0];
	v7 =	vsel vm15, v26, v7;
	v26 =	vsel vm15, v16, v26;
	vm15 =	vnez.u8 v27  }
0x98: {  	v33 =	vld [tilespmem:$0x1FF00];
	vm4 =	vnez.u8 v28;
	v20 =	vsel vm15, v19, v32  }
0x99: {  	v11 =	vsel vm1, v11, v18;
	[tilespmem:$0x1FFB0] =	vst v29;
	v18 =	vsel vm4, v19, v30;
	v29 =	vsel vm4, v30, v20;
	v30 =	vld [tilespmem:$0x1FEF0]  }
0x9a: {  	[tilespmem:$0x1FF20] =	vst v42;
	v34 =	vld [tilespmem:$0x1FF10]  }
0x9b: {  	v2 =	vshll.u32 v2, $0x1;
	v11 =	vsel vm2, v14, v11;
	v35 =	vsel vm0, v9, v21;
	[tilespmem:$0x1FFA0] =	vst v43;
	v36 =	vld [tilespmem:$0x1FF20]  }
0x9c: {  	v43 =	vsel vm13, v10, v35;
	v53 =	vor.u32 $0x1, v2;
	[tilespmem:$0x1FF50] =	vst v37;
	v37 =	vld [tilespmem:$0x1FF30];
	vm3 =	vnez.u8 v25  }
0x9d: {  	v47 =	vld [tilespmem:$0x1FF80];
	v49 =	vsel vm8, v4, v43;
	v13 =	vsel vm3, v15, v63;
	v40 =	vsel vm12, v8, v26  }
0x9e: {  	v41 =	vld [tilespmem:$0x1FF50];
	vm4 =	vnez.u8 v33;
	v44 =	vsel vm11, v6, v40;
	vm15 =	vnez.u8 v30  }
0x9f: {  	v45 =	vld [tilespmem:$0x1FF70];
	[tilespmem:$0x1FFC0] =	vst v31;
	v13 =	vsel vm15, v17, v13;
	v31 =	vsel vm15, v15, v17;
	vm15 =	vnez.u8 v34  }
0xa0: {  	v42 =	vld [tilespmem:$0x1FF60];
	v32 =	vpop (erf);
	v17 =	vsel vm4, v22, v29;
	vm4 =	vnez.u8 v36;
	v11 =	vsel vm15, v9, v11  }
0xa1: {  	v55 =	vld [tilespmem:$0x1FFC0];
	v14 =	vadd.f32 $1.000000000e+00, v32;
	v7 =	vsel vm4, v8, v7;
	vm15 =	vnez.u8 v37  }
0xa2: {  	v54 =	vld [tilespmem:$0x1FFB0];
	vm4 =	vnez.u8 v38;
	v39 =	vsel vm14, v12, v31;
	v11 =	vsel vm0, v21, v11  }
0xa3: {  	v59 =	vld [tilespmem:$0x1FFD0];
	v13 =	vsel vm4, v12, v13;
	v7 =	vsel vm12, v26, v7;
	vm12 =	vnez.u8 v41  }
0xa4: {  	v60 =	vld [tilespmem:$0x1FFE0];
	vm4 =	vnez.u8 v47;
	v11 =	vsel vm15, v10, v11;
	(erf) = vrcp.f32 v14  }
0xa5: {  	v51 =	vld [tilespmem:$0x1FFA0];
	v13 =	vsel vm14, v31, v13;
	v7 =	vsel vm12, v6, v7;
	vm14 =	vnez.u8 v42  }
0xa6: {  	v50 =	vld [tilespmem:$0x1FF90];
	vm15 =	vnez.u8 v45;
	v48 =	vsel vm4, v18, v17;
	vm12 =	vnez.u8 v55  }
0xa7: {  	v13 =	vsel vm14, v3, v13;
	v9 =	vsel vm13, v35, v11;
	v7 =	vsel vm11, v40, v7  }
0xa8: {  	v3 =	vsel vm9, v3, v39;
	v11 =	vsel vm4, v22, v18;
	vm11 =	vnez.u8 v54  }
0xa9: {  	vm13 =	vnez.u8 v59;
	vm14 =	vnez.u8 v60;
	v8 =	vsel vm15, v4, v9  }
0xaa: {  	v63 =	vld [tilespmem:$0x1FFF0];
	v46 =	vsel vm9, v39, v13;
	vm9 =	vnez.u8 v51;
	v7 =	vsel vm11, v7, v49  }
0xab: {  	v4 =	vsel vm10, v44, v49;
	v8 =	vsel vm8, v43, v8;
	vm8 =	vnez.u8 v50  }
0xac: {  	s15 =	sadd.s32 $0x1, s15;
	v52 =	vsel vm9, v5, v11;
	v10 =	vsel vm8, v5, v48;
	v8 =	vsel vm12, v44, v8  }
0xad: {  	p0 =	sne.s32 s15, $0x18;
	v57 =	vsel vm7, v3, v52;
	v5 =	vsel vm13, v46, v52;
	v10 =	vsel vm9, v11, v10;
	v58 =	vpop (erf)  }
.Ltmp1:
0xae: {  	v56 =	vsel vm10, v7, v8;
	v3 =	vsel vm14, v3, v10;
	v61 =	vsub.f32 $1.000000000e+00, v58;
	(pc) =	sbr.rel @p0 .LBB2_2-.Ltmp1, $4  }
0xaf: {  	vm15 =	vnez.u8 v63;
	v62 =	vsel vm5, v4, v57;
	v3 =	vsel vm7, v5, v3;
	[tilespmem:v2+s10+$0x0] =	vst.idx.msk $0xffff, v58  }
0xb0: {  	v6 =	vsel vm15, v56, v57;
	v3 =	vsel vm6, v4, v3;
	[tilespmem:v53+s10+$0x0] =	vst.idx.msk $0xffff, v61  }
0xb1: {  	v3 =	vsel vm5, v6, v3;
	[tilespmem:v2+s11+$0x0] =	vst.idx.msk $0xffff, v62  }
0xb2: {  	[tilespmem:v53+s11+$0x0] =	vst.idx.msk $0xffff, v3  }
0xb3: {  	_ =	swait.ge [sflag:s12], $0xC000  }
0xb4: {  	[sflag:s12] =	ssyncset.done $0x0  }
0xb5: {  	s15 =	simm.s32 $0x0;
	s16 =	simm.s32 $0x0;
	[sflag:s12] =	ssyncadd.s32 $0xFFFF4000  }
.LBB2_6:
0xb6: {  	s17 =	sshll.u32 s16, $0x4  }
0xb7: {  	v3 =	vmul.u32 $0x80, v0;
	v4 =	vadd.s32 s15, v0;
	v2 =	vmov s17  }
0xb8: {  	v5 =	vadd.s32 s15, v1;
	vm0 =	vgt.u32 v4, $0xF;
	v2 =	vshll.u32 v2, $0x7  }
0xb9: {  	v13 =	vsel vm0, v5, v4;
	v6 =	vor.u32 v3, v2  }
0xba: {  	v10 =	vadd.s32 $0x10, v13;
	v2 =	vadd.s32 v6, v13  }
0xbb: {  	s18 =	simm.s32 $0x1;
	v19 =	vimm.f32 $-3.000000010e+38;
	v17 =	vadd.s32 $0x30, v13;
	v4 =	vadd.s32 v6, v10  }
0xbc: {  	v3 =	vadd.s32 s18, v0;
	v16 =	vadd.s32 $0x20, v13;
	v5 =	vadd.s32 v6, v17  }
0xbd: {  	s19 =	simm.s32 $0x2;
	v7 =	vadd.s32 s18, v1;
	vm0 =	vgt.u32 v3, $0xF;
	v9 =	vadd.s32 v6, v16  }
0xbe: {  	v12 =	vimm.s32 $0x0;
	v11 =	vadd.s32 s19, v1;
	v15 =	vsel vm0, v7, v3  }
0xbf: {  	s31 =	simm.s32 $0x3;
	v7 =	vadd.s32 s19, v0;
	v21 =	vadd.s32 v6, v15;
	v14 =	vadd.s32 $0x20, v15;
	v3 =	vld.idx.msk [tilespmem:v2+s8+$0x0], $0xffff  }
0xc0: {  	v18 =	vadd.s32 s31, v1;
	vm0 =	vgt.u32 v7, $0xF;
	v32 =	vadd.s32 v6, v14;
	v4 =	vld.idx.msk [tilespmem:v4+s8+$0x0], $0xffff  }
0xc1: {  	v8 =	vadd.s32 $0x10, v15;
	v7 =	vsel vm0, v11, v7;
	v2 =	vadd.s32 s31, v0;
	v23 =	vld.idx.msk [tilespmem:v5+s8+$0x0], $0xffff  }
0xc2: {  	v20 =	vadd.s32 v6, v8;
	v11 =	vadd.s32 $0x20, v7;
	v31 =	vld.idx.msk [tilespmem:v9+s8+$0x0], $0xffff;
	vm1 =	vgt.u32 v2, $0xF  }
0xc3: {  	v9 =	vadd.s32 $0x10, v7;
	v38 =	vadd.s32 v6, v11;
	v5 =	vsel vm1, v18, v2  }
0xc4: {  	v18 =	vadd.s32 $0x30, v15;
	v24 =	vld.idx.msk [tilespmem:v21+s8+$0x0], $0xffff;
	v21 =	vadd.s32 $0x30, v7;
	v2 =	vadd.s32 $0x20, v5  }
0xc5: {  	v43 =	vadd.s32 v6, v18;
	v36 =	vld.idx.msk [tilespmem:v32+s8+$0x0], $0xffff;
	v32 =	vimm.f32 $-3.000000010e+38;
	v27 =	vadd.s32 v6, v2  }
0xc6: {  	vm3 =	vgt.f32 v3, v19;
	vm1 =	vgt.f32 v4, v19;
	vm5 =	vgt.f32 v23, v19  }
0xc7: {  	vm4 =	vgt.f32 v31, v19;
	v28 =	vsel vm3, v3, v19;
	v3 =	vadd.s32 $0x10, v5  }
0xc8: {  	v25 =	vsel vm3, v13, v12;
	v30 =	vsel vm1, v4, v19;
	v4 =	vadd.s32 $0x30, v5  }
0xc9: {  	v26 =	vld.idx.msk [tilespmem:v20+s8+$0x0], $0xffff;
	v20 =	vsel vm1, v10, v12;
	v42 =	vsel vm4, v31, v19;
	v44 =	vsel vm5, v23, v19  }
0xca: {  	v35 =	vsel vm5, v23, v19;
	v33 =	vsel vm4, v16, v12;
	v29 =	vsel vm5, v17, v12  }
0xcb: {  	v34 =	vsel vm3, v13, v12;
	v40 =	vsel vm4, v31, v19;
	v23 =	vimm.s32 $0x0  }
0xcc: {  	v17 =	vimm.s32 $0x0;
	vm2 =	vmmov vm1;
	v13 =	vimm.s32 $0x0  }
0xcd: {  	v22 =	vadd.s32 v6, v3;
	v41 =	vsel vm3, v19, v28;
	v37 =	vsel vm1, v19, v30  }
0xce: {  	s18 =	simm.s32 $0x4;
	v39 =	vadd.s32 v6, v4;
	v31 =	vsel vm5, v12, v29;
	vm0 =	vgt.f32 v26, v30;
	v43 =	vld.idx.msk [tilespmem:v43+s8+$0x0], $0xffff  }
.LBB2_7:
0xcf: {  	p0 =	slt.u32 s18, $0xC;
	v12 =	vsel vm3, v12, v34;
	v34 =	vadd.s32 v6, v9;
	v45 =	vadd.s32 v6, v21;
	s20 =	smov.u32 s18;
	s18 =	sadd.s32 $0x4, s18  }
0xd0: {  	v33 =	vsel vm4, v23, v33;
	v19 =	vsel vm5, v19, v44;
	vm3 =	vgt.f32 v24, v41  }
0xd1: {  	v16 =	vsel vm4, v16, v23;
	v23 =	vsel vm3, v24, v41;
	v12 =	vsel vm3, v15, v12;
	v38 =	vld.idx.msk [tilespmem:v38+s8+$0x0], $0xffff  }
0xd2: {  	v32 =	vsel vm4, v32, v42;
	v41 =	vadd.s32 v6, v7;
	vm6 =	vgt.f32 v36, v40  }
0xd3: {  	vm5 =	vgt.f32 v36, v32;
	vm3 =	vgt.f32 v43, v35;
	vm8 =	vgt.f32 v43, v19  }
0xd4: {  	vm4 =	vgt.f32 v24, v28;
	v32 =	vsel vm5, v36, v32;
	v19 =	vsel vm8, v43, v19;
	v42 =	vld.idx.msk [tilespmem:v45+s8+$0x0], $0xffff  }
0xd5: {  	v12 =	vsel vm4, v25, v12;
	v33 =	vsel vm5, v14, v33;
	v43 =	vsel vm3, v43, v35;
	v34 =	vld.idx.msk [tilespmem:v34+s8+$0x0], $0xffff  }
0xd6: {  	v15 =	vsel vm4, v15, v25;
	v32 =	vsel vm6, v40, v32;
	v44 =	vsel vm3, v18, v29  }
0xd7: {  	vm7 =	vgt.f32 v26, v37;
	s19 =	sadd.s32 $0x3, s20;
	v33 =	vsel vm6, v16, v33;
	vm5 =	vgt.f32 v38, v32;
	v41 =	vld.idx.msk [tilespmem:v41+s8+$0x0], $0xffff  }
0xd8: {  	v37 =	vsel vm7, v26, v37;
	v25 =	vadd.s32 s19, v0;
	v18 =	vsel vm8, v18, v31;
	v39 =	vld.idx.msk [tilespmem:v39+s8+$0x0], $0xffff  }
0xd9: {  	v10 =	vsel vm1, v10, v17;
	v17 =	vsel vm0, v30, v37;
	v18 =	vsel vm3, v29, v18  }
0xda: {  	v29 =	vsel vm6, v36, v40;
	v19 =	vsel vm3, v35, v19;
	vm3 =	vgt.f32 v42, v43  }
0xdb: {  	v23 =	vsel vm4, v28, v23;
	v35 =	vsel vm0, v8, v20;
	vm1 =	vgt.f32 v42, v19  }
0xdc: {  	v14 =	vsel vm6, v14, v16;
	v16 =	vsel vm1, v42, v19;
	v36 =	vsel vm3, v42, v43  }
0xdd: {  	v37 =	vadd.s32 v6, v5;
	vm6 =	vgt.f32 v38, v29;
	vm8 =	vgt.f32 v41, v23  }
0xde: {  	v10 =	vsel vm2, v13, v10;
	v13 =	vsel vm1, v21, v18;
	vm1 =	vgt.f32 v39, v36;
	v18 =	vld.idx.msk [tilespmem:v27+s8+$0x0], $0xffff  }
0xdf: {  	v26 =	vsel vm0, v26, v30;
	v23 =	vsel vm8, v41, v23;
	v27 =	vsel vm5, v38, v32  }
0xe0: {  	v8 =	vsel vm7, v8, v10;
	vm2 =	vgt.f32 v34, v17;
	v21 =	vsel vm3, v21, v44  }
0xe1: {  	v10 =	vsel vm6, v38, v29;
	v19 =	vsel vm1, v39, v36;
	v31 =	vsel vm1, v4, v21  }
0xe2: {  	v8 =	vsel vm0, v20, v8;
	v20 =	vsel vm6, v11, v14;
	v12 =	vsel vm8, v7, v12;
	v30 =	vld.idx.msk [tilespmem:v37+s8+$0x0], $0xffff  }
0xe3: {  	vm0 =	vgt.f32 v34, v26;
	v8 =	vsel vm2, v9, v8;
	v27 =	vsel vm6, v29, v27  }
0xe4: {  	v11 =	vsel vm5, v11, v33;
	v9 =	vsel vm0, v9, v35;
	vm5 =	vgt.f32 v18, v10  }
0xe5: {  	v24 =	vsel vm4, v24, v28;
	v11 =	vsel vm6, v14, v11;
	v28 =	vsel vm0, v34, v26  }
0xe6: {  	v14 =	vsel vm2, v34, v17;
	vm4 =	vgt.f32 v41, v24;
	vm2 =	vgt.f32 v18, v27  }
0xe7: {  	v16 =	vsel vm3, v43, v16;
	v7 =	vsel vm4, v7, v15;
	v17 =	vsel vm4, v24, v23;
	v22 =	vld.idx.msk [tilespmem:v22+s8+$0x0], $0xffff  }
0xe8: {  	v12 =	vsel vm4, v15, v12;
	v15 =	vsel vm4, v41, v24;
	vm4 =	vgt.f32 v30, v17  }
0xe9: {  	vm6 =	vgt.f32 v30, v15;
	v17 =	vsel vm4, v30, v17;
	v12 =	vsel vm4, v5, v12  }
0xea: {  	v29 =	vsel vm6, v30, v15;
	v24 =	vsel vm6, v15, v17;
	v34 =	vsel vm6, v7, v12  }
0xeb: {  	v12 =	vsel vm6, v5, v7;
	v5 =	vsel vm2, v18, v27;
	v7 =	vsel vm2, v2, v11  }
0xec: {  	v11 =	vsel vm0, v26, v14;
	v33 =	vsel vm5, v10, v5;
	v40 =	vsel vm5, v20, v7  }
0xed: {  	s21 =	sadd.s32 $0x1, s20;
	s22 =	sadd.s32 $0x2, s20;
	v32 =	vsel vm5, v18, v10;
	vm6 =	vgt.f32 v22, v28;
	vm7 =	vgt.f32 v22, v11  }
0xee: {  	v5 =	vadd.s32 s21, v0;
	v7 =	vadd.s32 s22, v0;
	v37 =	vsel vm6, v22, v28  }
0xef: {  	v8 =	vsel vm0, v35, v8;
	vm4 =	vgt.u32 v5, $0xF;
	vm2 =	vgt.u32 v7, $0xF  }
0xf0: {  	v23 =	vsel vm5, v2, v20;
	v10 =	vsel vm7, v22, v11;
	v8 =	vsel vm7, v3, v8  }
0xf1: {  	v2 =	vadd.s32 s20, v0;
	v11 =	vsel vm3, v44, v13;
	v13 =	vsel vm6, v3, v9  }
0xf2: {  	vm0 =	vgt.u32 v2, $0xF;
	v3 =	vadd.s32 s20, v1;
	v20 =	vsel vm6, v28, v10  }
0xf3: {  	v45 =	vsel vm0, v3, v2;
	v17 =	vsel vm6, v9, v8;
	vm0 =	vgt.f32 v39, v16  }
0xf4: {  	v2 =	vadd.s32 v6, v45;
	v43 =	vadd.s32 $0x30, v45;
	v3 =	vsel vm0, v39, v16  }
0xf5: {  	v10 =	vadd.s32 $0x10, v45;
	v4 =	vsel vm0, v4, v11;
	v9 =	vadd.s32 v6, v43  }
0xf6: {  	v8 =	vadd.s32 s21, v1;
	v16 =	vadd.s32 $0x20, v45;
	v11 =	vadd.s32 v6, v10  }
0xf7: {  	v15 =	vsel vm4, v8, v5;
	v22 =	vadd.s32 v6, v16;
	v28 =	vsel vm1, v36, v3  }
0xf8: {  	v3 =	vadd.s32 v6, v15;
	v8 =	vadd.s32 $0x10, v15;
	v21 =	vsel vm1, v21, v4  }
0xf9: {  	v36 =	vld.idx.msk [tilespmem:v2+s8+$0x0], $0xffff;
	v2 =	vadd.s32 v6, v8;
	_ =	sdelay $0x1  }
0xfa: {  	v35 =	vld.idx.msk [tilespmem:v11+s8+$0x0], $0xffff  }
0xfb: {  	vm0 =	vgt.u32 v25, $0xF;
	v5 =	vadd.s32 s19, v1;
	v4 =	vadd.s32 s22, v1;
	v39 =	vld.idx.msk [tilespmem:v9+s8+$0x0], $0xffff  }
0xfc: {  	v14 =	vadd.s32 $0x20, v15;
	v5 =	vsel vm0, v5, v25;
	v7 =	vsel vm2, v4, v7  }
0xfd: {  	v18 =	vadd.s32 $0x30, v15;
	v9 =	vadd.s32 $0x10, v7;
	v26 =	vld.idx.msk [tilespmem:v2+s8+$0x0], $0xffff;
	v2 =	vadd.s32 $0x20, v5  }
0xfe: {  	vm3 =	vgt.f32 v36, v29;
	vm6 =	vgt.f32 v36, v24;
	v46 =	vld.idx.msk [tilespmem:v22+s8+$0x0], $0xffff;
	v27 =	vadd.s32 v6, v2  }
0xff: {  	v11 =	vadd.s32 $0x20, v7;
	v4 =	vsel vm6, v36, v24;
	v24 =	vld.idx.msk [tilespmem:v3+s8+$0x0], $0xffff;
	v3 =	vadd.s32 $0x10, v5  }
0x100: {  	v38 =	vadd.s32 v6, v11;
	vm2 =	vgt.f32 v35, v37;
	v22 =	vadd.s32 v6, v3  }
0x101: {  	v47 =	vadd.s32 v6, v14;
	v41 =	vsel vm3, v29, v4;
	vm1 =	vgt.f32 v35, v20  }
0x102: {  	v25 =	vsel vm3, v45, v12;
	v4 =	vadd.s32 $0x30, v5;
	v30 =	vsel vm2, v35, v37  }
0x103: {  	v49 =	vadd.s32 v6, v18;
	v48 =	vsel vm1, v35, v20;
	vm5 =	vgt.f32 v39, v19  }
0x104: {  	v20 =	vsel vm2, v10, v13;
	vm4 =	vgt.f32 v39, v28;
	vm0 =	vgt.f32 v46, v33  }
.Ltmp2:
0x105: {  	v44 =	vsel vm4, v39, v28;
	v35 =	vsel vm5, v39, v19;
	v42 =	vsel vm0, v46, v33;
	(pc) =	sbr.rel @p0 .LBB2_7-.Ltmp2, $4  }
0x106: {  	v28 =	vsel vm3, v36, v29;
	v37 =	vsel vm2, v37, v48;
	v33 =	vsel vm0, v16, v40  }
0x107: {  	v48 =	vsel vm4, v43, v21;
	v39 =	vadd.s32 v6, v4;
	vm0 =	vgt.f32 v26, v30;
	v36 =	vld.idx.msk [tilespmem:v47+s8+$0x0], $0xffff  }
0x108: {  	v29 =	vsel vm5, v43, v31;
	v21 =	vadd.s32 $0x30, v7;
	vm4 =	vgt.f32 v46, v32;
	v43 =	vld.idx.msk [tilespmem:v49+s8+$0x0], $0xffff  }
0x109: {  	v34 =	vsel vm6, v45, v34;
	v31 =	vsel vm5, v31, v48;
	v40 =	vsel vm4, v46, v32  }
0x10a: {  	v45 =	vadd.s32 v6, v21  }
0x10b: {  	v46 =	vadd.s32 v6, v7;
	v19 =	vsel vm5, v19, v44;
	vm10 =	vgt.f32 v24, v41  }
0x10c: {  	v60 =	vimm.s32 $0x0;
	v32 =	vsel vm4, v32, v42;
	v61 =	vadd.s32 v6, v9  }
0x10d: {  	v62 =	vimm.s32 $0x0;
	v63 =	vimm.s32 $0x0;
	v48 =	vimm.s32 $0x0  }
0x10e: {  	v50 =	vimm.s32 $0x0;
	vm15 =	vgt.f32 v24, v28;
	vm11 =	vgt.f32 v26, v37  }
0x10f: {  	v51 =	vimm.s32 $0x0;
	v52 =	vadd.s32 v6, v5;
	v54 =	vimm.s32 $0x0  }
0x110: {  	v58 =	vimm.s32 $0x0;
	v59 =	vimm.s32 $0x0;
	v47 =	vimm.s32 $0x0  }
0x111: {  	v44 =	vsel vm10, $0xFFFFFFFF, v60;
	v41 =	vsel vm10, v24, v41;
	v37 =	vsel vm11, v26, v37  }
0x112: {  	v38 =	vld.idx.msk [tilespmem:v38+s8+$0x0], $0xffff;
	v24 =	vsel vm15, v24, v28;
	vm5 =	vgt.f32 v36, v40;
	vm6 =	vgt.f32 v36, v32  }
0x113: {  	[tilespmem:$0x1FD60] =	vst v44;
	v37 =	vsel vm0, v30, v37;
	v57 =	vsel vm15, v28, v41;
	v44 =	vsel vm5, $0xFFFFFFFF, v62  }
0x114: {  	vm8 =	vgt.f32 v43, v35;
	vm7 =	vgt.f32 v43, v19;
	v32 =	vsel vm6, v36, v32  }
0x115: {  	v56 =	vsel vm5, v36, v40;
	v62 =	vsel vm0, v26, v30;
	[tilespmem:$0x1FDA0] =	vst v44;
	v44 =	vsel vm6, $0xFFFFFFFF, v63;
	v49 =	vld.idx.msk [tilespmem:v45+s8+$0x0], $0xffff  }
0x116: {  	v19 =	vsel vm7, v43, v19;
	v32 =	vsel vm5, v40, v32;
	[tilespmem:$0x1FD70] =	vst v44;
	v45 =	vsel vm7, $0xFFFFFFFF, v50;
	v55 =	vld.idx.msk [tilespmem:v61+s8+$0x0], $0xffff  }
0x117: {  	v53 =	vsel vm8, v43, v35;
	v44 =	vsel vm8, $0xFFFFFFFF, v48;
	vm7 =	vgt.f32 v38, v32;
	[tilespmem:$0x1FD80] =	vst v45;
	v45 =	vld.idx.msk [tilespmem:v46+s8+$0x0], $0xffff  }
0x118: {  	v19 =	vsel vm8, v35, v19;
	v61 =	vimm.s32 $0x0;
	v50 =	vimm.s32 $0x0  }
0x119: {  	v6 =	vld.idx.msk [tilespmem:v52+s8+$0x0], $0xffff;
	v52 =	vimm.s32 $0x0;
	v46 =	vsel vm11, $0xFFFFFFFF, v51;
	v32 =	vsel vm7, v38, v32  }
0x11a: {  	v51 =	vimm.s32 $0x0;
	[tilespmem:$0x1FDC0] =	vst v46;
	v46 =	vsel vm7, $0xFFFFFFFF, v54;
	v54 =	vimm.s32 $0x0  }
0x11b: {  	v39 =	vld.idx.msk [tilespmem:v39+s8+$0x0], $0xffff;
	vm12 =	vgt.f32 v49, v19;
	vm13 =	vgt.f32 v49, v53;
	vm9 =	vgt.f32 v55, v37  }
0x11c: {  	v41 =	vsel vm12, $0xFFFFFFFF, v58;
	v19 =	vsel vm12, v49, v19;
	vm14 =	vgt.f32 v45, v57  }
0x11d: {  	v60 =	vsel vm13, v49, v53;
	vm11 =	vmmov vm13;
	v42 =	vsel vm13, $0xFFFFFFFF, v61  }
0x11e: {  	vm13 =	vgt.f32 v38, v56;
	vm12 =	vgt.f32 v45, v24;
	v36 =	vsel vm9, $0xFFFFFFFF, v50  }
0x11f: {  	v27 =	vld.idx.msk [tilespmem:v27+s8+$0x0], $0xffff;
	v35 =	vsel vm9, v55, v37;
	v58 =	vimm.s32 $0x0;
	[tilespmem:$0x1FDB0] =	vst v41;
	v41 =	vsel vm14, $0xFFFFFFFF, v59  }
0x120: {  	v63 =	vsel vm14, v45, v57;
	vm5 =	vgt.f32 v39, v60;
	v38 =	vsel vm13, v38, v56  }
0x121: {  	v48 =	vsel vm13, v56, v32;
	vm14 =	vgt.f32 v55, v62;
	v19 =	vsel vm11, v53, v19  }
0x122: {  	[tilespmem:$0x1FDF0] =	vst v46;
	v56 =	vimm.s32 $0x0;
	v59 =	vimm.s32 $0x0;
	v46 =	vsel vm5, v39, v60  }
0x123: {  	v22 =	vld.idx.msk [tilespmem:v22+s8+$0x0], $0xffff;
	[tilespmem:$0x1FE30] =	vst v42;
	v42 =	vsel vm5, $0xFFFFFFFF, v47;
	v49 =	vsel vm14, v55, v62;
	v30 =	vsel vm12, v24, v63  }
0x124: {  	v24 =	vsel vm12, v45, v24;
	vm11 =	vgt.f32 v27, v48;
	v26 =	vsel vm14, v62, v35  }
0x125: {  	vm8 =	vgt.f32 v27, v38;
	v55 =	vimm.s32 $0x0;
	v62 =	vimm.s32 $0x0  }
0x126: {  	vm10 =	vgt.f32 v6, v30;
	vm9 =	vgt.f32 v6, v24;
	v53 =	vsel vm11, v27, v48  }
0x127: {  	[tilespmem:$0x1FDE0] =	vst v36;
	v27 =	vsel vm8, v27, v38;
	v36 =	vsel vm10, $0xFFFFFFFF, v51;
	v30 =	vsel vm10, v6, v30  }
0x128: {  	v6 =	vsel vm9, v6, v24;
	vm10 =	vgt.f32 v22, v26;
	vm7 =	vge.f32 v27, v46  }
0x129: {  	v30 =	vsel vm9, v24, v30;
	v24 =	vsel vm11, $0xFFFFFFFF, v52;
	v28 =	vsel vm10, $0xFFFFFFFF, v54  }
0x12a: {  	v26 =	vsel vm10, v22, v26;
	vm10 =	vgt.f32 v22, v49;
	vm11 =	vgt.f32 v39, v19;
	[tilespmem:$0x1FE10] =	vst v24  }
0x12b: {  	v61 =	vsel vm7, v27, v46;
	v24 =	vsel vm8, v38, v53;
	[tilespmem:$0x1FE20] =	vst v28;
	v28 =	vsel vm11, $0xFFFFFFFF, v55  }
0x12c: {  	v22 =	vsel vm10, v22, v49;
	v26 =	vsel vm10, v49, v26;
	v19 =	vsel vm11, v39, v19  }
0x12d: {  	v19 =	vsel vm5, v60, v19;
	vm11 =	vge.f32 v6, v22;
	vm5 =	vge.f32 v30, v22  }
0x12e: {  	[tilespmem:$0x1FE40] =	vst v28;
	v60 =	vimm.s32 $0x0;
	v28 =	vsel vm5, $0xFFFFFFFF, v56;
	v57 =	vsel vm11, v6, v22  }
0x12f: {  	v22 =	vsel vm5, v30, v22;
	vm5 =	vge.f32 v6, v26;
	vm6 =	vge.f32 v27, v19  }
0x130: {  	v30 =	vsel vm5, $0xFFFFFFFF, v58;
	v6 =	vsel vm5, v6, v26;
	vm5 =	vge.f32 v24, v46  }
0x131: {  	v19 =	vsel vm6, v27, v19;
	v24 =	vsel vm5, v24, v46;
	v6 =	vsel vm11, v22, v6  }
0x132: {  	v26 =	vsel vm5, $0xFFFFFFFF, v59;
	v19 =	vsel vm7, v24, v19;
	vm5 =	vge.f32 v6, v61  }
0x133: {  	[tilespmem:$0x1FE80] =	vst v26;
	v26 =	vsel vm6, $0xFFFFFFFF, v60;
	v24 =	vsel vm5, $0xFFFFFFFF, v62;
	vm6 =	vge.f32 v57, v19  }
0x134: {  	v6 =	vsel vm5, v6, v61;
	vm5 =	vge.f32 v57, v61;
	v19 =	vsel vm6, v57, v19  }
0x135: {  	v22 =	vsel vm5, v57, v61;
	v6 =	vsel vm5, v6, v19  }
0x136: {  	v16 =	vsel vm4, v16, v23;
	v6 =	vsub.f32 v6, v22;
	v22 =	vsel vm4, v23, v33;
	v23 =	vld [tilespmem:$0x1FD60]  }
0x137: {  	[tilespmem:$0x1FD90] =	vst v44  }
0x138: {  	[tilespmem:$0x1FE90] =	vst v26;
	v26 =	vld [tilespmem:$0x1FD80]  }
0x139: {  	v27 =	vld [tilespmem:$0x1FD90]  }
0x13a: {  	v6 =	vmul.f32 $1.442695020e+00, v6  }
0x13b: {  	v63 =	vsel vm3, v12, v34;
	vm3 =	vnez.u8 v23  }
0x13c: {  	v37 =	vld [tilespmem:$0x1FDF0];
	(erf) = vpow2.f32 v6;
	v6 =	vsel vm3, v15, v63  }
0x13d: {  	[tilespmem:$0x1FEA0] =	vst v24;
	v24 =	vld [tilespmem:$0x1FD70];
	v6 =	vsel vm15, v25, v6;
	v25 =	vsel vm15, v15, v25;
	vm15 =	vnez.u8 v26  }
0x13e: {  	[tilespmem:$0x1FDD0] =	vst v41;
	vm4 =	vnez.u8 v27;
	v19 =	vsel vm15, v18, v31;
	v31 =	vld [tilespmem:$0x1FDB0]  }
0x13f: {  	v10 =	vsel vm1, v10, v17;
	[tilespmem:$0x1FE60] =	vst v28;
	v17 =	vsel vm4, v18, v29;
	v28 =	vsel vm4, v29, v19;
	v29 =	vld [tilespmem:$0x1FDA0]  }
0x140: {  	v35 =	vld [tilespmem:$0x1FDD0]  }
0x141: {  	s17 =	sadd.s32 $0x180, s17;
	v10 =	vsel vm2, v13, v10;
	v32 =	vld [tilespmem:$0x1FDC0];
	v47 =	vmul.u32 $0x2, v0;
	[tilespmem:$0x1FE50] =	vst v42;
	v33 =	vsel vm0, v8, v20  }
0x142: {  	[tilespmem:$0x1FE00] =	vst v36;
	v36 =	vld [tilespmem:$0x1FDE0];
	v46 =	vmov s17;
	v42 =	vsel vm14, v9, v33;
	vm3 =	vnez.u8 v24  }
0x143: {  	v48 =	vld [tilespmem:$0x1FE30];
	v12 =	vsel vm3, v14, v22;
	v39 =	vsel vm12, v7, v25;
	vm4 =	vnez.u8 v31  }
0x144: {  	v40 =	vld [tilespmem:$0x1FE00];
	v43 =	vsel vm9, v5, v39;
	vm15 =	vnez.u8 v29;
	v13 =	vsel vm4, v21, v28  }
0x145: {  	v41 =	vld [tilespmem:$0x1FE10];
	[tilespmem:$0x1FE70] =	vst v30;
	v34 =	vpop (erf);
	vm4 =	vnez.u8 v35;
	v12 =	vsel vm15, v16, v12;
	v30 =	vsel vm15, v14, v16  }
0x146: {  	v55 =	vld [tilespmem:$0x1FE70];
	vm15 =	vnez.u8 v32;
	v6 =	vsel vm4, v7, v6;
	v16 =	vadd.f32 $1.000000000e+00, v34  }
0x147: {  	v51 =	vld [tilespmem:$0x1FE50];
	vm4 =	vnez.u8 v37;
	v10 =	vsel vm15, v8, v10;
	vm15 =	vnez.u8 v36  }
0x148: {  	v44 =	vld [tilespmem:$0x1FE20];
	v12 =	vsel vm4, v11, v12;
	v38 =	vsel vm13, v11, v30;
	v6 =	vsel vm12, v25, v6  }
0x149: {  	v59 =	vld [tilespmem:$0x1FE80];
	vm12 =	vnez.u8 v40;
	vm4 =	vnez.u8 v48;
	v10 =	vsel vm0, v20, v10  }
0x14a: {  	v50 =	vld [tilespmem:$0x1FE40];
	v12 =	vsel vm13, v30, v12;
	(erf) = vrcp.f32 v16;
	v6 =	vsel vm12, v5, v6  }
0x14b: {  	v60 =	vld [tilespmem:$0x1FE90];
	vm13 =	vnez.u8 v41;
	v13 =	vsel vm4, v17, v13;
	vm12 =	vnez.u8 v55  }
0x14c: {  	v10 =	vsel vm15, v9, v10;
	v12 =	vsel vm13, v2, v12;
	v6 =	vsel vm9, v39, v6  }
0x14d: {  	vm15 =	vnez.u8 v44;
	v2 =	vsel vm8, v2, v38;
	vm9 =	vnez.u8 v51  }
0x14e: {  	v54 =	vld [tilespmem:$0x1FE60];
	vm13 =	vnez.u8 v59;
	v8 =	vsel vm14, v33, v10;
	v45 =	vsel vm8, v38, v12  }
0x14f: {  	v12 =	vsel vm4, v21, v17;
	v10 =	vshll.u32 v46, $0x1;
	vm8 =	vnez.u8 v50  }
0x150: {  	vm14 =	vnez.u8 v60;
	v7 =	vsel vm15, v3, v8;
	v3 =	vsel vm10, v3, v42  }
0x151: {  	v63 =	vld [tilespmem:$0x1FEA0];
	v49 =	vor.u32 v47, v10;
	v10 =	vsel vm8, v4, v13;
	v52 =	vsel vm9, v4, v12  }
0x152: {  	v7 =	vsel vm10, v42, v7;
	v53 =	vor.u32 $0x1, v49;
	v10 =	vsel vm9, v12, v10  }
0x153: {  	s16 =	sadd.s32 $0x1, s16;
	vm10 =	vnez.u8 v54;
	v57 =	vsel vm7, v2, v52;
	v4 =	vsel vm13, v45, v52  }
0x154: {  	p0 =	sne.s32 s16, $0x18;
	v6 =	vsel vm10, v6, v3;
	v7 =	vsel vm12, v43, v7;
	v3 =	vsel vm11, v43, v3;
	v58 =	vpop (erf)  }
.Ltmp3:
0x155: {  	v2 =	vsel vm14, v2, v10;
	v56 =	vsel vm11, v6, v7;
	v61 =	vsub.f32 $1.000000000e+00, v58;
	(pc) =	sbr.rel @p0 .LBB2_6-.Ltmp3, $4  }
0x156: {  	vm15 =	vnez.u8 v63;
	v2 =	vsel vm7, v4, v2;
	v62 =	vsel vm5, v3, v57;
	[tilespmem:v49+s10+$0x0] =	vst.idx.msk $0xffff, v58  }
0x157: {  	v5 =	vsel vm15, v56, v57;
	v2 =	vsel vm6, v3, v2;
	[tilespmem:v53+s10+$0x0] =	vst.idx.msk $0xffff, v61  }
0x158: {  	v2 =	vsel vm5, v5, v2;
	[tilespmem:v49+s11+$0x0] =	vst.idx.msk $0xffff, v62  }
0x159: {  	[tilespmem:v53+s11+$0x0] =	vst.idx.msk $0xffff, v2  }
0x15a: {  	[hbm4b:s5+s2] =	stream.linear.scatter [tilespmem:s10], [sflag:$0x3], $0x600, $0x38;
	[tilespmem:$0x18C00] =	vst v63  }
0x15b: {  	s14 =	sadd.s32 $0x1, s14;
	_ =	swait.ge [sflag:s13], $0x600  }
0x15c: {  	p0 =	sne.s32 s14, s7;
	[sflag:s13] =	ssyncset.done $0x0  }
.Ltmp4:
0x15d: {  	[sflag:s13] =	ssyncadd.s32 $0xFFFFFA00;
	(pc) =	sbr.rel @p0 .LBB2_1-.Ltmp4, $4  }
0x15e: {  	[hbm4b:s6+s2] =	stream.linear.scatter [tilespmem:s11], [sflag:$0x3], $0x600, $0x38;
	[tilespmem:$0x18C00] =	vst v63  }
0x15f: {  	_ =	swait.ge [sflag:s13], $0x600  }
0x160: {  	[sflag:s13] =	ssyncset.done $0x0  }
0x161: {  	[sflag:s13] =	ssyncadd.s32 $0xFFFFFA00  }
0x162: {  	_ =	sfence.sel $0x180000  }
0x163: {  	[bflag:$0x0] =	sbarrier.arrive $0xFFFF  }
0x164: {  	p0 =	sne.s32 s0, $0x0;
	_ =	strace $0x9000004A  }
0x165: {  	s0 =	sadd.s32 @!p0 $0x100000, s1;
	[bflag:$0x2] =	sbarrier.arrive $0xFFFF  }
0x166: {  	[sflag:s0] =	ssyncadd.tile.s32 @!p0 $0x1;
	_ =	shalt  }
.Lfunc_end2:
_tile_overlayer_lowered:
.L_overlay_start_2:
0x167: {  	(tag) =	ssettag $0x2  }
0x168: {  	s0 =	rddreg [dreg:$0x0];
	s2 =	stileid.u32  }
0x169: {  	s1 =	rddreg [dreg:$0x1];
	p0 =	sne.s32 s2, $0x0  }
0x16a: {  	s3 =	rddreg [dreg:$0x2];
	[bflag:$0x3] =	sbarrier.arrive $0xFFFF;
	s2 =	simm.s32 @!p0 $0x1C03  }
0x16b: {  	[timem:s3], [sflag:s2] =	dma.local @!p0 [hbm:s0], s1  }
0x16c: {  	s0 =	simm.s32 @!p0 $0x3  }
0x16d: {  	_ =	swait.ge @!p0 [sflag:s0], s1  }
0x16e: {  	s1 =	ssub.s32 @!p0 $0x0, s1;
	[sflag:s0] =	ssyncset.done @!p0 $0x0  }
0x16f: {  	[sflag:s0] =	ssyncadd.s32 @!p0 s1  }
0x170: {  	[bflag:$0x3] =	sbarrier.arrive $0xFFFF  }
0x171: {  	_ =	shalt  }

// kernel: kernel.9.cloned.1.call-start
scs
__scs_entry_jumppad:
0x0: {  	(pc) =	sbr.rel $0x88, $3  }
0x1: {  	(tag) =	ssettag $0x0;
	lr =	simm.s32 $0x1  }
0x2: {  	[smem:$0x3F9F] =	sst lr;
	_ =	strace $0xD0000000  }
0x3: {  	_ = 	snop  }
0x4: {  	_ = 	snop  }
0x5: {  	_ = 	snop  }
0x6: {  	_ = 	snop  }
0x7: {  	_ = 	snop  }
__scs_overlays_trampoline_lowered:
0x8: {  	[smem:$0x3FAE] =	sst s0  }
0x9: {  	[smem:$0x3FAF] =	sst s1  }
0xa: {  	[smem:$0x3FB0] =	sst s2  }
0xb: {  	[smem:$0x3FB1] =	sst s3  }
0xc: {  	[smem:$0x3FB2] =	sst s4  }
0xd: {  	[smem:$0x3FB3] =	sst s5  }
0xe: {  	[smem:$0x3FB4] =	sst s6  }
0xf: {  	[smem:$0x3FB5] =	sst s7  }
0x10: {  	[smem:$0x3FB6] =	sst s8  }
0x11: {  	[smem:$0x3FB7] =	sst s9;
	s0 =	simm.s32 @!p0 $0x0  }
0x12: {  	s1 =	sld [smem:$0x3F9D];
	s0 =	simm.s32 @p0 $0x1  }
0x13: {  	[smem:$0x3FB8] =	sst s0;
	s0 =	simm.s32 @!p1 $0x0  }
0x14: {  	s2 =	sld [smem:$0x3F9C];
	s0 =	simm.s32 @p1 $0x1  }
0x15: {  	[smem:$0x3FB9] =	sst s0;
	s0 =	simm.s32 @!p2 $0x0  }
0x16: {  	s3 =	sld [smem:$0x3FDB];
	s0 =	simm.s32 @p2 $0x1  }
0x17: {  	s4 =	simm.s32 $0x1BF5;
	[smem:$0x3FBB] =	sst s0  }
0x18: {  	s0 =	sld [smem:$0x3F9E];
	_ =	swait.ge [sflag:s4], $0x0  }
0x19: {  	s7 =	sld [smem:$0x3F9F]  }
0x1a: {  	s8 =	sadd.s32 $0xFFFFE003, lr  }
0x1b: {  	s9 =	sadd.s32 $0xFFFFFEF7, lr;
	s5 =	simm.s32 $0xFFFFFFFF;
	p2 =	slt.u32 s8, $0xFFFFF086  }
0x1c: {  	p1 =	slt.u32 s9, $0xF7A;
	s5 =	simm.s32 @!p2 $0x0  }
0x1d: {  	s5 =	simm.s32 @p1 $0x1;
	p0 =	seq.s32 s7, s2  }
0x1e: {  	s7 =	smul.u32 @!p0 $0xF7A, s2;
	p2 =	seq.s32 @!p0 s5, $0x0  }
0x1f: {  	s9 =	smul.u32 $0xF7A, s1;
	s8 =	simm.s32 @!p0 $0x1BF5;
	p2 =	por !p2, p0  }
0x20: {  	[sflag:s8] =	ssyncset.s32 @!p0 $0xFFFFF086;
	s6 =	sadd.s32 @!p0 s3, s7;
	s7 =	simm.s32 @!p0 $0x108  }
0x21: {  	s3 =	sadd.s32 s3, s9;
	s6 =	sadd.s32 @!p0 $0x88, s6;
	s7 =	simm.s32 @p2 $0x1082  }
0x22: {  	[simem:s7], [sflag:s8] =	dma.local @!p0 [hbm:s6], $0xF7A  }
0x23: {  	s9 =	sor.u32 $0xD0000000, s2;
	s6 =	simm.s32 $0x108;
	_ =	swait.ge @!p0 [sflag:s8], $0x0  }
0x24: {  	s3 =	sadd.s32 $0x88, s3;
	s6 =	simm.s32 @!p1 $0x1082;
	[sflag:s4] =	ssyncset.s32 $0xFFFFF086  }
0x25: {  	[simem:s6], [sflag:s4] =	dma.local [hbm:s3], $0xF7A  }
0x26: {  	[smem:$0x3F9F] =	sst s1;
	(tag) =	ssettag s2;
	_ =	strace s9  }
0x27: {  	s1 =	sld [smem:$0x3FAF]  }
0x28: {  	s2 =	sld [smem:$0x3FB0]  }
0x29: {  	s4 =	sld [smem:$0x3FB2]  }
0x2a: {  	p0 =	seq.s32 s5, $0x0;
	s5 =	sld [smem:$0x3FB3]  }
0x2b: {  	s6 =	sld [smem:$0x3FB4]  }
0x2c: {  	s7 =	sld [smem:$0x3FB5]  }
0x2d: {  	s3 =	simm.s32 $0x108;
	s8 =	sld [smem:$0x3FB6]  }
0x2e: {  	s3 =	simm.s32 @!p0 $0x1082;
	s9 =	sld [smem:$0x3FB7]  }
0x2f: {  	lr =	sadd.s32 s0, s3;
	s0 =	sld [smem:$0x3FAE]  }
0x30: {  	s3 =	sld [smem:$0x3FB1]  }
0x31: {  	[smem:$0x3FBA] =	sst s10  }
0x32: {  	s10 =	sld [smem:$0x3FB8];
	_ =	sdelay $0x3  }
0x33: {  	p0 =	seq.s32 s10, $0x1;
	s10 =	sld [smem:$0x3FBA];
	_ =	sdelay $0x3  }
0x34: {  	[smem:$0x3FBA] =	sst s10  }
0x35: {  	s10 =	sld [smem:$0x3FB9];
	_ =	sdelay $0x3  }
0x36: {  	p1 =	seq.s32 s10, $0x1;
	s10 =	sld [smem:$0x3FBA];
	_ =	sdelay $0x3  }
0x37: {  	[smem:$0x3FBA] =	sst s10  }
0x38: {  	s10 =	sld [smem:$0x3FBB]  }
0x39: {  	_ = 	snop;
	(pc) =	sbr.ind lr, $3  }
0x3a: {  	_ = 	snop  }
0x3b: {  	_ = 	snop  }
0x3c: {  	p2 =	seq.s32 s10, $0x1;
	s10 =	sld [smem:$0x3FBA]  }
0x3d: {  	_ =	shalt  }
0x3e: {  	_ =	shalt  }
0x3f: {  	_ =	shalt  }
0x40: {  	_ =	shalt  }
0x41: {  	_ =	shalt  }
0x42: {  	_ =	shalt  }
0x43: {  	_ =	shalt  }
0x44: {  	_ =	shalt  }
0x45: {  	_ =	shalt  }
0x46: {  	_ =	shalt  }
0x47: {  	_ =	shalt  }
0x48: {  	_ =	shalt  }
0x49: {  	_ =	shalt  }
0x4a: {  	_ =	shalt  }
0x4b: {  	_ =	shalt  }
0x4c: {  	_ =	shalt  }
0x4d: {  	_ =	shalt  }
0x4e: {  	_ =	shalt  }
0x4f: {  	_ =	shalt  }
0x50: {  	_ =	shalt  }
0x51: {  	_ =	shalt  }
0x52: {  	_ =	shalt  }
0x53: {  	_ =	shalt  }
0x54: {  	_ =	shalt  }
0x55: {  	_ =	shalt  }
0x56: {  	_ =	shalt  }
0x57: {  	_ =	shalt  }
0x58: {  	_ =	shalt  }
0x59: {  	_ =	shalt  }
0x5a: {  	_ =	shalt  }
0x5b: {  	_ =	shalt  }
0x5c: {  	_ =	shalt  }
0x5d: {  	_ =	shalt  }
0x5e: {  	_ =	shalt  }
0x5f: {  	_ =	shalt  }
0x60: {  	_ =	shalt  }
0x61: {  	_ =	shalt  }
0x62: {  	_ =	shalt  }
0x63: {  	_ =	shalt  }
0x64: {  	_ =	shalt  }
0x65: {  	_ =	shalt  }
0x66: {  	_ =	shalt  }
0x67: {  	_ =	shalt  }
0x68: {  	_ =	shalt  }
0x69: {  	_ =	shalt  }
0x6a: {  	_ =	shalt  }
0x6b: {  	_ =	shalt  }
0x6c: {  	_ =	shalt  }
0x6d: {  	_ =	shalt  }
0x6e: {  	_ =	shalt  }
0x6f: {  	_ =	shalt  }
0x70: {  	_ =	shalt  }
0x71: {  	_ =	shalt  }
0x72: {  	_ =	shalt  }
0x73: {  	_ =	shalt  }
0x74: {  	_ =	shalt  }
0x75: {  	_ =	shalt  }
0x76: {  	_ =	shalt  }
0x77: {  	_ =	shalt  }
0x78: {  	_ =	shalt  }
0x79: {  	_ =	shalt  }
0x7a: {  	_ =	shalt  }
0x7b: {  	_ =	shalt  }
0x7c: {  	_ =	shalt  }
0x7d: {  	_ =	shalt  }
0x7e: {  	_ =	shalt  }
0x7f: {  	_ =	shalt  }
0x80: {  	_ =	shalt  }
0x81: {  	_ =	shalt  }
0x82: {  	_ =	shalt  }
0x83: {  	_ =	shalt  }
0x84: {  	_ =	shalt  }
0x85: {  	_ =	shalt  }
0x86: {  	_ =	shalt  }
0x87: {  	_ =	shalt  }
.Lfunc_end0:
.L_simem_size_0:
called_computation.1_lowered:
.L_overlay_start_0:
0x88: {  	s2 =	sld [smem:$0x3FD9]  }
0x89: {  	s3 =	sld [smem:$0x3FFE];
	_ =	sdelay $0x1  }
0x8a: {  	s1 =	srdreg.scid  }
0x8b: {  	s0 =	sand.u32 $0x1, s1  }
0x8c: {  	s16 =	sshll.u32 s0, $0xA;
	s2 =	sadd.s32 s3, s2  }
0x8d: {  	s2 =	sadd.s32 s2, s16  }
0x8e: {  	[smem:$0x3FC6] =	sst s2  }
0x8f: {  	_ = 	snop  }
0x90: {  	(tm) =	ssettm $0x1  }
0x91: {  	s17 =	sld [smem:$0x3FFB];
	_ =	sdelay $0x3  }
0x92: {  	_ =	strace s17  }
0x93: {  	s2 =	sld [smem:$0x3FFC];
	_ =	sdelay $0x3  }
0x94: {  	_ =	strace s2  }
0x95: {  	s2 =	sld [smem:$0x3FFD];
	_ =	sdelay $0x3  }
0x96: {  	_ =	strace s2  }
0x97: {  	_ =	strace $0x8FFFFFFF  }
0x98: {  	s18 =	sld [smem:$0x3FDB];
	_ =	sdelay $0x1  }
0x99: {  	s19 =	simm.s32 $_scs_section_size  }
0x9a: {  	s4 =	simm.s32 $_size__tile_overlayer_lowered;
	s5 =	simm.s32 $_tile_overlayer_lowered  }
0x9b: {  	s22 =	simm.s32 $0x1BFF;
	s21 =	sshll.u32 s5, $0x1;
	s2 =	sadd.s32 s19, s18  }
0x9c: {  	s6 =	simm.s32 $0x0;
	s20 =	sshll.u32 s4, $0x1;
	s4 =	sadd.s32 s21, s2  }
0x9d: {  	[timem:s6], [sflag:s22] =	dma.local [hbm:s4], s20  }
0x9e: {  	_ =	swait.ge [sflag:s22], s20  }
0x9f: {  	s3 =	ssub.s32 $0x0, s20;
	[sflag:s22] =	ssyncset.done $0x0  }
0xa0: {  	[sflag:s22] =	ssyncadd.s32 s3;
	_ =	sdelay $0x1  }
0xa1: {  	s23 =	simm.s32 $0x1B8B  }
0xa2: {  	_ =	swait.ge [sflag:s23], $0x1  }
0xa3: {  	[sflag:s23] =	ssyncset.done $0x0  }
0xa4: {  	s25 =	simm.s32 $0x1B8E;
	s24 =	sld [smem:$0x3FFE];
	[sflag:s23] =	ssyncadd.s32 $0xFFFFFFFF  }
0xa5: {  	s26 =	simm.s32 $execute0_lowered;
	[smem:$0x3FD2] =	sst s25  }
0xa6: {  	s4 =	sshll.u32 s26, $0x1;
	_ =	strace $0x80000046;
	[dreg:$0x1] =	wrdreg $0xFFFFFFFF  }
0xa7: {  	s28 =	simm.s32 $_size_execute0_lowered;
	s2 =	sadd.s32 s2, s4;
	[dreg:$0x0] =	wrdreg $0x0  }
0xa8: {  	s4 =	sshll.u32 s28, $0x1;
	[dreg:$0x2] =	wrdreg s2  }
0xa9: {  	[dreg:$0x3] =	wrdreg s4  }
0xaa: {  	[dreg:$0x4] =	wrdreg $0xC0  }
0xab: {  	_ =	task [dreg:s6], $0x5FFFF  }
0xac: {  	[dreg:$0x1] =	wrdreg $0xFFFFFFFF  }
0xad: {  	[dreg:$0x0] =	wrdreg $0x60  }
0xae: {  	[dreg:$0x2] =	wrdreg s24  }
0xaf: {  	[dreg:$0x3] =	wrdreg $0xA  }
0xb0: {  	_ =	task.clear_ibuf [dreg:s6], $0x4FFFF;
	_ =	strace $0x90000046  }
0xb1: {  	s29 =	simm.s32 $0xA;
	_ =	strace $0x80000048  }
0xb2: {  	_ =	swait.ge [sflag:s29], $0x1  }
0xb3: {  	[sflag:s29] =	ssyncadd.s32 $0xFFFFFFFF  }
0xb4: {  	_ =	strace $0x90000048  }
0xb5: {  	_ =	sfence  }
0xb6: {  	s30 =	sld [smem:$0x0];
	_ =	sdelay $0x2  }
0xb7: {  	s31 =	sshll.u32 s1, $0xD;
	s1 =	sshrl.u32 s1, $0x2  }
0xb8: {  	s3 =	sand.u32 $0x4000, s31;
	s1 =	sadd.s32 s1, s30  }
0xb9: {  	s0 =	sor.u32 s3, s0;
	s1 =	sshll.u32 s1, $0x11  }
0xba: {  	s0 =	sor.u32 s1, s0  }
0xbb: {  	s0 =	sadd.s32 $0x8F2B, s0  }
0xbc: {  	[sflag:s0] =	ssyncadd.remote.s32 $0x1  }
0xbd: {  	_ =	sfence.sel $0xFFFF  }
0xbe: {  	[dreg:$0x0] =	wrdreg $0xFFFFFFFF;
	(pc) =	sbr.abs _section_cstart, $3  }
0xbf: {  	[dreg:$0x1] =	wrdreg $0xFFFFFFFF  }
0xc0: {  	_ =	task.clear_ibuf [dreg:s6], $0x2FFFF;
	_ =	strace $0x9FFFFFFF  }
0xc1: {  	(tm) =	ssettm $0x7FFFFFFF  }
tec
execute0_lowered:
.L_overlay_start_1:
0x0: {  	(tag) =	ssettag $0x1  }
0x1: {  	s3 =	rddreg [dreg:$0x0]  }
0x2: {  	s0 =	rddreg [dreg:$0x1]  }
0x3: {  	s2 =	simm.s32 $0x0;
	s4 =	srdreg.scid;
	s1 =	stileid.u32  }
0x4: {  	s9 =	simm.s32 $0x1;
	s10 =	simm.s32 $0x8000;
	s11 =	simm.s32 $0x8200  }
0x5: {  	s12 =	simm.s32 $0x2;
	s13 =	simm.s32 $0x3;
	s14 =	simm.s32 $0x0  }
0x6: {  	[smem:$0x7FF] =	sst s2;
	s4 =	sand.u32 $0x1, s4;
	s5 =	sshll.u32 s1, $0x1  }
0x7: {  	_ =	strace $0x80000047;
	s5 =	sor.u32 s4, s5;
	s4 =	ssub.s32 $0x2, s4  }
0x8: {  	s6 =	sshll.u32 s5, $0xC;
	s5 =	sshll.u32 s5, $0x6;
	s7 =	sshrl.u32 s4, $0x1  }
0x9: {  	s6 =	sadd.s32 s6, s3;
	s8 =	sadd.s32 s5, s3;
	s7 =	ssub.s32 s4, s7  }
0xa: {  	v0 =	vlaneseq.u32;
	s3 =	sadd.s32 $0x2000, s6;
	s4 =	sadd.s32 $0x2800, s6;
	s5 =	sadd.s32 $0x22000, s8  }
0xb: {  	v1 =	vor.u32 $0xFFFFFFF0, v0;
	s6 =	sadd.s32 $0x22800, s8;
	s7 =	smax.u32 s7, $0x1;
	s8 =	simm.s32 $0x4000  }
.LBB2_1:
0xc: {  	[tilespmem:s2], [sflag:$0x1] =	stream.linear.gather [hbm4b:s3+s2], $0x4000, $0x38;
	[tilespmem:$0x8400] =	vst v63  }
0xd: {  	_ = 	snop  }
0xe: {  	[tilespmem:s8], [sflag:$0x2] =	stream.linear.gather [hbm4b:s4+s2], $0x4000, $0x38;
	[tilespmem:$0x8400] =	vst v63  }
0xf: {  	_ =	swait.ge [sflag:s9], $0x4000  }
0x10: {  	[sflag:s9] =	ssyncset.done $0x0  }
0x11: {  	s15 =	simm.s32 $0x0;
	[sflag:s9] =	ssyncadd.s32 $0xFFFFC000  }
.LBB2_2:
0x12: {  	s16 =	simm.s32 $0x0  }
0x13: {  	s17 =	sshll.u32 s15, $0x4;
	v20 =	vimm.f32 $-3.000000010e+38;
	v3 =	vadd.s32 s16, v0  }
0x14: {  	v2 =	vor.u32 s17, v0;
	v4 =	vadd.s32 s16, v1;
	vm0 =	vgt.u32 v3, $0xF  }
0x15: {  	s29 =	simm.s32 $0x1;
	v13 =	vimm.s32 $0x0;
	v7 =	vshll.u32 v2, $0x7;
	v14 =	vsel vm0, v4, v3  }
0x16: {  	v8 =	vadd.s32 s29, v1;
	v3 =	vadd.s32 v7, v14;
	v11 =	vadd.s32 $0x10, v14  }
0x17: {  	v4 =	vadd.s32 s29, v0;
	v18 =	vadd.s32 $0x30, v14;
	v5 =	vadd.s32 v7, v11  }
0x18: {  	s31 =	simm.s32 $0x2;
	vm0 =	vgt.u32 v4, $0xF;
	v17 =	vadd.s32 $0x20, v14;
	v6 =	vadd.s32 v7, v18  }
0x19: {  	v12 =	vadd.s32 s31, v1;
	v10 =	vadd.s32 v7, v17;
	v16 =	vsel vm0, v8, v4  }
0x1a: {  	s30 =	simm.s32 $0x3;
	v8 =	vadd.s32 s31, v0;
	v22 =	vadd.s32 v7, v16;
	v15 =	vadd.s32 $0x20, v16  }
0x1b: {  	v19 =	vadd.s32 s30, v1;
	vm0 =	vgt.u32 v8, $0xF;
	v33 =	vadd.s32 v7, v15;
	v4 =	vld.idx.msk [tilespmem:v3+s2+$0x0], $0xffff  }
0x1c: {  	v9 =	vadd.s32 $0x10, v16;
	v8 =	vsel vm0, v12, v8;
	v3 =	vadd.s32 s30, v0;
	v5 =	vld.idx.msk [tilespmem:v5+s2+$0x0], $0xffff  }
0x1d: {  	v21 =	vadd.s32 v7, v9;
	v12 =	vadd.s32 $0x20, v8;
	vm1 =	vgt.u32 v3, $0xF;
	v24 =	vld.idx.msk [tilespmem:v6+s2+$0x0], $0xffff  }
0x1e: {  	v39 =	vadd.s32 v7, v12;
	v32 =	vld.idx.msk [tilespmem:v10+s2+$0x0], $0xffff;
	v10 =	vadd.s32 $0x10, v8;
	v6 =	vsel vm1, v19, v3  }
0x1f: {  	v19 =	vadd.s32 $0x30, v16;
	v25 =	vld.idx.msk [tilespmem:v22+s2+$0x0], $0xffff;
	v22 =	vadd.s32 $0x30, v8;
	v3 =	vadd.s32 $0x20, v6  }
0x20: {  	v44 =	vadd.s32 v7, v19;
	v37 =	vld.idx.msk [tilespmem:v33+s2+$0x0], $0xffff;
	v33 =	vimm.f32 $-3.000000010e+38;
	vm3 =	vgt.f32 v4, v20  }
0x21: {  	v28 =	vadd.s32 v7, v3;
	v29 =	vsel vm3, v4, v20;
	v4 =	vadd.s32 $0x10, v6  }
0x22: {  	vm1 =	vgt.f32 v5, v20;
	v26 =	vsel vm3, v14, v13;
	vm5 =	vgt.f32 v24, v20  }
0x23: {  	vm4 =	vgt.f32 v32, v20;
	v35 =	vsel vm3, v14, v13;
	v14 =	vimm.s32 $0x0  }
0x24: {  	v27 =	vld.idx.msk [tilespmem:v21+s2+$0x0], $0xffff;
	v23 =	vadd.s32 v7, v4;
	v42 =	vsel vm3, v20, v29;
	v31 =	vsel vm1, v5, v20  }
0x25: {  	v5 =	vadd.s32 $0x30, v6;
	v21 =	vsel vm1, v11, v13;
	v43 =	vsel vm4, v32, v20  }
0x26: {  	v45 =	vsel vm5, v24, v20;
	v36 =	vsel vm5, v24, v20;
	v34 =	vsel vm4, v17, v13  }
0x27: {  	v30 =	vsel vm5, v18, v13;
	v41 =	vsel vm4, v32, v20;
	v24 =	vimm.s32 $0x0  }
0x28: {  	v18 =	vimm.s32 $0x0;
	vm2 =	vmmov vm1;
	v38 =	vsel vm1, v20, v31  }
0x29: {  	s16 =	simm.s32 $0x4;
	vm0 =	vgt.f32 v27, v31;
	v40 =	vadd.s32 v7, v5;
	v32 =	vsel vm5, v13, v30;
	v44 =	vld.idx.msk [tilespmem:v44+s2+$0x0], $0xffff  }
.LBB2_3:
0x2a: {  	p0 =	slt.u32 s16, $0xC;
	v13 =	vsel vm3, v13, v35;
	v35 =	vadd.s32 v7, v10;
	v46 =	vadd.s32 v7, v22;
	s18 =	smov.u32 s16;
	s16 =	sadd.s32 $0x4, s16  }
0x2b: {  	v34 =	vsel vm4, v24, v34;
	v20 =	vsel vm5, v20, v45;
	vm3 =	vgt.f32 v25, v42  }
0x2c: {  	v17 =	vsel vm4, v17, v24;
	v24 =	vsel vm3, v25, v42;
	v13 =	vsel vm3, v16, v13;
	v39 =	vld.idx.msk [tilespmem:v39+s2+$0x0], $0xffff  }
0x2d: {  	v33 =	vsel vm4, v33, v43;
	v42 =	vadd.s32 v7, v8;
	vm6 =	vgt.f32 v37, v41  }
0x2e: {  	vm5 =	vgt.f32 v37, v33;
	vm3 =	vgt.f32 v44, v36;
	vm8 =	vgt.f32 v44, v20  }
0x2f: {  	vm4 =	vgt.f32 v25, v29;
	v33 =	vsel vm5, v37, v33;
	v20 =	vsel vm8, v44, v20;
	v43 =	vld.idx.msk [tilespmem:v46+s2+$0x0], $0xffff  }
0x30: {  	v13 =	vsel vm4, v26, v13;
	v34 =	vsel vm5, v15, v34;
	v44 =	vsel vm3, v44, v36;
	v35 =	vld.idx.msk [tilespmem:v35+s2+$0x0], $0xffff  }
0x31: {  	v16 =	vsel vm4, v16, v26;
	v33 =	vsel vm6, v41, v33;
	v45 =	vsel vm3, v19, v30  }
0x32: {  	vm7 =	vgt.f32 v27, v38;
	s17 =	sadd.s32 $0x3, s18;
	v34 =	vsel vm6, v17, v34;
	vm5 =	vgt.f32 v39, v33;
	v42 =	vld.idx.msk [tilespmem:v42+s2+$0x0], $0xffff  }
0x33: {  	v38 =	vsel vm7, v27, v38;
	v26 =	vadd.s32 s17, v0;
	v19 =	vsel vm8, v19, v32;
	v40 =	vld.idx.msk [tilespmem:v40+s2+$0x0], $0xffff  }
0x34: {  	v11 =	vsel vm1, v11, v18;
	v18 =	vsel vm0, v31, v38;
	v19 =	vsel vm3, v30, v19  }
0x35: {  	v30 =	vsel vm6, v37, v41;
	v20 =	vsel vm3, v36, v20;
	vm3 =	vgt.f32 v43, v44  }
0x36: {  	v24 =	vsel vm4, v29, v24;
	v36 =	vsel vm0, v9, v21;
	vm1 =	vgt.f32 v43, v20  }
0x37: {  	v15 =	vsel vm6, v15, v17;
	v17 =	vsel vm1, v43, v20;
	v37 =	vsel vm3, v43, v44  }
0x38: {  	v38 =	vadd.s32 v7, v6;
	vm6 =	vgt.f32 v39, v30;
	vm8 =	vgt.f32 v42, v24  }
0x39: {  	v11 =	vsel vm2, v14, v11;
	v14 =	vsel vm1, v22, v19;
	vm1 =	vgt.f32 v40, v37;
	v19 =	vld.idx.msk [tilespmem:v28+s2+$0x0], $0xffff  }
0x3a: {  	v27 =	vsel vm0, v27, v31;
	v24 =	vsel vm8, v42, v24;
	v28 =	vsel vm5, v39, v33  }
0x3b: {  	v9 =	vsel vm7, v9, v11;
	vm2 =	vgt.f32 v35, v18;
	v22 =	vsel vm3, v22, v45  }
0x3c: {  	v11 =	vsel vm6, v39, v30;
	v20 =	vsel vm1, v40, v37;
	v32 =	vsel vm1, v5, v22  }
0x3d: {  	v9 =	vsel vm0, v21, v9;
	v21 =	vsel vm6, v12, v15;
	v13 =	vsel vm8, v8, v13;
	v31 =	vld.idx.msk [tilespmem:v38+s2+$0x0], $0xffff  }
0x3e: {  	vm0 =	vgt.f32 v35, v27;
	v9 =	vsel vm2, v10, v9;
	v28 =	vsel vm6, v30, v28  }
0x3f: {  	v12 =	vsel vm5, v12, v34;
	v10 =	vsel vm0, v10, v36;
	vm5 =	vgt.f32 v19, v11  }
0x40: {  	v25 =	vsel vm4, v25, v29;
	v12 =	vsel vm6, v15, v12;
	v29 =	vsel vm0, v35, v27  }
0x41: {  	v15 =	vsel vm2, v35, v18;
	vm4 =	vgt.f32 v42, v25;
	vm2 =	vgt.f32 v19, v28  }
0x42: {  	v17 =	vsel vm3, v44, v17;
	v8 =	vsel vm4, v8, v16;
	v18 =	vsel vm4, v25, v24;
	v23 =	vld.idx.msk [tilespmem:v23+s2+$0x0], $0xffff  }
0x43: {  	v13 =	vsel vm4, v16, v13;
	v16 =	vsel vm4, v42, v25;
	vm4 =	vgt.f32 v31, v18  }
0x44: {  	vm6 =	vgt.f32 v31, v16;
	v18 =	vsel vm4, v31, v18;
	v13 =	vsel vm4, v6, v13  }
0x45: {  	v30 =	vsel vm6, v31, v16;
	v25 =	vsel vm6, v16, v18;
	v35 =	vsel vm6, v8, v13  }
0x46: {  	v13 =	vsel vm6, v6, v8;
	v6 =	vsel vm2, v19, v28;
	v8 =	vsel vm2, v3, v12  }
0x47: {  	v12 =	vsel vm0, v27, v15;
	v34 =	vsel vm5, v11, v6;
	v41 =	vsel vm5, v21, v8  }
0x48: {  	s19 =	sadd.s32 $0x1, s18;
	s20 =	sadd.s32 $0x2, s18;
	v33 =	vsel vm5, v19, v11;
	vm6 =	vgt.f32 v23, v29;
	vm7 =	vgt.f32 v23, v12  }
0x49: {  	v6 =	vadd.s32 s19, v0;
	v8 =	vadd.s32 s20, v0;
	v38 =	vsel vm6, v23, v29  }
0x4a: {  	v9 =	vsel vm0, v36, v9;
	vm4 =	vgt.u32 v6, $0xF;
	vm2 =	vgt.u32 v8, $0xF  }
0x4b: {  	v24 =	vsel vm5, v3, v21;
	v11 =	vsel vm7, v23, v12;
	v9 =	vsel vm7, v4, v9  }
0x4c: {  	v3 =	vadd.s32 s18, v0;
	v12 =	vsel vm3, v45, v14;
	v14 =	vsel vm6, v4, v10  }
0x4d: {  	vm0 =	vgt.u32 v3, $0xF;
	v4 =	vadd.s32 s18, v1;
	v21 =	vsel vm6, v29, v11  }
0x4e: {  	v46 =	vsel vm0, v4, v3;
	v18 =	vsel vm6, v10, v9;
	vm0 =	vgt.f32 v40, v17  }
0x4f: {  	v3 =	vadd.s32 v7, v46;
	v44 =	vadd.s32 $0x30, v46;
	v4 =	vsel vm0, v40, v17  }
0x50: {  	v11 =	vadd.s32 $0x10, v46;
	v5 =	vsel vm0, v5, v12;
	v10 =	vadd.s32 v7, v44  }
0x51: {  	v9 =	vadd.s32 s19, v1;
	v17 =	vadd.s32 $0x20, v46;
	v12 =	vadd.s32 v7, v11  }
0x52: {  	v16 =	vsel vm4, v9, v6;
	v23 =	vadd.s32 v7, v17;
	v29 =	vsel vm1, v37, v4  }
0x53: {  	v4 =	vadd.s32 v7, v16;
	v9 =	vadd.s32 $0x10, v16;
	v22 =	vsel vm1, v22, v5  }
0x54: {  	v37 =	vld.idx.msk [tilespmem:v3+s2+$0x0], $0xffff;
	v3 =	vadd.s32 v7, v9;
	_ =	sdelay $0x1  }
0x55: {  	v36 =	vld.idx.msk [tilespmem:v12+s2+$0x0], $0xffff  }
0x56: {  	vm0 =	vgt.u32 v26, $0xF;
	v6 =	vadd.s32 s17, v1;
	v5 =	vadd.s32 s20, v1;
	v40 =	vld.idx.msk [tilespmem:v10+s2+$0x0], $0xffff  }
0x57: {  	v15 =	vadd.s32 $0x20, v16;
	v6 =	vsel vm0, v6, v26;
	v8 =	vsel vm2, v5, v8  }
0x58: {  	v19 =	vadd.s32 $0x30, v16;
	v10 =	vadd.s32 $0x10, v8;
	v27 =	vld.idx.msk [tilespmem:v3+s2+$0x0], $0xffff;
	v3 =	vadd.s32 $0x20, v6  }
0x59: {  	vm3 =	vgt.f32 v37, v30;
	vm6 =	vgt.f32 v37, v25;
	v47 =	vld.idx.msk [tilespmem:v23+s2+$0x0], $0xffff;
	v28 =	vadd.s32 v7, v3  }
0x5a: {  	v12 =	vadd.s32 $0x20, v8;
	v5 =	vsel vm6, v37, v25;
	v25 =	vld.idx.msk [tilespmem:v4+s2+$0x0], $0xffff;
	v4 =	vadd.s32 $0x10, v6  }
0x5b: {  	v39 =	vadd.s32 v7, v12;
	vm2 =	vgt.f32 v36, v38;
	v23 =	vadd.s32 v7, v4  }
0x5c: {  	v48 =	vadd.s32 v7, v15;
	v42 =	vsel vm3, v30, v5;
	vm1 =	vgt.f32 v36, v21  }
0x5d: {  	v26 =	vsel vm3, v46, v13;
	v5 =	vadd.s32 $0x30, v6;
	v31 =	vsel vm2, v36, v38  }
0x5e: {  	v50 =	vadd.s32 v7, v19;
	v49 =	vsel vm1, v36, v21;
	vm5 =	vgt.f32 v40, v20  }
0x5f: {  	v21 =	vsel vm2, v11, v14;
	vm4 =	vgt.f32 v40, v29;
	vm0 =	vgt.f32 v47, v34  }
.Ltmp0:
0x60: {  	v45 =	vsel vm4, v40, v29;
	v36 =	vsel vm5, v40, v20;
	v43 =	vsel vm0, v47, v34;
	(pc) =	sbr.rel @p0 .LBB2_3-.Ltmp0, $4  }
0x61: {  	v29 =	vsel vm3, v37, v30;
	v38 =	vsel vm2, v38, v49;
	v34 =	vsel vm0, v17, v41  }
0x62: {  	v49 =	vsel vm4, v44, v22;
	v40 =	vadd.s32 v7, v5;
	vm0 =	vgt.f32 v27, v31;
	v37 =	vld.idx.msk [tilespmem:v48+s2+$0x0], $0xffff  }
0x63: {  	v30 =	vsel vm5, v44, v32;
	v22 =	vadd.s32 $0x30, v8;
	vm4 =	vgt.f32 v47, v33;
	v44 =	vld.idx.msk [tilespmem:v50+s2+$0x0], $0xffff  }
0x64: {  	v35 =	vsel vm6, v46, v35;
	v32 =	vsel vm5, v32, v49;
	v41 =	vsel vm4, v47, v33  }
0x65: {  	v46 =	vadd.s32 v7, v22;
	v47 =	vadd.s32 v7, v8;
	v20 =	vsel vm5, v20, v45  }
0x66: {  	vm10 =	vgt.f32 v25, v42;
	v59 =	vimm.s32 $0x0;
	v33 =	vsel vm4, v33, v43  }
0x67: {  	v60 =	vadd.s32 v7, v10;
	v61 =	vimm.s32 $0x0;
	v62 =	vimm.s32 $0x0  }
0x68: {  	v63 =	vimm.s32 $0x0;
	v49 =	vimm.s32 $0x0;
	vm15 =	vgt.f32 v25, v29  }
0x69: {  	vm11 =	vgt.f32 v27, v38;
	v50 =	vimm.s32 $0x0;
	v51 =	vadd.s32 v7, v6  }
0x6a: {  	v53 =	vimm.s32 $0x0;
	v57 =	vimm.s32 $0x0;
	v58 =	vimm.s32 $0x0  }
0x6b: {  	v17 =	vsel vm4, v17, v24;
	v45 =	vsel vm10, $0xFFFFFFFF, v59;
	v42 =	vsel vm10, v25, v42  }
0x6c: {  	v38 =	vsel vm11, v27, v38;
	v25 =	vsel vm15, v25, v29;
	vm5 =	vgt.f32 v37, v41  }
0x6d: {  	v39 =	vld.idx.msk [tilespmem:v39+s2+$0x0], $0xffff;
	vm6 =	vgt.f32 v37, v33;
	v38 =	vsel vm0, v31, v38;
	v56 =	vsel vm15, v29, v42  }
0x6e: {  	[tilespmem:$0x1FEB0] =	vst v45;
	v45 =	vsel vm5, $0xFFFFFFFF, v61;
	vm8 =	vgt.f32 v44, v36;
	vm7 =	vgt.f32 v44, v20  }
0x6f: {  	v33 =	vsel vm6, v37, v33;
	v55 =	vsel vm5, v37, v41;
	v61 =	vsel vm0, v27, v31  }
0x70: {  	[tilespmem:$0x1FEF0] =	vst v45;
	v45 =	vsel vm6, $0xFFFFFFFF, v62;
	v20 =	vsel vm7, v44, v20;
	v52 =	vsel vm8, v44, v36;
	v48 =	vld.idx.msk [tilespmem:v46+s2+$0x0], $0xffff  }
0x71: {  	v33 =	vsel vm5, v41, v33;
	[tilespmem:$0x1FEC0] =	vst v45;
	v45 =	vsel vm8, $0xFFFFFFFF, v63;
	v46 =	vsel vm7, $0xFFFFFFFF, v49;
	v54 =	vld.idx.msk [tilespmem:v60+s2+$0x0], $0xffff  }
0x72: {  	vm7 =	vgt.f32 v39, v33;
	v20 =	vsel vm8, v36, v20;
	v60 =	vimm.s32 $0x0;
	[tilespmem:$0x1FED0] =	vst v46;
	v46 =	vld.idx.msk [tilespmem:v47+s2+$0x0], $0xffff  }
0x73: {  	v7 =	vld.idx.msk [tilespmem:v51+s2+$0x0], $0xffff;
	v49 =	vimm.s32 $0x0;
	v51 =	vimm.s32 $0x0;
	v47 =	vsel vm11, $0xFFFFFFFF, v50  }
0x74: {  	[tilespmem:$0x1FEE0] =	vst v45;
	v33 =	vsel vm7, v39, v33;
	v45 =	vimm.s32 $0x0;
	v50 =	vimm.s32 $0x0  }
0x75: {  	[tilespmem:$0x1FF10] =	vst v47;
	v47 =	vsel vm7, $0xFFFFFFFF, v53;
	v53 =	vimm.s32 $0x0;
	vm12 =	vgt.f32 v48, v20  }
0x76: {  	v40 =	vld.idx.msk [tilespmem:v40+s2+$0x0], $0xffff;
	vm13 =	vgt.f32 v48, v52;
	vm10 =	vgt.f32 v54, v38;
	v42 =	vsel vm12, $0xFFFFFFFF, v57  }
0x77: {  	v20 =	vsel vm12, v48, v20;
	vm14 =	vgt.f32 v46, v56;
	v59 =	vsel vm13, v48, v52  }
0x78: {  	vm9 =	vmmov vm13;
	v43 =	vsel vm13, $0xFFFFFFFF, v60;
	vm13 =	vgt.f32 v54, v61  }
0x79: {  	vm12 =	vgt.f32 v46, v25;
	v37 =	vsel vm10, $0xFFFFFFFF, v49;
	v36 =	vsel vm10, v54, v38  }
0x7a: {  	v23 =	vld.idx.msk [tilespmem:v23+s2+$0x0], $0xffff;
	v57 =	vimm.s32 $0x0;
	[tilespmem:$0x1FF00] =	vst v42;
	v42 =	vsel vm14, $0xFFFFFFFF, v58;
	v62 =	vsel vm14, v46, v56  }
0x7b: {  	vm14 =	vgt.f32 v39, v55;
	vm5 =	vgt.f32 v40, v59;
	v48 =	vsel vm13, v54, v61  }
0x7c: {  	v28 =	vld.idx.msk [tilespmem:v28+s2+$0x0], $0xffff;
	v20 =	vsel vm9, v52, v20;
	v27 =	vsel vm13, v61, v36;
	v54 =	vimm.s32 $0x0  }
0x7d: {  	[tilespmem:$0x1FF40] =	vst v47;
	v58 =	vimm.s32 $0x0;
	v61 =	vimm.s32 $0x0;
	v39 =	vsel vm14, v39, v55  }
0x7e: {  	[tilespmem:$0x1FF80] =	vst v43;
	v63 =	vsel vm5, v40, v59;
	v43 =	vsel vm5, $0xFFFFFFFF, v45;
	v47 =	vsel vm14, v55, v33  }
0x7f: {  	v31 =	vsel vm12, v25, v62;
	v25 =	vsel vm12, v46, v25;
	vm10 =	vgt.f32 v23, v27  }
0x80: {  	vm8 =	vgt.f32 v23, v48;
	v55 =	vimm.s32 $0x0;
	vm11 =	vgt.f32 v7, v31  }
0x81: {  	vm9 =	vgt.f32 v28, v47;
	v29 =	vsel vm10, $0xFFFFFFFF, v53;
	v27 =	vsel vm10, v23, v27  }
0x82: {  	[tilespmem:$0x1FF30] =	vst v37;
	vm10 =	vgt.f32 v40, v20;
	v23 =	vsel vm8, v23, v48;
	v37 =	vsel vm11, $0xFFFFFFFF, v50  }
0x83: {  	v31 =	vsel vm11, v7, v31;
	vm11 =	vgt.f32 v7, v25;
	v52 =	vsel vm9, v28, v47  }
0x84: {  	[tilespmem:$0x1FF70] =	vst v29;
	v29 =	vsel vm10, $0xFFFFFFFF, v54;
	v27 =	vsel vm8, v48, v27;
	v20 =	vsel vm10, v40, v20  }
0x85: {  	v31 =	vsel vm11, v25, v31;
	v7 =	vsel vm11, v7, v25;
	v25 =	vsel vm9, $0xFFFFFFFF, v51  }
0x86: {  	vm9 =	vgt.f32 v28, v39;
	v20 =	vsel vm5, v59, v20;
	v59 =	vimm.s32 $0x0  }
0x87: {  	[tilespmem:$0x1FF60] =	vst v25;
	v25 =	vsel vm9, v39, v52;
	vm10 =	vge.f32 v7, v23;
	vm5 =	vge.f32 v31, v23  }
0x88: {  	[tilespmem:$0x1FF90] =	vst v29;
	v28 =	vsel vm9, v28, v39;
	v29 =	vsel vm5, $0xFFFFFFFF, v55;
	v56 =	vsel vm10, v7, v23  }
0x89: {  	v23 =	vsel vm5, v31, v23;
	vm5 =	vge.f32 v7, v27;
	vm6 =	vge.f32 v28, v20  }
0x8a: {  	vm7 =	vge.f32 v28, v63;
	v31 =	vsel vm5, $0xFFFFFFFF, v57;
	v7 =	vsel vm5, v7, v27  }
0x8b: {  	vm5 =	vge.f32 v25, v63;
	v20 =	vsel vm6, v28, v20;
	v60 =	vsel vm7, v28, v63  }
0x8c: {  	v27 =	vsel vm5, $0xFFFFFFFF, v58;
	v25 =	vsel vm5, v25, v63;
	v7 =	vsel vm10, v23, v7  }
0x8d: {  	v63 =	vsel vm4, v24, v34;
	v20 =	vsel vm7, v25, v20;
	vm5 =	vge.f32 v7, v60  }
0x8e: {  	[tilespmem:$0x1FFD0] =	vst v27;
	v27 =	vsel vm6, $0xFFFFFFFF, v59;
	v25 =	vsel vm5, $0xFFFFFFFF, v61;
	vm6 =	vge.f32 v56, v20  }
0x8f: {  	v24 =	vld [tilespmem:$0x1FEB0];
	v7 =	vsel vm5, v7, v60;
	vm5 =	vge.f32 v56, v60;
	v20 =	vsel vm6, v56, v20  }
0x90: {  	v23 =	vsel vm5, v56, v60;
	v7 =	vsel vm5, v7, v20  }
0x91: {  	[tilespmem:$0x1FFE0] =	vst v27;
	v27 =	vld [tilespmem:$0x1FED0];
	v7 =	vsub.f32 v7, v23  }
0x92: {  	v28 =	vld [tilespmem:$0x1FEE0]  }
0x93: {  	v7 =	vmul.f32 $1.442695020e+00, v7  }
0x94: {  	v62 =	vsel vm3, v13, v35;
	vm3 =	vnez.u8 v24  }
0x95: {  	v38 =	vld [tilespmem:$0x1FF40];
	(erf) = vpow2.f32 v7;
	v7 =	vsel vm3, v16, v62  }
0x96: {  	[tilespmem:$0x1FFF0] =	vst v25;
	v25 =	vld [tilespmem:$0x1FEC0];
	v7 =	vsel vm15, v26, v7;
	v26 =	vsel vm15, v16, v26;
	vm15 =	vnez.u8 v27  }
0x97: {  	v33 =	vld [tilespmem:$0x1FF00];
	vm4 =	vnez.u8 v28;
	v20 =	vsel vm15, v19, v32  }
0x98: {  	v11 =	vsel vm1, v11, v18;
	[tilespmem:$0x1FFB0] =	vst v29;
	v18 =	vsel vm4, v19, v30;
	v29 =	vsel vm4, v30, v20;
	v30 =	vld [tilespmem:$0x1FEF0]  }
0x99: {  	[tilespmem:$0x1FF20] =	vst v42;
	v34 =	vld [tilespmem:$0x1FF10]  }
0x9a: {  	v2 =	vshll.u32 v2, $0x1;
	v11 =	vsel vm2, v14, v11;
	v35 =	vsel vm0, v9, v21;
	[tilespmem:$0x1FFA0] =	vst v43;
	v36 =	vld [tilespmem:$0x1FF20]  }
0x9b: {  	v43 =	vsel vm13, v10, v35;
	v53 =	vor.u32 $0x1, v2;
	[tilespmem:$0x1FF50] =	vst v37;
	v37 =	vld [tilespmem:$0x1FF30];
	vm3 =	vnez.u8 v25  }
0x9c: {  	v47 =	vld [tilespmem:$0x1FF80];
	v49 =	vsel vm8, v4, v43;
	v13 =	vsel vm3, v15, v63;
	v40 =	vsel vm12, v8, v26  }
0x9d: {  	v41 =	vld [tilespmem:$0x1FF50];
	vm4 =	vnez.u8 v33;
	v44 =	vsel vm11, v6, v40;
	vm15 =	vnez.u8 v30  }
0x9e: {  	v45 =	vld [tilespmem:$0x1FF70];
	[tilespmem:$0x1FFC0] =	vst v31;
	v13 =	vsel vm15, v17, v13;
	v31 =	vsel vm15, v15, v17;
	vm15 =	vnez.u8 v34  }
0x9f: {  	v42 =	vld [tilespmem:$0x1FF60];
	v32 =	vpop (erf);
	v17 =	vsel vm4, v22, v29;
	vm4 =	vnez.u8 v36;
	v11 =	vsel vm15, v9, v11  }
0xa0: {  	v55 =	vld [tilespmem:$0x1FFC0];
	v14 =	vadd.f32 $1.000000000e+00, v32;
	v7 =	vsel vm4, v8, v7;
	vm15 =	vnez.u8 v37  }
0xa1: {  	v54 =	vld [tilespmem:$0x1FFB0];
	vm4 =	vnez.u8 v38;
	v39 =	vsel vm14, v12, v31;
	v11 =	vsel vm0, v21, v11  }
0xa2: {  	v59 =	vld [tilespmem:$0x1FFD0];
	v13 =	vsel vm4, v12, v13;
	v7 =	vsel vm12, v26, v7;
	vm12 =	vnez.u8 v41  }
0xa3: {  	v60 =	vld [tilespmem:$0x1FFE0];
	vm4 =	vnez.u8 v47;
	v11 =	vsel vm15, v10, v11;
	(erf) = vrcp.f32 v14  }
0xa4: {  	v51 =	vld [tilespmem:$0x1FFA0];
	v13 =	vsel vm14, v31, v13;
	v7 =	vsel vm12, v6, v7;
	vm14 =	vnez.u8 v42  }
0xa5: {  	v50 =	vld [tilespmem:$0x1FF90];
	vm15 =	vnez.u8 v45;
	v48 =	vsel vm4, v18, v17;
	vm12 =	vnez.u8 v55  }
0xa6: {  	v13 =	vsel vm14, v3, v13;
	v9 =	vsel vm13, v35, v11;
	v7 =	vsel vm11, v40, v7  }
0xa7: {  	v3 =	vsel vm9, v3, v39;
	v11 =	vsel vm4, v22, v18;
	vm11 =	vnez.u8 v54  }
0xa8: {  	vm13 =	vnez.u8 v59;
	vm14 =	vnez.u8 v60;
	v8 =	vsel vm15, v4, v9  }
0xa9: {  	v63 =	vld [tilespmem:$0x1FFF0];
	v46 =	vsel vm9, v39, v13;
	vm9 =	vnez.u8 v51;
	v7 =	vsel vm11, v7, v49  }
0xaa: {  	v4 =	vsel vm10, v44, v49;
	v8 =	vsel vm8, v43, v8;
	vm8 =	vnez.u8 v50  }
0xab: {  	s15 =	sadd.s32 $0x1, s15;
	v52 =	vsel vm9, v5, v11;
	v10 =	vsel vm8, v5, v48;
	v8 =	vsel vm12, v44, v8  }
0xac: {  	p0 =	sne.s32 s15, $0x8;
	v57 =	vsel vm7, v3, v52;
	v5 =	vsel vm13, v46, v52;
	v10 =	vsel vm9, v11, v10;
	v58 =	vpop (erf)  }
.Ltmp1:
0xad: {  	v56 =	vsel vm10, v7, v8;
	v3 =	vsel vm14, v3, v10;
	v61 =	vsub.f32 $1.000000000e+00, v58;
	(pc) =	sbr.rel @p0 .LBB2_2-.Ltmp1, $4  }
0xae: {  	vm15 =	vnez.u8 v63;
	v62 =	vsel vm5, v4, v57;
	v3 =	vsel vm7, v5, v3;
	[tilespmem:v2+s10+$0x0] =	vst.idx.msk $0xffff, v58  }
0xaf: {  	v6 =	vsel vm15, v56, v57;
	v3 =	vsel vm6, v4, v3;
	[tilespmem:v53+s10+$0x0] =	vst.idx.msk $0xffff, v61  }
0xb0: {  	v3 =	vsel vm5, v6, v3;
	[tilespmem:v2+s11+$0x0] =	vst.idx.msk $0xffff, v62  }
0xb1: {  	[tilespmem:v53+s11+$0x0] =	vst.idx.msk $0xffff, v3  }
0xb2: {  	_ =	swait.ge [sflag:s12], $0x4000  }
0xb3: {  	[sflag:s12] =	ssyncset.done $0x0  }
0xb4: {  	s15 =	simm.s32 $0x0;
	s16 =	simm.s32 $0x0;
	[sflag:s12] =	ssyncadd.s32 $0xFFFFC000  }
.LBB2_6:
0xb5: {  	s17 =	sshll.u32 s16, $0x4  }
0xb6: {  	v3 =	vmul.u32 $0x80, v0;
	v4 =	vadd.s32 s15, v0;
	v2 =	vmov s17  }
0xb7: {  	v5 =	vadd.s32 s15, v1;
	vm0 =	vgt.u32 v4, $0xF;
	v2 =	vshll.u32 v2, $0x7  }
0xb8: {  	v13 =	vsel vm0, v5, v4;
	v6 =	vor.u32 v3, v2  }
0xb9: {  	v10 =	vadd.s32 $0x10, v13;
	v2 =	vadd.s32 v6, v13  }
0xba: {  	s18 =	simm.s32 $0x1;
	v19 =	vimm.f32 $-3.000000010e+38;
	v17 =	vadd.s32 $0x30, v13;
	v4 =	vadd.s32 v6, v10  }
0xbb: {  	v3 =	vadd.s32 s18, v0;
	v16 =	vadd.s32 $0x20, v13;
	v5 =	vadd.s32 v6, v17  }
0xbc: {  	s19 =	simm.s32 $0x2;
	v7 =	vadd.s32 s18, v1;
	vm0 =	vgt.u32 v3, $0xF;
	v9 =	vadd.s32 v6, v16  }
0xbd: {  	v12 =	vimm.s32 $0x0;
	v11 =	vadd.s32 s19, v1;
	v15 =	vsel vm0, v7, v3  }
0xbe: {  	s31 =	simm.s32 $0x3;
	v7 =	vadd.s32 s19, v0;
	v21 =	vadd.s32 v6, v15;
	v14 =	vadd.s32 $0x20, v15;
	v3 =	vld.idx.msk [tilespmem:v2+s8+$0x0], $0xffff  }
0xbf: {  	v18 =	vadd.s32 s31, v1;
	vm0 =	vgt.u32 v7, $0xF;
	v32 =	vadd.s32 v6, v14;
	v4 =	vld.idx.msk [tilespmem:v4+s8+$0x0], $0xffff  }
0xc0: {  	v8 =	vadd.s32 $0x10, v15;
	v7 =	vsel vm0, v11, v7;
	v2 =	vadd.s32 s31, v0;
	v23 =	vld.idx.msk [tilespmem:v5+s8+$0x0], $0xffff  }
0xc1: {  	v20 =	vadd.s32 v6, v8;
	v11 =	vadd.s32 $0x20, v7;
	v31 =	vld.idx.msk [tilespmem:v9+s8+$0x0], $0xffff;
	vm1 =	vgt.u32 v2, $0xF  }
0xc2: {  	v9 =	vadd.s32 $0x10, v7;
	v38 =	vadd.s32 v6, v11;
	v5 =	vsel vm1, v18, v2  }
0xc3: {  	v18 =	vadd.s32 $0x30, v15;
	v24 =	vld.idx.msk [tilespmem:v21+s8+$0x0], $0xffff;
	v21 =	vadd.s32 $0x30, v7;
	v2 =	vadd.s32 $0x20, v5  }
0xc4: {  	v43 =	vadd.s32 v6, v18;
	v36 =	vld.idx.msk [tilespmem:v32+s8+$0x0], $0xffff;
	v32 =	vimm.f32 $-3.000000010e+38;
	v27 =	vadd.s32 v6, v2  }
0xc5: {  	vm3 =	vgt.f32 v3, v19;
	vm1 =	vgt.f32 v4, v19;
	vm5 =	vgt.f32 v23, v19  }
0xc6: {  	vm4 =	vgt.f32 v31, v19;
	v28 =	vsel vm3, v3, v19;
	v3 =	vadd.s32 $0x10, v5  }
0xc7: {  	v25 =	vsel vm3, v13, v12;
	v30 =	vsel vm1, v4, v19;
	v4 =	vadd.s32 $0x30, v5  }
0xc8: {  	v26 =	vld.idx.msk [tilespmem:v20+s8+$0x0], $0xffff;
	v20 =	vsel vm1, v10, v12;
	v42 =	vsel vm4, v31, v19;
	v44 =	vsel vm5, v23, v19  }
0xc9: {  	v35 =	vsel vm5, v23, v19;
	v33 =	vsel vm4, v16, v12;
	v29 =	vsel vm5, v17, v12  }
0xca: {  	v34 =	vsel vm3, v13, v12;
	v40 =	vsel vm4, v31, v19;
	v23 =	vimm.s32 $0x0  }
0xcb: {  	v17 =	vimm.s32 $0x0;
	vm2 =	vmmov vm1;
	v13 =	vimm.s32 $0x0  }
0xcc: {  	v22 =	vadd.s32 v6, v3;
	v41 =	vsel vm3, v19, v28;
	v37 =	vsel vm1, v19, v30  }
0xcd: {  	s18 =	simm.s32 $0x4;
	v39 =	vadd.s32 v6, v4;
	v31 =	vsel vm5, v12, v29;
	vm0 =	vgt.f32 v26, v30;
	v43 =	vld.idx.msk [tilespmem:v43+s8+$0x0], $0xffff  }
.LBB2_7:
0xce: {  	p0 =	slt.u32 s18, $0xC;
	v12 =	vsel vm3, v12, v34;
	v34 =	vadd.s32 v6, v9;
	v45 =	vadd.s32 v6, v21;
	s20 =	smov.u32 s18;
	s18 =	sadd.s32 $0x4, s18  }
0xcf: {  	v33 =	vsel vm4, v23, v33;
	v19 =	vsel vm5, v19, v44;
	vm3 =	vgt.f32 v24, v41  }
0xd0: {  	v16 =	vsel vm4, v16, v23;
	v23 =	vsel vm3, v24, v41;
	v12 =	vsel vm3, v15, v12;
	v38 =	vld.idx.msk [tilespmem:v38+s8+$0x0], $0xffff  }
0xd1: {  	v32 =	vsel vm4, v32, v42;
	v41 =	vadd.s32 v6, v7;
	vm6 =	vgt.f32 v36, v40  }
0xd2: {  	vm5 =	vgt.f32 v36, v32;
	vm3 =	vgt.f32 v43, v35;
	vm8 =	vgt.f32 v43, v19  }
0xd3: {  	vm4 =	vgt.f32 v24, v28;
	v32 =	vsel vm5, v36, v32;
	v19 =	vsel vm8, v43, v19;
	v42 =	vld.idx.msk [tilespmem:v45+s8+$0x0], $0xffff  }
0xd4: {  	v12 =	vsel vm4, v25, v12;
	v33 =	vsel vm5, v14, v33;
	v43 =	vsel vm3, v43, v35;
	v34 =	vld.idx.msk [tilespmem:v34+s8+$0x0], $0xffff  }
0xd5: {  	v15 =	vsel vm4, v15, v25;
	v32 =	vsel vm6, v40, v32;
	v44 =	vsel vm3, v18, v29  }
0xd6: {  	vm7 =	vgt.f32 v26, v37;
	s19 =	sadd.s32 $0x3, s20;
	v33 =	vsel vm6, v16, v33;
	vm5 =	vgt.f32 v38, v32;
	v41 =	vld.idx.msk [tilespmem:v41+s8+$0x0], $0xffff  }
0xd7: {  	v37 =	vsel vm7, v26, v37;
	v25 =	vadd.s32 s19, v0;
	v18 =	vsel vm8, v18, v31;
	v39 =	vld.idx.msk [tilespmem:v39+s8+$0x0], $0xffff  }
0xd8: {  	v10 =	vsel vm1, v10, v17;
	v17 =	vsel vm0, v30, v37;
	v18 =	vsel vm3, v29, v18  }
0xd9: {  	v29 =	vsel vm6, v36, v40;
	v19 =	vsel vm3, v35, v19;
	vm3 =	vgt.f32 v42, v43  }
0xda: {  	v23 =	vsel vm4, v28, v23;
	v35 =	vsel vm0, v8, v20;
	vm1 =	vgt.f32 v42, v19  }
0xdb: {  	v14 =	vsel vm6, v14, v16;
	v16 =	vsel vm1, v42, v19;
	v36 =	vsel vm3, v42, v43  }
0xdc: {  	v37 =	vadd.s32 v6, v5;
	vm6 =	vgt.f32 v38, v29;
	vm8 =	vgt.f32 v41, v23  }
0xdd: {  	v10 =	vsel vm2, v13, v10;
	v13 =	vsel vm1, v21, v18;
	vm1 =	vgt.f32 v39, v36;
	v18 =	vld.idx.msk [tilespmem:v27+s8+$0x0], $0xffff  }
0xde: {  	v26 =	vsel vm0, v26, v30;
	v23 =	vsel vm8, v41, v23;
	v27 =	vsel vm5, v38, v32  }
0xdf: {  	v8 =	vsel vm7, v8, v10;
	vm2 =	vgt.f32 v34, v17;
	v21 =	vsel vm3, v21, v44  }
0xe0: {  	v10 =	vsel vm6, v38, v29;
	v19 =	vsel vm1, v39, v36;
	v31 =	vsel vm1, v4, v21  }
0xe1: {  	v8 =	vsel vm0, v20, v8;
	v20 =	vsel vm6, v11, v14;
	v12 =	vsel vm8, v7, v12;
	v30 =	vld.idx.msk [tilespmem:v37+s8+$0x0], $0xffff  }
0xe2: {  	vm0 =	vgt.f32 v34, v26;
	v8 =	vsel vm2, v9, v8;
	v27 =	vsel vm6, v29, v27  }
0xe3: {  	v11 =	vsel vm5, v11, v33;
	v9 =	vsel vm0, v9, v35;
	vm5 =	vgt.f32 v18, v10  }
0xe4: {  	v24 =	vsel vm4, v24, v28;
	v11 =	vsel vm6, v14, v11;
	v28 =	vsel vm0, v34, v26  }
0xe5: {  	v14 =	vsel vm2, v34, v17;
	vm4 =	vgt.f32 v41, v24;
	vm2 =	vgt.f32 v18, v27  }
0xe6: {  	v16 =	vsel vm3, v43, v16;
	v7 =	vsel vm4, v7, v15;
	v17 =	vsel vm4, v24, v23;
	v22 =	vld.idx.msk [tilespmem:v22+s8+$0x0], $0xffff  }
0xe7: {  	v12 =	vsel vm4, v15, v12;
	v15 =	vsel vm4, v41, v24;
	vm4 =	vgt.f32 v30, v17  }
0xe8: {  	vm6 =	vgt.f32 v30, v15;
	v17 =	vsel vm4, v30, v17;
	v12 =	vsel vm4, v5, v12  }
0xe9: {  	v29 =	vsel vm6, v30, v15;
	v24 =	vsel vm6, v15, v17;
	v34 =	vsel vm6, v7, v12  }
0xea: {  	v12 =	vsel vm6, v5, v7;
	v5 =	vsel vm2, v18, v27;
	v7 =	vsel vm2, v2, v11  }
0xeb: {  	v11 =	vsel vm0, v26, v14;
	v33 =	vsel vm5, v10, v5;
	v40 =	vsel vm5, v20, v7  }
0xec: {  	s21 =	sadd.s32 $0x1, s20;
	s22 =	sadd.s32 $0x2, s20;
	v32 =	vsel vm5, v18, v10;
	vm6 =	vgt.f32 v22, v28;
	vm7 =	vgt.f32 v22, v11  }
0xed: {  	v5 =	vadd.s32 s21, v0;
	v7 =	vadd.s32 s22, v0;
	v37 =	vsel vm6, v22, v28  }
0xee: {  	v8 =	vsel vm0, v35, v8;
	vm4 =	vgt.u32 v5, $0xF;
	vm2 =	vgt.u32 v7, $0xF  }
0xef: {  	v23 =	vsel vm5, v2, v20;
	v10 =	vsel vm7, v22, v11;
	v8 =	vsel vm7, v3, v8  }
0xf0: {  	v2 =	vadd.s32 s20, v0;
	v11 =	vsel vm3, v44, v13;
	v13 =	vsel vm6, v3, v9  }
0xf1: {  	vm0 =	vgt.u32 v2, $0xF;
	v3 =	vadd.s32 s20, v1;
	v20 =	vsel vm6, v28, v10  }
0xf2: {  	v45 =	vsel vm0, v3, v2;
	v17 =	vsel vm6, v9, v8;
	vm0 =	vgt.f32 v39, v16  }
0xf3: {  	v2 =	vadd.s32 v6, v45;
	v43 =	vadd.s32 $0x30, v45;
	v3 =	vsel vm0, v39, v16  }
0xf4: {  	v10 =	vadd.s32 $0x10, v45;
	v4 =	vsel vm0, v4, v11;
	v9 =	vadd.s32 v6, v43  }
0xf5: {  	v8 =	vadd.s32 s21, v1;
	v16 =	vadd.s32 $0x20, v45;
	v11 =	vadd.s32 v6, v10  }
0xf6: {  	v15 =	vsel vm4, v8, v5;
	v22 =	vadd.s32 v6, v16;
	v28 =	vsel vm1, v36, v3  }
0xf7: {  	v3 =	vadd.s32 v6, v15;
	v8 =	vadd.s32 $0x10, v15;
	v21 =	vsel vm1, v21, v4  }
0xf8: {  	v36 =	vld.idx.msk [tilespmem:v2+s8+$0x0], $0xffff;
	v2 =	vadd.s32 v6, v8;
	_ =	sdelay $0x1  }
0xf9: {  	v35 =	vld.idx.msk [tilespmem:v11+s8+$0x0], $0xffff  }
0xfa: {  	vm0 =	vgt.u32 v25, $0xF;
	v5 =	vadd.s32 s19, v1;
	v4 =	vadd.s32 s22, v1;
	v39 =	vld.idx.msk [tilespmem:v9+s8+$0x0], $0xffff  }
0xfb: {  	v14 =	vadd.s32 $0x20, v15;
	v5 =	vsel vm0, v5, v25;
	v7 =	vsel vm2, v4, v7  }
0xfc: {  	v18 =	vadd.s32 $0x30, v15;
	v9 =	vadd.s32 $0x10, v7;
	v26 =	vld.idx.msk [tilespmem:v2+s8+$0x0], $0xffff;
	v2 =	vadd.s32 $0x20, v5  }
0xfd: {  	vm3 =	vgt.f32 v36, v29;
	vm6 =	vgt.f32 v36, v24;
	v46 =	vld.idx.msk [tilespmem:v22+s8+$0x0], $0xffff;
	v27 =	vadd.s32 v6, v2  }
0xfe: {  	v11 =	vadd.s32 $0x20, v7;
	v4 =	vsel vm6, v36, v24;
	v24 =	vld.idx.msk [tilespmem:v3+s8+$0x0], $0xffff;
	v3 =	vadd.s32 $0x10, v5  }
0xff: {  	v38 =	vadd.s32 v6, v11;
	vm2 =	vgt.f32 v35, v37;
	v22 =	vadd.s32 v6, v3  }
0x100: {  	v47 =	vadd.s32 v6, v14;
	v41 =	vsel vm3, v29, v4;
	vm1 =	vgt.f32 v35, v20  }
0x101: {  	v25 =	vsel vm3, v45, v12;
	v4 =	vadd.s32 $0x30, v5;
	v30 =	vsel vm2, v35, v37  }
0x102: {  	v49 =	vadd.s32 v6, v18;
	v48 =	vsel vm1, v35, v20;
	vm5 =	vgt.f32 v39, v19  }
0x103: {  	v20 =	vsel vm2, v10, v13;
	vm4 =	vgt.f32 v39, v28;
	vm0 =	vgt.f32 v46, v33  }
.Ltmp2:
0x104: {  	v44 =	vsel vm4, v39, v28;
	v35 =	vsel vm5, v39, v19;
	v42 =	vsel vm0, v46, v33;
	(pc) =	sbr.rel @p0 .LBB2_7-.Ltmp2, $4  }
0x105: {  	v28 =	vsel vm3, v36, v29;
	v37 =	vsel vm2, v37, v48;
	v33 =	vsel vm0, v16, v40  }
0x106: {  	v48 =	vsel vm4, v43, v21;
	v39 =	vadd.s32 v6, v4;
	vm0 =	vgt.f32 v26, v30;
	v36 =	vld.idx.msk [tilespmem:v47+s8+$0x0], $0xffff  }
0x107: {  	v29 =	vsel vm5, v43, v31;
	v21 =	vadd.s32 $0x30, v7;
	vm4 =	vgt.f32 v46, v32;
	v43 =	vld.idx.msk [tilespmem:v49+s8+$0x0], $0xffff  }
0x108: {  	v34 =	vsel vm6, v45, v34;
	v31 =	vsel vm5, v31, v48;
	v40 =	vsel vm4, v46, v32  }
0x109: {  	v45 =	vadd.s32 v6, v21  }
0x10a: {  	v46 =	vadd.s32 v6, v7;
	v19 =	vsel vm5, v19, v44;
	vm10 =	vgt.f32 v24, v41  }
0x10b: {  	v60 =	vimm.s32 $0x0;
	v32 =	vsel vm4, v32, v42;
	v61 =	vadd.s32 v6, v9  }
0x10c: {  	v62 =	vimm.s32 $0x0;
	v63 =	vimm.s32 $0x0;
	v48 =	vimm.s32 $0x0  }
0x10d: {  	v50 =	vimm.s32 $0x0;
	vm15 =	vgt.f32 v24, v28;
	vm11 =	vgt.f32 v26, v37  }
0x10e: {  	v51 =	vimm.s32 $0x0;
	v52 =	vadd.s32 v6, v5;
	v54 =	vimm.s32 $0x0  }
0x10f: {  	v58 =	vimm.s32 $0x0;
	v59 =	vimm.s32 $0x0;
	v47 =	vimm.s32 $0x0  }
0x110: {  	v44 =	vsel vm10, $0xFFFFFFFF, v60;
	v41 =	vsel vm10, v24, v41;
	v37 =	vsel vm11, v26, v37  }
0x111: {  	v38 =	vld.idx.msk [tilespmem:v38+s8+$0x0], $0xffff;
	v24 =	vsel vm15, v24, v28;
	vm5 =	vgt.f32 v36, v40;
	vm6 =	vgt.f32 v36, v32  }
0x112: {  	[tilespmem:$0x1FD60] =	vst v44;
	v37 =	vsel vm0, v30, v37;
	v57 =	vsel vm15, v28, v41;
	v44 =	vsel vm5, $0xFFFFFFFF, v62  }
0x113: {  	vm8 =	vgt.f32 v43, v35;
	vm7 =	vgt.f32 v43, v19;
	v32 =	vsel vm6, v36, v32  }
0x114: {  	v56 =	vsel vm5, v36, v40;
	v62 =	vsel vm0, v26, v30;
	[tilespmem:$0x1FDA0] =	vst v44;
	v44 =	vsel vm6, $0xFFFFFFFF, v63;
	v49 =	vld.idx.msk [tilespmem:v45+s8+$0x0], $0xffff  }
0x115: {  	v19 =	vsel vm7, v43, v19;
	v32 =	vsel vm5, v40, v32;
	[tilespmem:$0x1FD70] =	vst v44;
	v45 =	vsel vm7, $0xFFFFFFFF, v50;
	v55 =	vld.idx.msk [tilespmem:v61+s8+$0x0], $0xffff  }
0x116: {  	v53 =	vsel vm8, v43, v35;
	v44 =	vsel vm8, $0xFFFFFFFF, v48;
	vm7 =	vgt.f32 v38, v32;
	[tilespmem:$0x1FD80] =	vst v45;
	v45 =	vld.idx.msk [tilespmem:v46+s8+$0x0], $0xffff  }
0x117: {  	v19 =	vsel vm8, v35, v19;
	v61 =	vimm.s32 $0x0;
	v50 =	vimm.s32 $0x0  }
0x118: {  	v6 =	vld.idx.msk [tilespmem:v52+s8+$0x0], $0xffff;
	v52 =	vimm.s32 $0x0;
	v46 =	vsel vm11, $0xFFFFFFFF, v51;
	v32 =	vsel vm7, v38, v32  }
0x119: {  	v51 =	vimm.s32 $0x0;
	[tilespmem:$0x1FDC0] =	vst v46;
	v46 =	vsel vm7, $0xFFFFFFFF, v54;
	v54 =	vimm.s32 $0x0  }
0x11a: {  	v39 =	vld.idx.msk [tilespmem:v39+s8+$0x0], $0xffff;
	vm12 =	vgt.f32 v49, v19;
	vm13 =	vgt.f32 v49, v53;
	vm9 =	vgt.f32 v55, v37  }
0x11b: {  	v41 =	vsel vm12, $0xFFFFFFFF, v58;
	v19 =	vsel vm12, v49, v19;
	vm14 =	vgt.f32 v45, v57  }
0x11c: {  	v60 =	vsel vm13, v49, v53;
	vm11 =	vmmov vm13;
	v42 =	vsel vm13, $0xFFFFFFFF, v61  }
0x11d: {  	vm13 =	vgt.f32 v38, v56;
	vm12 =	vgt.f32 v45, v24;
	v36 =	vsel vm9, $0xFFFFFFFF, v50  }
0x11e: {  	v27 =	vld.idx.msk [tilespmem:v27+s8+$0x0], $0xffff;
	v35 =	vsel vm9, v55, v37;
	v58 =	vimm.s32 $0x0;
	[tilespmem:$0x1FDB0] =	vst v41;
	v41 =	vsel vm14, $0xFFFFFFFF, v59  }
0x11f: {  	v63 =	vsel vm14, v45, v57;
	vm5 =	vgt.f32 v39, v60;
	v38 =	vsel vm13, v38, v56  }
0x120: {  	v48 =	vsel vm13, v56, v32;
	vm14 =	vgt.f32 v55, v62;
	v19 =	vsel vm11, v53, v19  }
0x121: {  	[tilespmem:$0x1FDF0] =	vst v46;
	v56 =	vimm.s32 $0x0;
	v59 =	vimm.s32 $0x0;
	v46 =	vsel vm5, v39, v60  }
0x122: {  	v22 =	vld.idx.msk [tilespmem:v22+s8+$0x0], $0xffff;
	[tilespmem:$0x1FE30] =	vst v42;
	v42 =	vsel vm5, $0xFFFFFFFF, v47;
	v49 =	vsel vm14, v55, v62;
	v30 =	vsel vm12, v24, v63  }
0x123: {  	v24 =	vsel vm12, v45, v24;
	vm11 =	vgt.f32 v27, v48;
	v26 =	vsel vm14, v62, v35  }
0x124: {  	vm8 =	vgt.f32 v27, v38;
	v55 =	vimm.s32 $0x0;
	v62 =	vimm.s32 $0x0  }
0x125: {  	vm10 =	vgt.f32 v6, v30;
	vm9 =	vgt.f32 v6, v24;
	v53 =	vsel vm11, v27, v48  }
0x126: {  	[tilespmem:$0x1FDE0] =	vst v36;
	v27 =	vsel vm8, v27, v38;
	v36 =	vsel vm10, $0xFFFFFFFF, v51;
	v30 =	vsel vm10, v6, v30  }
0x127: {  	v6 =	vsel vm9, v6, v24;
	vm10 =	vgt.f32 v22, v26;
	vm7 =	vge.f32 v27, v46  }
0x128: {  	v30 =	vsel vm9, v24, v30;
	v24 =	vsel vm11, $0xFFFFFFFF, v52;
	v28 =	vsel vm10, $0xFFFFFFFF, v54  }
0x129: {  	v26 =	vsel vm10, v22, v26;
	vm10 =	vgt.f32 v22, v49;
	vm11 =	vgt.f32 v39, v19;
	[tilespmem:$0x1FE10] =	vst v24  }
0x12a: {  	v61 =	vsel vm7, v27, v46;
	v24 =	vsel vm8, v38, v53;
	[tilespmem:$0x1FE20] =	vst v28;
	v28 =	vsel vm11, $0xFFFFFFFF, v55  }
0x12b: {  	v22 =	vsel vm10, v22, v49;
	v26 =	vsel vm10, v49, v26;
	v19 =	vsel vm11, v39, v19  }
0x12c: {  	v19 =	vsel vm5, v60, v19;
	vm11 =	vge.f32 v6, v22;
	vm5 =	vge.f32 v30, v22  }
0x12d: {  	[tilespmem:$0x1FE40] =	vst v28;
	v60 =	vimm.s32 $0x0;
	v28 =	vsel vm5, $0xFFFFFFFF, v56;
	v57 =	vsel vm11, v6, v22  }
0x12e: {  	v22 =	vsel vm5, v30, v22;
	vm5 =	vge.f32 v6, v26;
	vm6 =	vge.f32 v27, v19  }
0x12f: {  	v30 =	vsel vm5, $0xFFFFFFFF, v58;
	v6 =	vsel vm5, v6, v26;
	vm5 =	vge.f32 v24, v46  }
0x130: {  	v19 =	vsel vm6, v27, v19;
	v24 =	vsel vm5, v24, v46;
	v6 =	vsel vm11, v22, v6  }
0x131: {  	v26 =	vsel vm5, $0xFFFFFFFF, v59;
	v19 =	vsel vm7, v24, v19;
	vm5 =	vge.f32 v6, v61  }
0x132: {  	[tilespmem:$0x1FE80] =	vst v26;
	v26 =	vsel vm6, $0xFFFFFFFF, v60;
	v24 =	vsel vm5, $0xFFFFFFFF, v62;
	vm6 =	vge.f32 v57, v19  }
0x133: {  	v6 =	vsel vm5, v6, v61;
	vm5 =	vge.f32 v57, v61;
	v19 =	vsel vm6, v57, v19  }
0x134: {  	v22 =	vsel vm5, v57, v61;
	v6 =	vsel vm5, v6, v19  }
0x135: {  	v16 =	vsel vm4, v16, v23;
	v6 =	vsub.f32 v6, v22;
	v22 =	vsel vm4, v23, v33;
	v23 =	vld [tilespmem:$0x1FD60]  }
0x136: {  	[tilespmem:$0x1FD90] =	vst v44  }
0x137: {  	[tilespmem:$0x1FE90] =	vst v26;
	v26 =	vld [tilespmem:$0x1FD80]  }
0x138: {  	v27 =	vld [tilespmem:$0x1FD90]  }
0x139: {  	v6 =	vmul.f32 $1.442695020e+00, v6  }
0x13a: {  	v63 =	vsel vm3, v12, v34;
	vm3 =	vnez.u8 v23  }
0x13b: {  	v37 =	vld [tilespmem:$0x1FDF0];
	(erf) = vpow2.f32 v6;
	v6 =	vsel vm3, v15, v63  }
0x13c: {  	[tilespmem:$0x1FEA0] =	vst v24;
	v24 =	vld [tilespmem:$0x1FD70];
	v6 =	vsel vm15, v25, v6;
	v25 =	vsel vm15, v15, v25;
	vm15 =	vnez.u8 v26  }
0x13d: {  	[tilespmem:$0x1FDD0] =	vst v41;
	vm4 =	vnez.u8 v27;
	v19 =	vsel vm15, v18, v31;
	v31 =	vld [tilespmem:$0x1FDB0]  }
0x13e: {  	v10 =	vsel vm1, v10, v17;
	[tilespmem:$0x1FE60] =	vst v28;
	v17 =	vsel vm4, v18, v29;
	v28 =	vsel vm4, v29, v19;
	v29 =	vld [tilespmem:$0x1FDA0]  }
0x13f: {  	v35 =	vld [tilespmem:$0x1FDD0]  }
0x140: {  	s17 =	sor.u32 $0x80, s17;
	v10 =	vsel vm2, v13, v10;
	v32 =	vld [tilespmem:$0x1FDC0];
	v47 =	vmul.u32 $0x2, v0;
	[tilespmem:$0x1FE50] =	vst v42;
	v33 =	vsel vm0, v8, v20  }
0x141: {  	[tilespmem:$0x1FE00] =	vst v36;
	v36 =	vld [tilespmem:$0x1FDE0];
	v46 =	vmov s17;
	v42 =	vsel vm14, v9, v33;
	vm3 =	vnez.u8 v24  }
0x142: {  	v48 =	vld [tilespmem:$0x1FE30];
	v12 =	vsel vm3, v14, v22;
	v39 =	vsel vm12, v7, v25;
	vm4 =	vnez.u8 v31  }
0x143: {  	v40 =	vld [tilespmem:$0x1FE00];
	v43 =	vsel vm9, v5, v39;
	vm15 =	vnez.u8 v29;
	v13 =	vsel vm4, v21, v28  }
0x144: {  	v41 =	vld [tilespmem:$0x1FE10];
	[tilespmem:$0x1FE70] =	vst v30;
	v34 =	vpop (erf);
	vm4 =	vnez.u8 v35;
	v12 =	vsel vm15, v16, v12;
	v30 =	vsel vm15, v14, v16  }
0x145: {  	v55 =	vld [tilespmem:$0x1FE70];
	vm15 =	vnez.u8 v32;
	v6 =	vsel vm4, v7, v6;
	v16 =	vadd.f32 $1.000000000e+00, v34  }
0x146: {  	v51 =	vld [tilespmem:$0x1FE50];
	vm4 =	vnez.u8 v37;
	v10 =	vsel vm15, v8, v10;
	vm15 =	vnez.u8 v36  }
0x147: {  	v44 =	vld [tilespmem:$0x1FE20];
	v12 =	vsel vm4, v11, v12;
	v38 =	vsel vm13, v11, v30;
	v6 =	vsel vm12, v25, v6  }
0x148: {  	v59 =	vld [tilespmem:$0x1FE80];
	vm12 =	vnez.u8 v40;
	vm4 =	vnez.u8 v48;
	v10 =	vsel vm0, v20, v10  }
0x149: {  	v50 =	vld [tilespmem:$0x1FE40];
	v12 =	vsel vm13, v30, v12;
	(erf) = vrcp.f32 v16;
	v6 =	vsel vm12, v5, v6  }
0x14a: {  	v60 =	vld [tilespmem:$0x1FE90];
	vm13 =	vnez.u8 v41;
	v13 =	vsel vm4, v17, v13;
	vm12 =	vnez.u8 v55  }
0x14b: {  	v10 =	vsel vm15, v9, v10;
	v12 =	vsel vm13, v2, v12;
	v6 =	vsel vm9, v39, v6  }
0x14c: {  	vm15 =	vnez.u8 v44;
	v2 =	vsel vm8, v2, v38;
	vm9 =	vnez.u8 v51  }
0x14d: {  	v54 =	vld [tilespmem:$0x1FE60];
	vm13 =	vnez.u8 v59;
	v8 =	vsel vm14, v33, v10;
	v45 =	vsel vm8, v38, v12  }
0x14e: {  	v12 =	vsel vm4, v21, v17;
	v10 =	vshll.u32 v46, $0x1;
	vm8 =	vnez.u8 v50  }
0x14f: {  	vm14 =	vnez.u8 v60;
	v7 =	vsel vm15, v3, v8;
	v3 =	vsel vm10, v3, v42  }
0x150: {  	v63 =	vld [tilespmem:$0x1FEA0];
	v49 =	vor.u32 v47, v10;
	v10 =	vsel vm8, v4, v13;
	v52 =	vsel vm9, v4, v12  }
0x151: {  	v7 =	vsel vm10, v42, v7;
	v53 =	vor.u32 $0x1, v49;
	v10 =	vsel vm9, v12, v10  }
0x152: {  	s16 =	sadd.s32 $0x1, s16;
	vm10 =	vnez.u8 v54;
	v57 =	vsel vm7, v2, v52;
	v4 =	vsel vm13, v45, v52  }
0x153: {  	p0 =	sne.s32 s16, $0x8;
	v6 =	vsel vm10, v6, v3;
	v7 =	vsel vm12, v43, v7;
	v3 =	vsel vm11, v43, v3;
	v58 =	vpop (erf)  }
.Ltmp3:
0x154: {  	v2 =	vsel vm14, v2, v10;
	v56 =	vsel vm11, v6, v7;
	v61 =	vsub.f32 $1.000000000e+00, v58;
	(pc) =	sbr.rel @p0 .LBB2_6-.Ltmp3, $4  }
0x155: {  	vm15 =	vnez.u8 v63;
	v2 =	vsel vm7, v4, v2;
	v62 =	vsel vm5, v3, v57;
	[tilespmem:v49+s10+$0x0] =	vst.idx.msk $0xffff, v58  }
0x156: {  	v5 =	vsel vm15, v56, v57;
	v2 =	vsel vm6, v3, v2;
	[tilespmem:v53+s10+$0x0] =	vst.idx.msk $0xffff, v61  }
0x157: {  	v2 =	vsel vm5, v5, v2;
	[tilespmem:v49+s11+$0x0] =	vst.idx.msk $0xffff, v62  }
0x158: {  	[tilespmem:v53+s11+$0x0] =	vst.idx.msk $0xffff, v2  }
0x159: {  	[hbm4b:s5+s2] =	stream.linear.scatter [tilespmem:s10], [sflag:$0x3], $0x200, $0x38;
	[tilespmem:$0x8400] =	vst v63  }
0x15a: {  	s14 =	sadd.s32 $0x1, s14;
	_ =	swait.ge [sflag:s13], $0x200  }
0x15b: {  	p0 =	sne.s32 s14, s7;
	[sflag:s13] =	ssyncset.done $0x0  }
.Ltmp4:
0x15c: {  	[sflag:s13] =	ssyncadd.s32 $0xFFFFFE00;
	(pc) =	sbr.rel @p0 .LBB2_1-.Ltmp4, $4  }
0x15d: {  	[hbm4b:s6+s2] =	stream.linear.scatter [tilespmem:s11], [sflag:$0x3], $0x200, $0x38;
	[tilespmem:$0x8400] =	vst v63  }
0x15e: {  	_ =	swait.ge [sflag:s13], $0x200  }
0x15f: {  	[sflag:s13] =	ssyncset.done $0x0  }
0x160: {  	[sflag:s13] =	ssyncadd.s32 $0xFFFFFE00  }
0x161: {  	_ =	sfence.sel $0x180000  }
0x162: {  	[bflag:$0x0] =	sbarrier.arrive $0xFFFF  }
0x163: {  	p0 =	sne.s32 s1, $0x0;
	_ =	strace $0x90000047  }
0x164: {  	s0 =	sadd.s32 @!p0 $0x100000, s0;
	[bflag:$0x2] =	sbarrier.arrive $0xFFFF  }
0x165: {  	[sflag:s0] =	ssyncadd.tile.s32 @!p0 $0x1;
	_ =	shalt  }
.Lfunc_end2:
_tile_overlayer_lowered:
.L_overlay_start_2:
0x166: {  	(tag) =	ssettag $0x2  }
0x167: {  	s0 =	rddreg [dreg:$0x0];
	s2 =	stileid.u32  }
0x168: {  	s1 =	rddreg [dreg:$0x1];
	p0 =	sne.s32 s2, $0x0  }
0x169: {  	s3 =	rddreg [dreg:$0x2];
	[bflag:$0x3] =	sbarrier.arrive $0xFFFF;
	s2 =	simm.s32 @!p0 $0x1C03  }
0x16a: {  	[timem:s3], [sflag:s2] =	dma.local @!p0 [hbm:s0], s1  }
0x16b: {  	s0 =	simm.s32 @!p0 $0x3  }
0x16c: {  	_ =	swait.ge @!p0 [sflag:s0], s1  }
0x16d: {  	s1 =	ssub.s32 @!p0 $0x0, s1;
	[sflag:s0] =	ssyncset.done @!p0 $0x0  }
0x16e: {  	[sflag:s0] =	ssyncadd.s32 @!p0 s1  }
0x16f: {  	[bflag:$0x3] =	sbarrier.arrive $0xFFFF  }
0x170: {  	_ =	shalt  }

</sc_bundles>
